<compile_context>
chip_gen: v7x
topology: tpu7x:2x2x1
jax: 0.10.2.dev20260603
libtpu: 0.0.44.dev20260713+nightly
codegen_flags: <defaults>
</compile_context>

<pallas_src>
import functools

import jax
import jax.numpy as jnp
from jax import lax
from jax.experimental import pallas as pl
from jax.experimental.pallas import tpu as pltpu
from jax.experimental.pallas import tpu_sc as plsc


def _sc_gather(table, flat_idx):
    V, D = table.shape
    N = flat_idx.shape[0]
    info = plsc.get_sparse_core_info()
    NW = info.num_cores * info.num_subcores
    per_w = N // NW
    CH = 256
    n_ch = per_w // CH
    NBUF = 3
    assert per_w % CH == 0 and N % NW == 0

    mesh = plsc.VectorSubcoreMesh(core_axis_name="c", subcore_axis_name="s")

    @functools.partial(
        pl.kernel,
        mesh=mesh,
        out_type=jax.ShapeDtypeStruct((N, D), jnp.float32),
        scratch_types=[
            pltpu.VMEM((per_w,), jnp.int32),
            pltpu.VMEM((NBUF, CH, D), jnp.float32),
            pltpu.SemaphoreType.DMA,
            pltpu.SemaphoreType.DMA((NBUF,)),
            pltpu.SemaphoreType.DMA((NBUF,)),
        ],
    )
    def k(table_hbm, idx_hbm, out_hbm, idx_v, rows_v, sem_i, sem_g, sem_o):
        wid = lax.axis_index("s") * info.num_cores + lax.axis_index("c")
        base = wid * per_w

        pltpu.async_copy(idx_hbm.at[pl.ds(base, per_w)], idx_v, sem_i).wait()

        def gather_start(g):
            b = g % NBUF
            return pltpu.async_copy(
                table_hbm.at[idx_v.at[pl.ds(g * CH, CH)]],
                rows_v.at[b], sem_g.at[b])

        def out_start(g):
            b = g % NBUF
            return pltpu.async_copy(
                rows_v.at[b], out_hbm.at[pl.ds(base + g * CH, CH)],
                sem_o.at[b])

        gathers = {}
        outs = {}
        gathers[0] = gather_start(0)
        if n_ch > 1:
            gathers[1] = gather_start(1)
        for g in range(n_ch):
            gathers.pop(g).wait()
            outs[g] = out_start(g)
            nxt = g + 2
            if nxt < n_ch:
                prev = nxt - NBUF
                if prev >= 0:
                    outs.pop(prev).wait()
                gathers[nxt] = gather_start(nxt)
        for g in sorted(outs):
            outs.pop(g).wait()

    return k(table, flat_idx)


def _tc_ln_body(g_ref, seg_ref, pos_ref, segtab_ref, gam_ref, bet_ref, out_ref):
    emb = g_ref[...]
    pos = pos_ref[...]
    segf = seg_ref[...].astype(jnp.float32)[..., None]
    s0 = segtab_ref[0, :][None, None, :]
    s1 = segtab_ref[1, :][None, None, :]
    x = emb + pos[None, :, :] + s0 + segf * (s1 - s0)
    mean = jnp.mean(x, axis=-1, keepdims=True)
    xc = x - mean
    var = jnp.mean(xc * xc, axis=-1, keepdims=True)
    inv = lax.rsqrt(var + 1e-5)
    out_ref[...] = xc * inv * gam_ref[...] + bet_ref[...]


def _tc_ln(gathered, segments, pos_table, seg_table, gamma, beta):
    B, L, D = gathered.shape
    BB = 8
    return pl.pallas_call(
        _tc_ln_body,
        grid=(B // BB,),
        in_specs=[
            pl.BlockSpec((BB, L, D), lambda i: (i, 0, 0)),
            pl.BlockSpec((BB, L), lambda i: (i, 0)),
            pl.BlockSpec((L, D), lambda i: (0, 0)),
            pl.BlockSpec((seg_table.shape[0], D), lambda i: (0, 0)),
            pl.BlockSpec((D,), lambda i: (0,)),
            pl.BlockSpec((D,), lambda i: (0,)),
        ],
        out_specs=pl.BlockSpec((BB, L, D), lambda i: (i, 0, 0)),
        out_shape=jax.ShapeDtypeStruct((B, L, D), jnp.float32),
    )(gathered, segments, pos_table, seg_table, gamma, beta)


def kernel(x, segments, token_table, pos_table, seg_table, ln_gamma, ln_beta):
    B, L = x.shape
    V, D = token_table.shape
    flat_idx = x.reshape(B * L).astype(jnp.int32)
    gathered = _sc_gather(token_table, flat_idx)
    return _tc_ln(gathered.reshape(B, L, D), segments.astype(jnp.int32),
                  pos_table, seg_table, ln_gamma, ln_beta)

# --- scband reference (transcript-rebuilt; emitter-appended) ---
"""Pipeline reference for scband-transformer-embedding-62706522522196 (READ-ONLY COPY).

The authoritative reference and input builder live on the scoring server;
editing this copy changes nothing except your own understanding.
"""

import jax, jax.numpy as jnp
import numpy as np

N_VOCAB = 100000
D = 128
MAX_LEN = 512
N_SEG = 2
B, L = 1024, 200

def setup_inputs(seed: int = 0) -> dict:
    key = jax.random.key(seed)
    ks = jax.random.split(key, 7)
    x = jax.random.randint(ks[0], (B, L), 0, N_VOCAB)
    segments = jax.random.randint(ks[1], (B, L), 0, N_SEG)
    token_table = jax.random.normal(ks[2], (N_VOCAB, D), dtype=jnp.float32) * 0.02
    pos_table = jax.random.normal(ks[3], (MAX_LEN, D), dtype=jnp.float32) * 0.02
    seg_table = jax.random.normal(ks[4], (N_SEG, D), dtype=jnp.float32) * 0.02
    ln_gamma = jnp.ones((D,), dtype=jnp.float32)
    ln_beta = jnp.zeros((D,), dtype=jnp.float32)
    return {"x": x, "segments": segments, "token_table": token_table, "pos_table": pos_table, "seg_table": seg_table, "ln_gamma": ln_gamma, "ln_beta": ln_beta}

def reference(x, segments, token_table, pos_table, seg_table, ln_gamma, ln_beta):
    L_cur = x.shape[1]
    # token embedding (gather)
    emb = jnp.take(token_table, x, axis=0)
    # learned positional embedding: position_ids = arange(L), broadcast over batch
    emb = emb + pos_table[:L_cur][None, :, :]
    # segment embedding (gather)
    emb = emb + jnp.take(seg_table, segments, axis=0)
    # LayerNorm (eps=1e-5, matching torch default)
    mean = jnp.mean(emb, axis=-1, keepdims=True)
    var = jnp.var(emb, axis=-1, keepdims=True)
    out = (emb - mean) / jnp.sqrt(var + 1e-5) * ln_gamma + ln_beta
    # dropout is identity in eval/deterministic mode
    return out

if __name__ == "__main__":
    import jax
    _d = setup_inputs()
    print(jax.jit(kernel)(*tuple(_d.values())))

</pallas_src>

<mosaic_0001>
#map = affine_map<(d0, d1) -> (0, 0)>
#map1 = affine_map<(d0, d1) -> (0)>
module attributes {stable_mosaic.version = 14 : i64} {
  func.func @k(%arg0: i32, %arg1: i32, %arg2: memref<100000x128xf32, #tpu.memory_space<hbm>>, %arg3: memref<204800xi32, #tpu.memory_space<hbm>>, %arg4: memref<204800x128xf32, #tpu.memory_space<hbm>>, %arg5: memref<6400xi32, #tpu.memory_space<vmem>>, %arg6: memref<3x256x128xf32, #tpu.memory_space<vmem>>, %arg7: memref<!tpu.dma_semaphore, #tpu.memory_space<semaphore_mem>>, %arg8: memref<3x!tpu.dma_semaphore, #tpu.memory_space<semaphore_mem>>, %arg9: memref<3x!tpu.dma_semaphore, #tpu.memory_space<semaphore_mem>>) attributes {dimension_semantics = [#tpu.dimension_semantics<core_parallel>, #tpu.dimension_semantics<subcore_parallel>], iteration_bounds = array<i64: 2, 16>, scalar_prefetch = 0 : i64, scratch_operands = 5 : i64, tpu.core_type = #tpu.core_type<sc_vector_subcore>, window_params = [{transform_indices = #map}, {transform_indices = #map1}, {transform_indices = #map}]} {
    %mul3A = arith.constant 2 : i32
    %mul3A_0 = arith.muli %arg1, %mul3A : i32
    %add3A = arith.addi %mul3A_0, %arg0 : i32
    %mul3A_1 = arith.constant 6400 : i32
    %mul3A_2 = arith.muli %add3A, %mul3A_1 : i32
    %dma_start3A = tpu.memref_slice %arg3[%mul3A_2] : memref<204800xi32, #tpu.memory_space<hbm>> -> memref<6400xi32, #tpu.memory_space<hbm>>
    %dma_start3A_3 = tpu.memref_slice %arg3[%mul3A_2] : memref<204800xi32, #tpu.memory_space<hbm>> -> memref<6400xi32, #tpu.memory_space<hbm>>
    tpu.enqueue_dma source(%dma_start3A_3 : memref<6400xi32, #tpu.memory_space<hbm>>) target(%arg5 : memref<6400xi32, #tpu.memory_space<vmem>>) target_semaphore(%arg7 : memref<!tpu.dma_semaphore, #tpu.memory_space<semaphore_mem>>)
    %dma_wait3A = tpu.memref_slice %arg3[%mul3A_2] : memref<204800xi32, #tpu.memory_space<hbm>> -> memref<6400xi32, #tpu.memory_space<hbm>>
    %dma_wait3A_4 = tpu.memref_slice %arg3[%mul3A_2] : memref<204800xi32, #tpu.memory_space<hbm>> -> memref<6400xi32, #tpu.memory_space<hbm>>
    tpu.wait_dma2 semaphore(%arg7 : memref<!tpu.dma_semaphore, #tpu.memory_space<semaphore_mem>>) src(%dma_wait3A_4 : memref<6400xi32, #tpu.memory_space<hbm>>) dst(%arg5 : memref<6400xi32, #tpu.memory_space<vmem>>)
    %dma_start3A_5 = arith.constant 0 : i32
    %dma_start3A_6 = arith.constant 0 : i32
    %dma_start3A_7 = arith.constant 0 : i32
    %dma_start3A_8 = arith.constant 0 : i32
    %dma_start3A_9 = tpu.memref_slice %arg6[%dma_start3A_5, %dma_start3A_7, %dma_start3A_8] : memref<3x256x128xf32, #tpu.memory_space<vmem>> -> memref<1x256x128xf32, #tpu.memory_space<vmem>>
    %dma_start3A_10 = tpu.memref_squeeze %dma_start3A_9 : memref<1x256x128xf32, #tpu.memory_space<vmem>> -> memref<256x128xf32, #tpu.memory_space<vmem>>
    %dma_start3A_11 = arith.constant 0 : i32
    %dma_start3A_12 = tpu.memref_slice %arg5[%dma_start3A_11] : memref<6400xi32, #tpu.memory_space<vmem>> -> memref<256xi32, #tpu.memory_space<vmem>>
    %dma_start3A_13 = arith.constant 0 : i32
    %dma_start3A_14 = arith.constant 0 : i32
    %dma_start3A_15 = tpu.memref_slice %arg2[%dma_start3A_13, %dma_start3A_14] : memref<100000x128xf32, #tpu.memory_space<hbm>> -> memref<100000x128xf32, #tpu.memory_space<hbm>>
    %dma_start3A_16 = tpu.memref_slice %arg8[%dma_start3A_6] : memref<3x!tpu.dma_semaphore, #tpu.memory_space<semaphore_mem>> -> memref<1x!tpu.dma_semaphore, #tpu.memory_space<semaphore_mem>>
    %dma_start3A_17 = tpu.memref_squeeze %dma_start3A_16 : memref<1x!tpu.dma_semaphore, #tpu.memory_space<semaphore_mem>> -> memref<!tpu.dma_semaphore, #tpu.memory_space<semaphore_mem>>
    tpu.enqueue_indirect_dma source(%dma_start3A_15 : memref<100000x128xf32, #tpu.memory_space<hbm>>) target(%dma_start3A_10 : memref<256x128xf32, #tpu.memory_space<vmem>>) offsets(%dma_start3A_12 : memref<256xi32, #tpu.memory_space<vmem>>) semaphore(%dma_start3A_17 : memref<!tpu.dma_semaphore, #tpu.memory_space<semaphore_mem>>)
    %dma_start3A_18 = arith.constant 1 : i32
    %dma_start3A_19 = arith.constant 1 : i32
    %dma_start3A_20 = arith.constant 0 : i32
    %dma_start3A_21 = arith.constant 0 : i32
    %dma_start3A_22 = tpu.memref_slice %arg6[%dma_start3A_18, %dma_start3A_20, %dma_start3A_21] : memref<3x256x128xf32, #tpu.memory_space<vmem>> -> memref<1x256x128xf32, #tpu.memory_space<vmem>>
    %dma_start3A_23 = tpu.memref_squeeze %dma_start3A_22 : memref<1x256x128xf32, #tpu.memory_space<vmem>> -> memref<256x128xf32, #tpu.memory_space<vmem>>
    %dma_start3A_24 = arith.constant 256 : i32
    %dma_start3A_25 = tpu.memref_slice %arg5[%dma_start3A_24] : memref<6400xi32, #tpu.memory_space<vmem>> -> memref<256xi32, #tpu.memory_space<vmem>>
    %dma_start3A_26 = arith.constant 0 : i32
    %dma_start3A_27 = arith.constant 0 : i32
    %dma_start3A_28 = tpu.memref_slice %arg2[%dma_start3A_26, %dma_start3A_27] : memref<100000x128xf32, #tpu.memory_space<hbm>> -> memref<100000x128xf32, #tpu.memory_space<hbm>>
    %dma_start3A_29 = tpu.memref_slice %arg8[%dma_start3A_19] : memref<3x!tpu.dma_semaphore, #tpu.memory_space<semaphore_mem>> -> memref<1x!tpu.dma_semaphore, #tpu.memory_space<semaphore_mem>>
    %dma_start3A_30 = tpu.memref_squeeze %dma_start3A_29 : memref<1x!tpu.dma_semaphore, #tpu.memory_space<semaphore_mem>> -> memref<!tpu.dma_semaphore, #tpu.memory_space<semaphore_mem>>
    tpu.enqueue_indirect_dma source(%dma_start3A_28 : memref<100000x128xf32, #tpu.memory_space<hbm>>) target(%dma_start3A_23 : memref<256x128xf32, #tpu.memory_space<vmem>>) offsets(%dma_start3A_25 : memref<256xi32, #tpu.memory_space<vmem>>) semaphore(%dma_start3A_30 : memref<!tpu.dma_semaphore, #tpu.memory_space<semaphore_mem>>)
    %dma_wait3A_31 = arith.constant 0 : i32
    %dma_wait3A_32 = arith.constant 0 : i32
    %dma_wait3A_33 = arith.constant 0 : i32
    %dma_wait3A_34 = arith.constant 0 : i32
    %dma_wait3A_35 = tpu.memref_slice %arg6[%dma_wait3A_31, %dma_wait3A_33, %dma_wait3A_34] : memref<3x256x128xf32, #tpu.memory_space<vmem>> -> memref<1x256x128xf32, #tpu.memory_space<vmem>>
    %dma_wait3A_36 = tpu.memref_squeeze %dma_wait3A_35 : memref<1x256x128xf32, #tpu.memory_space<vmem>> -> memref<256x128xf32, #tpu.memory_space<vmem>>
    %dma_wait3A_37 = arith.constant 0 : i32
    %dma_wait3A_38 = tpu.memref_slice %arg5[%dma_wait3A_37] : memref<6400xi32, #tpu.memory_space<vmem>> -> memref<256xi32, #tpu.memory_space<vmem>>
    %dma_wait3A_39 = arith.constant 0 : i32
    %dma_wait3A_40 = arith.constant 0 : i32
    %dma_wait3A_41 = tpu.memref_slice %arg2[%dma_wait3A_39, %dma_wait3A_40] : memref<100000x128xf32, #tpu.memory_space<hbm>> -> memref<100000x128xf32, #tpu.memory_space<hbm>>
    %dma_wait3A_42 = tpu.memref_slice %arg8[%dma_wait3A_32] : memref<3x!tpu.dma_semaphore, #tpu.memory_space<semaphore_mem>> -> memref<1x!tpu.dma_semaphore, #tpu.memory_space<semaphore_mem>>
    %dma_wait3A_43 = tpu.memref_squeeze %dma_wait3A_42 : memref<1x!tpu.dma_semaphore, #tpu.memory_space<semaphore_mem>> -> memref<!tpu.dma_semaphore, #tpu.memory_space<semaphore_mem>>
    tpu.wait_indirect_dma semaphore(%dma_wait3A_43 : memref<!tpu.dma_semaphore, #tpu.memory_space<semaphore_mem>>) src(%dma_wait3A_41 : memref<100000x128xf32, #tpu.memory_space<hbm>>) dst(%dma_wait3A_36 : memref<256x128xf32, #tpu.memory_space<vmem>>)
    %add3A_44 = arith.constant 0 : i32
    %add3A_45 = arith.addi %mul3A_2, %add3A_44 : i32
    %dma_start3A_46 = arith.constant 0 : i32
    %dma_start3A_47 = arith.constant 0 : i32
    %dma_start3A_48 = arith.constant 0 : i32
    %dma_start3A_49 = arith.constant 0 : i32
    %dma_start3A_50 = tpu.memref_slice %arg6[%dma_start3A_46, %dma_start3A_48, %dma_start3A_49] : memref<3x256x128xf32, #tpu.memory_space<vmem>> -> memref<1x256x128xf32, #tpu.memory_space<vmem>>
    %dma_start3A_51 = tpu.memref_squeeze %dma_start3A_50 : memref<1x256x128xf32, #tpu.memory_space<vmem>> -> memref<256x128xf32, #tpu.memory_space<vmem>>
    %dma_start3A_52 = arith.constant 0 : i32
    %dma_start3A_53 = tpu.memref_slice %arg4[%add3A_45, %dma_start3A_52] : memref<204800x128xf32, #tpu.memory_space<hbm>> -> memref<256x128xf32, #tpu.memory_space<hbm>>
    %dma_start3A_54 = tpu.memref_slice %arg9[%dma_start3A_47] : memref<3x!tpu.dma_semaphore, #tpu.memory_space<semaphore_mem>> -> memref<1x!tpu.dma_semaphore, #tpu.memory_space<semaphore_mem>>
    %dma_start3A_55 = tpu.memref_squeeze %dma_start3A_54 : memref<1x!tpu.dma_semaphore, #tpu.memory_space<semaphore_mem>> -> memref<!tpu.dma_semaphore, #tpu.memory_space<semaphore_mem>>
    %dma_start3A_56 = arith.constant 0 : i32
    %dma_start3A_57 = tpu.memref_slice %arg4[%add3A_45, %dma_start3A_56] : memref<204800x128xf32, #tpu.memory_space<hbm>> -> memref<256x128xf32, #tpu.memory_space<hbm>>
    %dma_start3A_58 = arith.constant 0 : i32
    %dma_start3A_59 = arith.constant 0 : i32
    %dma_start3A_60 = tpu.memref_slice %arg6[%dma_start3A_46, %dma_start3A_58, %dma_start3A_59] : memref<3x256x128xf32, #tpu.memory_space<vmem>> -> memref<1x256x128xf32, #tpu.memory_space<vmem>>
    %dma_start3A_61 = tpu.memref_squeeze %dma_start3A_60 : memref<1x256x128xf32, #tpu.memory_space<vmem>> -> memref<256x128xf32, #tpu.memory_space<vmem>>
    tpu.enqueue_dma source(%dma_start3A_61 : memref<256x128xf32, #tpu.memory_space<vmem>>) target(%dma_start3A_57 : memref<256x128xf32, #tpu.memory_space<hbm>>) target_semaphore(%dma_start3A_55 : memref<!tpu.dma_semaphore, #tpu.memory_space<semaphore_mem>>)
    %dma_start3A_62 = arith.constant 2 : i32
    %dma_start3A_63 = arith.constant 2 : i32
    %dma_start3A_64 = arith.constant 0 : i32
    %dma_start3A_65 = arith.constant 0 : i32
    %dma_start3A_66 = tpu.memref_slice %arg6[%dma_start3A_62, %dma_start3A_64, %dma_start3A_65] : memref<3x256x128xf32, #tpu.memory_space<vmem>> -> memref<1x256x128xf32, #tpu.memory_space<vmem>>
    %dma_start3A_67 = tpu.memref_squeeze %dma_start3A_66 : memref<1x256x128xf32, #tpu.memory_space<vmem>> -> memref<256x128xf32, #tpu.memory_space<vmem>>
    %dma_start3A_68 = arith.constant 512 : i32
    %dma_start3A_69 = tpu.memref_slice %arg5[%dma_start3A_68] : memref<6400xi32, #tpu.memory_space<vmem>> -> memref<256xi32, #tpu.memory_space<vmem>>
    %dma_start3A_70 = arith.constant 0 : i32
    %dma_start3A_71 = arith.constant 0 : i32
    %dma_start3A_72 = tpu.memref_slice %arg2[%dma_start3A_70, %dma_start3A_71] : memref<100000x128xf32, #tpu.memory_space<hbm>> -> memref<100000x128xf32, #tpu.memory_space<hbm>>
    %dma_start3A_73 = tpu.memref_slice %arg8[%dma_start3A_63] : memref<3x!tpu.dma_semaphore, #tpu.memory_space<semaphore_mem>> -> memref<1x!tpu.dma_semaphore, #tpu.memory_space<semaphore_mem>>
    %dma_start3A_74 = tpu.memref_squeeze %dma_start3A_73 : memref<1x!tpu.dma_semaphore, #tpu.memory_space<semaphore_mem>> -> memref<!tpu.dma_semaphore, #tpu.memory_space<semaphore_mem>>
    tpu.enqueue_indirect_dma source(%dma_start3A_72 : memref<100000x128xf32, #tpu.memory_space<hbm>>) target(%dma_start3A_67 : memref<256x128xf32, #tpu.memory_space<vmem>>) offsets(%dma_start3A_69 : memref<256xi32, #tpu.memory_space<vmem>>) semaphore(%dma_start3A_74 : memref<!tpu.dma_semaphore, #tpu.memory_space<semaphore_mem>>)
    %dma_wait3A_75 = arith.constant 1 : i32
    %dma_wait3A_76 = arith.constant 1 : i32
    %dma_wait3A_77 = arith.constant 0 : i32
    %dma_wait3A_78 = arith.constant 0 : i32
    %dma_wait3A_79 = tpu.memref_slice %arg6[%dma_wait3A_75, %dma_wait3A_77, %dma_wait3A_78] : memref<3x256x128xf32, #tpu.memory_space<vmem>> -> memref<1x256x128xf32, #tpu.memory_space<vmem>>
    %dma_wait3A_80 = tpu.memref_squeeze %dma_wait3A_79 : memref<1x256x128xf32, #tpu.memory_space<vmem>> -> memref<256x128xf32, #tpu.memory_space<vmem>>
    %dma_wait3A_81 = arith.constant 256 : i32
    %dma_wait3A_82 = tpu.memref_slice %arg5[%dma_wait3A_81] : memref<6400xi32, #tpu.memory_space<vmem>> -> memref<256xi32, #tpu.memory_space<vmem>>
    %dma_wait3A_83 = arith.constant 0 : i32
    %dma_wait3A_84 = arith.constant 0 : i32
    %dma_wait3A_85 = tpu.memref_slice %arg2[%dma_wait3A_83, %dma_wait3A_84] : memref<100000x128xf32, #tpu.memory_space<hbm>> -> memref<100000x128xf32, #tpu.memory_space<hbm>>
    %dma_wait3A_86 = tpu.memref_slice %arg8[%dma_wait3A_76] : memref<3x!tpu.dma_semaphore, #tpu.memory_space<semaphore_mem>> -> memref<1x!tpu.dma_semaphore, #tpu.memory_space<semaphore_mem>>
    %dma_wait3A_87 = tpu.memref_squeeze %dma_wait3A_86 : memref<1x!tpu.dma_semaphore, #tpu.memory_space<semaphore_mem>> -> memref<!tpu.dma_semaphore, #tpu.memory_space<semaphore_mem>>
    tpu.wait_indirect_dma semaphore(%dma_wait3A_87 : memref<!tpu.dma_semaphore, #tpu.memory_space<semaphore_mem>>) src(%dma_wait3A_85 : memref<100000x128xf32, #tpu.memory_space<hbm>>) dst(%dma_wait3A_80 : memref<256x128xf32, #tpu.memory_space<vmem>>)
    %add3A_88 = arith.constant 256 : i32
    %add3A_89 = arith.addi %mul3A_2, %add3A_88 : i32
    %dma_start3A_90 = arith.constant 1 : i32
    %dma_start3A_91 = arith.constant 1 : i32
    %dma_start3A_92 = arith.constant 0 : i32
    %dma_start3A_93 = arith.constant 0 : i32
    %dma_start3A_94 = tpu.memref_slice %arg6[%dma_start3A_90, %dma_start3A_92, %dma_start3A_93] : memref<3x256x128xf32, #tpu.memory_space<vmem>> -> memref<1x256x128xf32, #tpu.memory_space<vmem>>
    %dma_start3A_95 = tpu.memref_squeeze %dma_start3A_94 : memref<1x256x128xf32, #tpu.memory_space<vmem>> -> memref<256x128xf32, #tpu.memory_space<vmem>>
    %dma_start3A_96 = arith.constant 0 : i32
    %dma_start3A_97 = tpu.memref_slice %arg4[%add3A_89, %dma_start3A_96] : memref<204800x128xf32, #tpu.memory_space<hbm>> -> memref<256x128xf32, #tpu.memory_space<hbm>>
    %dma_start3A_98 = tpu.memref_slice %arg9[%dma_start3A_91] : memref<3x!tpu.dma_semaphore, #tpu.memory_space<semaphore_mem>> -> memref<1x!tpu.dma_semaphore, #tpu.memory_space<semaphore_mem>>
    %dma_start3A_99 = tpu.memref_squeeze %dma_start3A_98 : memref<1x!tpu.dma_semaphore, #tpu.memory_space<semaphore_mem>> -> memref<!tpu.dma_semaphore, #tpu.memory_space<semaphore_mem>>
    %dma_start3A_100 = arith.constant 0 : i32
    %dma_start3A_101 = tpu.memref_slice %arg4[%add3A_89, %dma_start3A_100] : memref<204800x128xf32, #tpu.memory_space<hbm>> -> memref<256x128xf32, #tpu.memory_space<hbm>>
    %dma_start3A_102 = arith.constant 0 : i32
    %dma_start3A_103 = arith.constant 0 : i32
    %dma_start3A_104 = tpu.memref_slice %arg6[%dma_start3A_90, %dma_start3A_102, %dma_start3A_103] : memref<3x256x128xf32, #tpu.memory_space<vmem>> -> memref<1x256x128xf32, #tpu.memory_space<vmem>>
    %dma_start3A_105 = tpu.memref_squeeze %dma_start3A_104 : memref<1x256x128xf32, #tpu.memory_space<vmem>> -> memref<256x128xf32, #tpu.memory_space<vmem>>
    tpu.enqueue_dma source(%dma_start3A_105 : memref<256x128xf32, #tpu.memory_space<vmem>>) target(%dma_start3A_101 : memref<256x128xf32, #tpu.memory_space<hbm>>) target_semaphore(%dma_start3A_99 : memref<!tpu.dma_semaphore, #tpu.memory_space<semaphore_mem>>)
    %dma_wait3A_106 = arith.constant 0 : i32
    %dma_wait3A_107 = arith.constant 0 : i32
    %dma_wait3A_108 = arith.constant 0 : i32
    %dma_wait3A_109 = arith.constant 0 : i32
    %dma_wait3A_110 = tpu.memref_slice %arg6[%dma_wait3A_106, %dma_wait3A_108, %dma_wait3A_109] : memref<3x256x128xf32, #tpu.memory_space<vmem>> -> memref<1x256x128xf32, #tpu.memory_space<vmem>>
    %dma_wait3A_111 = tpu.memref_squeeze %dma_wait3A_110 : memref<1x256x128xf32, #tpu.memory_space<vmem>> -> memref<256x128xf32, #tpu.memory_space<vmem>>
    %dma_wait3A_112 = arith.constant 0 : i32
    %dma_wait3A_113 = tpu.memref_slice %arg4[%add3A_45, %dma_wait3A_112] : memref<204800x128xf32, #tpu.memory_space<hbm>> -> memref<256x128xf32, #tpu.memory_space<hbm>>
    %dma_wait3A_114 = tpu.memref_slice %arg9[%dma_wait3A_107] : memref<3x!tpu.dma_semaphore, #tpu.memory_space<semaphore_mem>> -> memref<1x!tpu.dma_semaphore, #tpu.memory_space<semaphore_mem>>
    %dma_wait3A_115 = tpu.memref_squeeze %dma_wait3A_114 : memref<1x!tpu.dma_semaphore, #tpu.memory_space<semaphore_mem>> -> memref<!tpu.dma_semaphore, #tpu.memory_space<semaphore_mem>>
    %dma_wait3A_116 = arith.constant 0 : i32
    %dma_wait3A_117 = tpu.memref_slice %arg4[%add3A_45, %dma_wait3A_116] : memref<204800x128xf32, #tpu.memory_space<hbm>> -> memref<256x128xf32, #tpu.memory_space<hbm>>
    %dma_wait3A_118 = arith.constant 0 : i32
    %dma_wait3A_119 = arith.constant 0 : i32
    %dma_wait3A_120 = tpu.memref_slice %arg6[%dma_wait3A_106, %dma_wait3A_118, %dma_wait3A_119] : memref<3x256x128xf32, #tpu.memory_space<vmem>> -> memref<1x256x128xf32, #tpu.memory_space<vmem>>
    %dma_wait3A_121 = tpu.memref_squeeze %dma_wait3A_120 : memref<1x256x128xf32, #tpu.memory_space<vmem>> -> memref<256x128xf32, #tpu.memory_space<vmem>>
    tpu.wait_dma2 semaphore(%dma_wait3A_115 : memref<!tpu.dma_semaphore, #tpu.memory_space<semaphore_mem>>) src(%dma_wait3A_121 : memref<256x128xf32, #tpu.memory_space<vmem>>) dst(%dma_wait3A_117 : memref<256x128xf32, #tpu.memory_space<hbm>>)
    %dma_start3A_122 = arith.constant 0 : i32
    %dma_start3A_123 = arith.constant 0 : i32
    %dma_start3A_124 = arith.constant 0 : i32
    %dma_start3A_125 = arith.constant 0 : i32
    %dma_start3A_126 = tpu.memref_slice %arg6[%dma_start3A_122, %dma_start3A_124, %dma_start3A_125] : memref<3x256x128xf32, #tpu.memory_space<vmem>> -> memref<1x256x128xf32, #tpu.memory_space<vmem>>
    %dma_start3A_127 = tpu.memref_squeeze %dma_start3A_126 : memref<1x256x128xf32, #tpu.memory_space<vmem>> -> memref<256x128xf32, #tpu.memory_space<vmem>>
    %dma_start3A_128 = arith.constant 768 : i32
    %dma_start3A_129 = tpu.memref_slice %arg5[%dma_start3A_128] : memref<6400xi32, #tpu.memory_space<vmem>> -> memref<256xi32, #tpu.memory_space<vmem>>
    %dma_start3A_130 = arith.constant 0 : i32
    %dma_start3A_131 = arith.constant 0 : i32
    %dma_start3A_132 = tpu.memref_slice %arg2[%dma_start3A_130, %dma_start3A_131] : memref<100000x128xf32, #tpu.memory_space<hbm>> -> memref<100000x128xf32, #tpu.memory_space<hbm>>
    %dma_start3A_133 = tpu.memref_slice %arg8[%dma_start3A_123] : memref<3x!tpu.dma_semaphore, #tpu.memory_space<semaphore_mem>> -> memref<1x!tpu.dma_semaphore, #tpu.memory_space<semaphore_mem>>
    %dma_start3A_134 = tpu.memref_squeeze %dma_start3A_133 : memref<1x!tpu.dma_semaphore, #tpu.memory_space<semaphore_mem>> -> memref<!tpu.dma_semaphore, #tpu.memory_space<semaphore_mem>>
    tpu.enqueue_indirect_dma source(%dma_start3A_132 : memref<100000x128xf32, #tpu.memory_space<hbm>>) target(%dma_start3A_127 : memref<256x128xf32, #tpu.memory_space<vmem>>) offsets(%dma_start3A_129 : memref<256xi32, #tpu.memory_space<vmem>>) semaphore(%dma_start3A_134 : memref<!tpu.dma_semaphore, #tpu.memory_space<semaphore_mem>>)
    %dma_wait3A_135 = arith.constant 2 : i32
    %dma_wait3A_136 = arith.constant 2 : i32
    %dma_wait3A_137 = arith.constant 0 : i32
    %dma_wait3A_138 = arith.constant 0 : i32
    %dma_wait3A_139 = tpu.memref_slice %arg6[%dma_wait3A_135, %dma_wait3A_137, %dma_wait3A_138] : memref<3x256x128xf32, #tpu.memory_space<vmem>> -> memref<1x256x128xf32, #tpu.memory_space<vmem>>
    %dma_wait3A_140 = tpu.memref_squeeze %dma_wait3A_139 : memref<1x256x128xf32, #tpu.memory_space<vmem>> -> memref<256x128xf32, #tpu.memory_space<vmem>>
    %dma_wait3A_141 = arith.constant 512 : i32
    %dma_wait3A_142 = tpu.memref_slice %arg5[%dma_wait3A_141] : memref<6400xi32, #tpu.memory_space<vmem>> -> memref<256xi32, #tpu.memory_space<vmem>>
    %dma_wait3A_143 = arith.constant 0 : i32
    %dma_wait3A_144 = arith.constant 0 : i32
    %dma_wait3A_145 = tpu.memref_slice %arg2[%dma_wait3A_143, %dma_wait3A_144] : memref<100000x128xf32, #tpu.memory_space<hbm>> -> memref<100000x128xf32, #tpu.memory_space<hbm>>
    %dma_wait3A_146 = tpu.memref_slice %arg8[%dma_wait3A_136] : memref<3x!tpu.dma_semaphore, #tpu.memory_space<semaphore_mem>> -> memref<1x!tpu.dma_semaphore, #tpu.memory_space<semaphore_mem>>
    %dma_wait3A_147 = tpu.memref_squeeze %dma_wait3A_146 : memref<1x!tpu.dma_semaphore, #tpu.memory_space<semaphore_mem>> -> memref<!tpu.dma_semaphore, #tpu.memory_space<semaphore_mem>>
    tpu.wait_indirect_dma semaphore(%dma_wait3A_147 : memref<!tpu.dma_semaphore, #tpu.memory_space<semaphore_mem>>) src(%dma_wait3A_145 : memref<100000x128xf32, #tpu.memory_space<hbm>>) dst(%dma_wait3A_140 : memref<256x128xf32, #tpu.memory_space<vmem>>)
    %add3A_148 = arith.constant 512 : i32
    %add3A_149 = arith.addi %mul3A_2, %add3A_148 : i32
    %dma_start3A_150 = arith.constant 2 : i32
    %dma_start3A_151 = arith.constant 2 : i32
    %dma_start3A_152 = arith.constant 0 : i32
    %dma_start3A_153 = arith.constant 0 : i32
    %dma_start3A_154 = tpu.memref_slice %arg6[%dma_start3A_150, %dma_start3A_152, %dma_start3A_153] : memref<3x256x128xf32, #tpu.memory_space<vmem>> -> memref<1x256x128xf32, #tpu.memory_space<vmem>>
    %dma_start3A_155 = tpu.memref_squeeze %dma_start3A_154 : memref<1x256x128xf32, #tpu.memory_space<vmem>> -> memref<256x128xf32, #tpu.memory_space<vmem>>
    %dma_start3A_156 = arith.constant 0 : i32
    %dma_start3A_157 = tpu.memref_slice %arg4[%add3A_149, %dma_start3A_156] : memref<204800x128xf32, #tpu.memory_space<hbm>> -> memref<256x128xf32, #tpu.memory_space<hbm>>
    %dma_start3A_158 = tpu.memref_slice %arg9[%dma_start3A_151] : memref<3x!tpu.dma_semaphore, #tpu.memory_space<semaphore_mem>> -> memref<1x!tpu.dma_semaphore, #tpu.memory_space<semaphore_mem>>
    %dma_start3A_159 = tpu.memref_squeeze %dma_start3A_158 : memref<1x!tpu.dma_semaphore, #tpu.memory_space<semaphore_mem>> -> memref<!tpu.dma_semaphore, #tpu.memory_space<semaphore_mem>>
    %dma_start3A_160 = arith.constant 0 : i32
    %dma_start3A_161 = tpu.memref_slice %arg4[%add3A_149, %dma_start3A_160] : memref<204800x128xf32, #tpu.memory_space<hbm>> -> memref<256x128xf32, #tpu.memory_space<hbm>>
    %dma_start3A_162 = arith.constant 0 : i32
    %dma_start3A_163 = arith.constant 0 : i32
    %dma_start3A_164 = tpu.memref_slice %arg6[%dma_start3A_150, %dma_start3A_162, %dma_start3A_163] : memref<3x256x128xf32, #tpu.memory_space<vmem>> -> memref<1x256x128xf32, #tpu.memory_space<vmem>>
    %dma_start3A_165 = tpu.memref_squeeze %dma_start3A_164 : memref<1x256x128xf32, #tpu.memory_space<vmem>> -> memref<256x128xf32, #tpu.memory_space<vmem>>
    tpu.enqueue_dma source(%dma_start3A_165 : memref<256x128xf32, #tpu.memory_space<vmem>>) target(%dma_start3A_161 : memref<256x128xf32, #tpu.memory_space<hbm>>) target_semaphore(%dma_start3A_159 : memref<!tpu.dma_semaphore, #tpu.memory_space<semaphore_mem>>)
    %dma_wait3A_166 = arith.constant 1 : i32
    %dma_wait3A_167 = arith.constant 1 : i32
    %dma_wait3A_168 = arith.constant 0 : i32
    %dma_wait3A_169 = arith.constant 0 : i32
    %dma_wait3A_170 = tpu.memref_slice %arg6[%dma_wait3A_166, %dma_wait3A_168, %dma_wait3A_169] : memref<3x256x128xf32, #tpu.memory_space<vmem>> -> memref<1x256x128xf32, #tpu.memory_space<vmem>>
    %dma_wait3A_171 = tpu.memref_squeeze %dma_wait3A_170 : memref<1x256x128xf32, #tpu.memory_space<vmem>> -> memref<256x128xf32, #tpu.memory_space<vmem>>
    %dma_wait3A_172 = arith.constant 0 : i32
    %dma_wait3A_173 = tpu.memref_slice %arg4[%add3A_89, %dma_wait3A_172] : memref<204800x128xf32, #tpu.memory_space<hbm>> -> memref<256x128xf32, #tpu.memory_space<hbm>>
    %dma_wait3A_174 = tpu.memref_slice %arg9[%dma_wait3A_167] : memref<3x!tpu.dma_semaphore, #tpu.memory_space<semaphore_mem>> -> memref<1x!tpu.dma_semaphore, #tpu.memory_space<semaphore_mem>>
    %dma_wait3A_175 = tpu.memref_squeeze %dma_wait3A_174 : memref<1x!tpu.dma_semaphore, #tpu.memory_space<semaphore_mem>> -> memref<!tpu.dma_semaphore, #tpu.memory_space<semaphore_mem>>
    %dma_wait3A_176 = arith.constant 0 : i32
    %dma_wait3A_177 = tpu.memref_slice %arg4[%add3A_89, %dma_wait3A_176] : memref<204800x128xf32, #tpu.memory_space<hbm>> -> memref<256x128xf32, #tpu.memory_space<hbm>>
    %dma_wait3A_178 = arith.constant 0 : i32
    %dma_wait3A_179 = arith.constant 0 : i32
    %dma_wait3A_180 = tpu.memref_slice %arg6[%dma_wait3A_166, %dma_wait3A_178, %dma_wait3A_179] : memref<3x256x128xf32, #tpu.memory_space<vmem>> -> memref<1x256x128xf32, #tpu.memory_space<vmem>>
    %dma_wait3A_181 = tpu.memref_squeeze %dma_wait3A_180 : memref<1x256x128xf32, #tpu.memory_space<vmem>> -> memref<256x128xf32, #tpu.memory_space<vmem>>
    tpu.wait_dma2 semaphore(%dma_wait3A_175 : memref<!tpu.dma_semaphore, #tpu.memory_space<semaphore_mem>>) src(%dma_wait3A_181 : memref<256x128xf32, #tpu.memory_space<vmem>>) dst(%dma_wait3A_177 : memref<256x128xf32, #tpu.memory_space<hbm>>)
    %dma_start3A_182 = arith.constant 1 : i32
    %dma_start3A_183 = arith.constant 1 : i32
    %dma_start3A_184 = arith.constant 0 : i32
    %dma_start3A_185 = arith.constant 0 : i32
    %dma_start3A_186 = tpu.memref_slice %arg6[%dma_start3A_182, %dma_start3A_184, %dma_start3A_185] : memref<3x256x128xf32, #tpu.memory_space<vmem>> -> memref<1x256x128xf32, #tpu.memory_space<vmem>>
    %dma_start3A_187 = tpu.memref_squeeze %dma_start3A_186 : memref<1x256x128xf32, #tpu.memory_space<vmem>> -> memref<256x128xf32, #tpu.memory_space<vmem>>
    %dma_start3A_188 = arith.constant 1024 : i32
    %dma_start3A_189 = tpu.memref_slice %arg5[%dma_start3A_188] : memref<6400xi32, #tpu.memory_space<vmem>> -> memref<256xi32, #tpu.memory_space<vmem>>
    %dma_start3A_190 = arith.constant 0 : i32
    %dma_start3A_191 = arith.constant 0 : i32
    %dma_start3A_192 = tpu.memref_slice %arg2[%dma_start3A_190, %dma_start3A_191] : memref<100000x128xf32, #tpu.memory_space<hbm>> -> memref<100000x128xf32, #tpu.memory_space<hbm>>
    %dma_start3A_193 = tpu.memref_slice %arg8[%dma_start3A_183] : memref<3x!tpu.dma_semaphore, #tpu.memory_space<semaphore_mem>> -> memref<1x!tpu.dma_semaphore, #tpu.memory_space<semaphore_mem>>
    %dma_start3A_194 = tpu.memref_squeeze %dma_start3A_193 : memref<1x!tpu.dma_semaphore, #tpu.memory_space<semaphore_mem>> -> memref<!tpu.dma_semaphore, #tpu.memory_space<semaphore_mem>>
    tpu.enqueue_indirect_dma source(%dma_start3A_192 : memref<100000x128xf32, #tpu.memory_space<hbm>>) target(%dma_start3A_187 : memref<256x128xf32, #tpu.memory_space<vmem>>) offsets(%dma_start3A_189 : memref<256xi32, #tpu.memory_space<vmem>>) semaphore(%dma_start3A_194 : memref<!tpu.dma_semaphore, #tpu.memory_space<semaphore_mem>>)
    %dma_wait3A_195 = arith.constant 0 : i32
    %dma_wait3A_196 = arith.constant 0 : i32
    %dma_wait3A_197 = arith.constant 0 : i32
    %dma_wait3A_198 = arith.constant 0 : i32
    %dma_wait3A_199 = tpu.memref_slice %arg6[%dma_wait3A_195, %dma_wait3A_197, %dma_wait3A_198] : memref<3x256x128xf32, #tpu.memory_space<vmem>> -> memref<1x256x128xf32, #tpu.memory_space<vmem>>
    %dma_wait3A_200 = tpu.memref_squeeze %dma_wait3A_199 : memref<1x256x128xf32, #tpu.memory_space<vmem>> -> memref<256x128xf32, #tpu.memory_space<vmem>>
    %dma_wait3A_201 = arith.constant 768 : i32
    %dma_wait3A_202 = tpu.memref_slice %arg5[%dma_wait3A_201] : memref<6400xi32, #tpu.memory_space<vmem>> -> memref<256xi32, #tpu.memory_space<vmem>>
    %dma_wait3A_203 = arith.constant 0 : i32
    %dma_wait3A_204 = arith.constant 0 : i32
    %dma_wait3A_205 = tpu.memref_slice %arg2[%dma_wait3A_203, %dma_wait3A_204] : memref<100000x128xf32, #tpu.memory_space<hbm>> -> memref<100000x128xf32, #tpu.memory_space<hbm>>
    %dma_wait3A_206 = tpu.memref_slice %arg8[%dma_wait3A_196] : memref<3x!tpu.dma_semaphore, #tpu.memory_space<semaphore_mem>> -> memref<1x!tpu.dma_semaphore, #tpu.memory_space<semaphore_mem>>
    %dma_wait3A_207 = tpu.memref_squeeze %dma_wait3A_206 : memref<1x!tpu.dma_semaphore, #tpu.memory_space<semaphore_mem>> -> memref<!tpu.dma_semaphore, #tpu.memory_space<semaphore_mem>>
    tpu.wait_indirect_dma semaphore(%dma_wait3A_207 : memref<!tpu.dma_semaphore, #tpu.memory_space<semaphore_mem>>) src(%dma_wait3A_205 : memref<100000x128xf32, #tpu.memory_space<hbm>>) dst(%dma_wait3A_200 : memref<256x128xf32, #tpu.memory_space<vmem>>)
    %add3A_208 = arith.constant 768 : i32
    %add3A_209 = arith.addi %mul3A_2, %add3A_208 : i32
    %dma_start3A_210 = arith.constant 0 : i32
    %dma_start3A_211 = arith.constant 0 : i32
    %dma_start3A_212 = arith.constant 0 : i32
    %dma_start3A_213 = arith.constant 0 : i32
    %dma_start3A_214 = tpu.memref_slice %arg6[%dma_start3A_210, %dma_start3A_212, %dma_start3A_213] : memref<3x256x128xf32, #tpu.memory_space<vmem>> -> memref<1x256x128xf32, #tpu.memory_space<vmem>>
    %dma_start3A_215 = tpu.memref_squeeze %dma_start3A_214 : memref<1x256x128xf32, #tpu.memory_space<vmem>> -> memref<256x128xf32, #tpu.memory_space<vmem>>
    %dma_start3A_216 = arith.constant 0 : i32
    %dma_start3A_217 = tpu.memref_slice %arg4[%add3A_209, %dma_start3A_216] : memref<204800x128xf32, #tpu.memory_space<hbm>> -> memref<256x128xf32, #tpu.memory_space<hbm>>
    %dma_start3A_218 = tpu.memref_slice %arg9[%dma_start3A_211] : memref<3x!tpu.dma_semaphore, #tpu.memory_space<semaphore_mem>> -> memref<1x!tpu.dma_semaphore, #tpu.memory_space<semaphore_mem>>
    %dma_start3A_219 = tpu.memref_squeeze %dma_start3A_218 : memref<1x!tpu.dma_semaphore, #tpu.memory_space<semaphore_mem>> -> memref<!tpu.dma_semaphore, #tpu.memory_space<semaphore_mem>>
    %dma_start3A_220 = arith.constant 0 : i32
    %dma_start3A_221 = tpu.memref_slice %arg4[%add3A_209, %dma_start3A_220] : memref<204800x128xf32, #tpu.memory_space<hbm>> -> memref<256x128xf32, #tpu.memory_space<hbm>>
    %dma_start3A_222 = arith.constant 0 : i32
    %dma_start3A_223 = arith.constant 0 : i32
    %dma_start3A_224 = tpu.memref_slice %arg6[%dma_start3A_210, %dma_start3A_222, %dma_start3A_223] : memref<3x256x128xf32, #tpu.memory_space<vmem>> -> memref<1x256x128xf32, #tpu.memory_space<vmem>>
    %dma_start3A_225 = tpu.memref_squeeze %dma_start3A_224 : memref<1x256x128xf32, #tpu.memory_space<vmem>> -> memref<256x128xf32, #tpu.memory_space<vmem>>
    tpu.enqueue_dma source(%dma_start3A_225 : memref<256x128xf32, #tpu.memory_space<vmem>>) target(%dma_start3A_221 : memref<256x128xf32, #tpu.memory_space<hbm>>) target_semaphore(%dma_start3A_219 : memref<!tpu.dma_semaphore, #tpu.memory_space<semaphore_mem>>)
    %dma_wait3A_226 = arith.constant 2 : i32
    %dma_wait3A_227 = arith.constant 2 : i32
    %dma_wait3A_228 = arith.constant 0 : i32
    %dma_wait3A_229 = arith.constant 0 : i32
    %dma_wait3A_230 = tpu.memref_slice %arg6[%dma_wait3A_226, %dma_wait3A_228, %dma_wait3A_229] : memref<3x256x128xf32, #tpu.memory_space<vmem>> -> memref<1x256x128xf32, #tpu.memory_space<vmem>>
    %dma_wait3A_231 = tpu.memref_squeeze %dma_wait3A_230 : memref<1x256x128xf32, #tpu.memory_space<vmem>> -> memref<256x128xf32, #tpu.memory_space<vmem>>
    %dma_wait3A_232 = arith.constant 0 : i32
    %dma_wait3A_233 = tpu.memref_slice %arg4[%add3A_149, %dma_wait3A_232] : memref<204800x128xf32, #tpu.memory_space<hbm>> -> memref<256x128xf32, #tpu.memory_space<hbm>>
    %dma_wait3A_234 = tpu.memref_slice %arg9[%dma_wait3A_227] : memref<3x!tpu.dma_semaphore, #tpu.memory_space<semaphore_mem>> -> memref<1x!tpu.dma_semaphore, #tpu.memory_space<semaphore_mem>>
    %dma_wait3A_235 = tpu.memref_squeeze %dma_wait3A_234 : memref<1x!tpu.dma_semaphore, #tpu.memory_space<semaphore_mem>> -> memref<!tpu.dma_semaphore, #tpu.memory_space<semaphore_mem>>
    %dma_wait3A_236 = arith.constant 0 : i32
    %dma_wait3A_237 = tpu.memref_slice %arg4[%add3A_149, %dma_wait3A_236] : memref<204800x128xf32, #tpu.memory_space<hbm>> -> memref<256x128xf32, #tpu.memory_space<hbm>>
    %dma_wait3A_238 = arith.constant 0 : i32
    %dma_wait3A_239 = arith.constant 0 : i32
    %dma_wait3A_240 = tpu.memref_slice %arg6[%dma_wait3A_226, %dma_wait3A_238, %dma_wait3A_239] : memref<3x256x128xf32, #tpu.memory_space<vmem>> -> memref<1x256x128xf32, #tpu.memory_space<vmem>>
    %dma_wait3A_241 = tpu.memref_squeeze %dma_wait3A_240 : memref<1x256x128xf32, #tpu.memory_space<vmem>> -> memref<256x128xf32, #tpu.memory_space<vmem>>
    tpu.wait_dma2 semaphore(%dma_wait3A_235 : memref<!tpu.dma_semaphore, #tpu.memory_space<semaphore_mem>>) src(%dma_wait3A_241 : memref<256x128xf32, #tpu.memory_space<vmem>>) dst(%dma_wait3A_237 : memref<256x128xf32, #tpu.memory_space<hbm>>)
    %dma_start3A_242 = arith.constant 2 : i32
    %dma_start3A_243 = arith.constant 2 : i32
    %dma_start3A_244 = arith.constant 0 : i32
    %dma_start3A_245 = arith.constant 0 : i32
    %dma_start3A_246 = tpu.memref_slice %arg6[%dma_start3A_242, %dma_start3A_244, %dma_start3A_245] : memref<3x256x128xf32, #tpu.memory_space<vmem>> -> memref<1x256x128xf32, #tpu.memory_space<vmem>>
    %dma_start3A_247 = tpu.memref_squeeze %dma_start3A_246 : memref<1x256x128xf32, #tpu.memory_space<vmem>> -> memref<256x128xf32, #tpu.memory_space<vmem>>
    %dma_start3A_248 = arith.constant 1280 : i32
    %dma_start3A_249 = tpu.memref_slice %arg5[%dma_start3A_248] : memref<6400xi32, #tpu.memory_space<vmem>> -> memref<256xi32, #tpu.memory_space<vmem>>
    %dma_start3A_250 = arith.constant 0 : i32
    %dma_start3A_251 = arith.constant 0 : i32
    %dma_start3A_252 = tpu.memref_slice %arg2[%dma_start3A_250, %dma_start3A_251] : memref<100000x128xf32, #tpu.memory_space<hbm>> -> memref<100000x128xf32, #tpu.memory_space<hbm>>
    %dma_start3A_253 = tpu.memref_slice %arg8[%dma_start3A_243] : memref<3x!tpu.dma_semaphore, #tpu.memory_space<semaphore_mem>> -> memref<1x!tpu.dma_semaphore, #tpu.memory_space<semaphore_mem>>
    %dma_start3A_254 = tpu.memref_squeeze %dma_start3A_253 : memref<1x!tpu.dma_semaphore, #tpu.memory_space<semaphore_mem>> -> memref<!tpu.dma_semaphore, #tpu.memory_space<semaphore_mem>>
    tpu.enqueue_indirect_dma source(%dma_start3A_252 : memref<100000x128xf32, #tpu.memory_space<hbm>>) target(%dma_start3A_247 : memref<256x128xf32, #tpu.memory_space<vmem>>) offsets(%dma_start3A_249 : memref<256xi32, #tpu.memory_space<vmem>>) semaphore(%dma_start3A_254 : memref<!tpu.dma_semaphore, #tpu.memory_space<semaphore_mem>>)
    %dma_wait3A_255 = arith.constant 1 : i32
    %dma_wait3A_256 = arith.constant 1 : i32
    %dma_wait3A_257 = arith.constant 0 : i32
    %dma_wait3A_258 = arith.constant 0 : i32
    %dma_wait3A_259 = tpu.memref_slice %arg6[%dma_wait3A_255, %dma_wait3A_257, %dma_wait3A_258] : memref<3x256x128xf32, #tpu.memory_space<vmem>> -> memref<1x256x128xf32, #tpu.memory_space<vmem>>
    %dma_wait3A_260 = tpu.memref_squeeze %dma_wait3A_259 : memref<1x256x128xf32, #tpu.memory_space<vmem>> -> memref<256x128xf32, #tpu.memory_space<vmem>>
    %dma_wait3A_261 = arith.constant 1024 : i32
    %dma_wait3A_262 = tpu.memref_slice %arg5[%dma_wait3A_261] : memref<6400xi32, #tpu.memory_space<vmem>> -> memref<256xi32, #tpu.memory_space<vmem>>
    %dma_wait3A_263 = arith.constant 0 : i32
    %dma_wait3A_264 = arith.constant 0 : i32
    %dma_wait3A_265 = tpu.memref_slice %arg2[%dma_wait3A_263, %dma_wait3A_264] : memref<100000x128xf32, #tpu.memory_space<hbm>> -> memref<100000x128xf32, #tpu.memory_space<hbm>>
    %dma_wait3A_266 = tpu.memref_slice %arg8[%dma_wait3A_256] : memref<3x!tpu.dma_semaphore, #tpu.memory_space<semaphore_mem>> -> memref<1x!tpu.dma_semaphore, #tpu.memory_space<semaphore_mem>>
    %dma_wait3A_267 = tpu.memref_squeeze %dma_wait3A_266 : memref<1x!tpu.dma_semaphore, #tpu.memory_space<semaphore_mem>> -> memref<!tpu.dma_semaphore, #tpu.memory_space<semaphore_mem>>
    tpu.wait_indirect_dma semaphore(%dma_wait3A_267 : memref<!tpu.dma_semaphore, #tpu.memory_space<semaphore_mem>>) src(%dma_wait3A_265 : memref<100000x128xf32, #tpu.memory_space<hbm>>) dst(%dma_wait3A_260 : memref<256x128xf32, #tpu.memory_space<vmem>>)
    %add3A_268 = arith.constant 1024 : i32
    %add3A_269 = arith.addi %mul3A_2, %add3A_268 : i32
    %dma_start3A_270 = arith.constant 1 : i32
    %dma_start3A_271 = arith.constant 1 : i32
    %dma_start3A_272 = arith.constant 0 : i32
    %dma_start3A_273 = arith.constant 0 : i32
    %dma_start3A_274 = tpu.memref_slice %arg6[%dma_start3A_270, %dma_start3A_272, %dma_start3A_273] : memref<3x256x128xf32, #tpu.memory_space<vmem>> -> memref<1x256x128xf32, #tpu.memory_space<vmem>>
    %dma_start3A_275 = tpu.memref_squeeze %dma_start3A_274 : memref<1x256x128xf32, #tpu.memory_space<vmem>> -> memref<256x128xf32, #tpu.memory_space<vmem>>
    %dma_start3A_276 = arith.constant 0 : i32
    %dma_start3A_277 = tpu.memref_slice %arg4[%add3A_269, %dma_start3A_276] : memref<204800x128xf32, #tpu.memory_space<hbm>> -> memref<256x128xf32, #tpu.memory_space<hbm>>
    %dma_start3A_278 = tpu.memref_slice %arg9[%dma_start3A_271] : memref<3x!tpu.dma_semaphore, #tpu.memory_space<semaphore_mem>> -> memref<1x!tpu.dma_semaphore, #tpu.memory_space<semaphore_mem>>
    %dma_start3A_279 = tpu.memref_squeeze %dma_start3A_278 : memref<1x!tpu.dma_semaphore, #tpu.memory_space<semaphore_mem>> -> memref<!tpu.dma_semaphore, #tpu.memory_space<semaphore_mem>>
    %dma_start3A_280 = arith.constant 0 : i32
    %dma_start3A_281 = tpu.memref_slice %arg4[%add3A_269, %dma_start3A_280] : memref<204800x128xf32, #tpu.memory_space<hbm>> -> memref<256x128xf32, #tpu.memory_space<hbm>>
    %dma_start3A_282 = arith.constant 0 : i32
    %dma_start3A_283 = arith.constant 0 : i32
    %dma_start3A_284 = tpu.memref_slice %arg6[%dma_start3A_270, %dma_start3A_282, %dma_start3A_283] : memref<3x256x128xf32, #tpu.memory_space<vmem>> -> memref<1x256x128xf32, #tpu.memory_space<vmem>>
    %dma_start3A_285 = tpu.memref_squeeze %dma_start3A_284 : memref<1x256x128xf32, #tpu.memory_space<vmem>> -> memref<256x128xf32, #tpu.memory_space<vmem>>
    tpu.enqueue_dma source(%dma_start3A_285 : memref<256x128xf32, #tpu.memory_space<vmem>>) target(%dma_start3A_281 : memref<256x128xf32, #tpu.memory_space<hbm>>) target_semaphore(%dma_start3A_279 : memref<!tpu.dma_semaphore, #tpu.memory_space<semaphore_mem>>)
    %dma_wait3A_286 = arith.constant 0 : i32
    %dma_wait3A_287 = arith.constant 0 : i32
    %dma_wait3A_288 = arith.constant 0 : i32
    %dma_wait3A_289 = arith.constant 0 : i32
    %dma_wait3A_290 = tpu.memref_slice %arg6[%dma_wait3A_286, %dma_wait3A_288, %dma_wait3A_289] : memref<3x256x128xf32, #tpu.memory_space<vmem>> -> memref<1x256x128xf32, #tpu.memory_space<vmem>>
    %dma_wait3A_291 = tpu.memref_squeeze %dma_wait3A_290 : memref<1x256x128xf32, #tpu.memory_space<vmem>> -> memref<256x128xf32, #tpu.memory_space<vmem>>
    %dma_wait3A_292 = arith.constant 0 : i32
    %dma_wait3A_293 = tpu.memref_slice %arg4[%add3A_209, %dma_wait3A_292] : memref<204800x128xf32, #tpu.memory_space<hbm>> -> memref<256x128xf32, #tpu.memory_space<hbm>>
    %dma_wait3A_294 = tpu.memref_slice %arg9[%dma_wait3A_287] : memref<3x!tpu.dma_semaphore, #tpu.memory_space<semaphore_mem>> -> memref<1x!tpu.dma_semaphore, #tpu.memory_space<semaphore_mem>>
    %dma_wait3A_295 = tpu.memref_squeeze %dma_wait3A_294 : memref<1x!tpu.dma_semaphore, #tpu.memory_space<semaphore_mem>> -> memref<!tpu.dma_semaphore, #tpu.memory_space<semaphore_mem>>
    %dma_wait3A_296 = arith.constant 0 : i32
    %dma_wait3A_297 = tpu.memref_slice %arg4[%add3A_209, %dma_wait3A_296] : memref<204800x128xf32, #tpu.memory_space<hbm>> -> memref<256x128xf32, #tpu.memory_space<hbm>>
    %dma_wait3A_298 = arith.constant 0 : i32
    %dma_wait3A_299 = arith.constant 0 : i32
    %dma_wait3A_300 = tpu.memref_slice %arg6[%dma_wait3A_286, %dma_wait3A_298, %dma_wait3A_299] : memref<3x256x128xf32, #tpu.memory_space<vmem>> -> memref<1x256x128xf32, #tpu.memory_space<vmem>>
    %dma_wait3A_301 = tpu.memref_squeeze %dma_wait3A_300 : memref<1x256x128xf32, #tpu.memory_space<vmem>> -> memref<256x128xf32, #tpu.memory_space<vmem>>
    tpu.wait_dma2 semaphore(%dma_wait3A_295 : memref<!tpu.dma_semaphore, #tpu.memory_space<semaphore_mem>>) src(%dma_wait3A_301 : memref<256x128xf32, #tpu.memory_space<vmem>>) dst(%dma_wait3A_297 : memref<256x128xf32, #tpu.memory_space<hbm>>)
    %dma_start3A_302 = arith.constant 0 : i32
    %dma_start3A_303 = arith.constant 0 : i32
    %dma_start3A_304 = arith.constant 0 : i32
    %dma_start3A_305 = arith.constant 0 : i32
    %dma_start3A_306 = tpu.memref_slice %arg6[%dma_start3A_302, %dma_start3A_304, %dma_start3A_305] : memref<3x256x128xf32, #tpu.memory_space<vmem>> -> memref<1x256x128xf32, #tpu.memory_space<vmem>>
    %dma_start3A_307 = tpu.memref_squeeze %dma_start3A_306 : memref<1x256x128xf32, #tpu.memory_space<vmem>> -> memref<256x128xf32, #tpu.memory_space<vmem>>
    %dma_start3A_308 = arith.constant 1536 : i32
    %dma_start3A_309 = tpu.memref_slice %arg5[%dma_start3A_308] : memref<6400xi32, #tpu.memory_space<vmem>> -> memref<256xi32, #tpu.memory_space<vmem>>
    %dma_start3A_310 = arith.constant 0 : i32
    %dma_start3A_311 = arith.constant 0 : i32
    %dma_start3A_312 = tpu.memref_slice %arg2[%dma_start3A_310, %dma_start3A_311] : memref<100000x128xf32, #tpu.memory_space<hbm>> -> memref<100000x128xf32, #tpu.memory_space<hbm>>
    %dma_start3A_313 = tpu.memref_slice %arg8[%dma_start3A_303] : memref<3x!tpu.dma_semaphore, #tpu.memory_space<semaphore_mem>> -> memref<1x!tpu.dma_semaphore, #tpu.memory_space<semaphore_mem>>
    %dma_start3A_314 = tpu.memref_squeeze %dma_start3A_313 : memref<1x!tpu.dma_semaphore, #tpu.memory_space<semaphore_mem>> -> memref<!tpu.dma_semaphore, #tpu.memory_space<semaphore_mem>>
    tpu.enqueue_indirect_dma source(%dma_start3A_312 : memref<100000x128xf32, #tpu.memory_space<hbm>>) target(%dma_start3A_307 : memref<256x128xf32, #tpu.memory_space<vmem>>) offsets(%dma_start3A_309 : memref<256xi32, #tpu.memory_space<vmem>>) semaphore(%dma_start3A_314 : memref<!tpu.dma_semaphore, #tpu.memory_space<semaphore_mem>>)
    %dma_wait3A_315 = arith.constant 2 : i32
    %dma_wait3A_316 = arith.constant 2 : i32
    %dma_wait3A_317 = arith.constant 0 : i32
    %dma_wait3A_318 = arith.constant 0 : i32
    %dma_wait3A_319 = tpu.memref_slice %arg6[%dma_wait3A_315, %dma_wait3A_317, %dma_wait3A_318] : memref<3x256x128xf32, #tpu.memory_space<vmem>> -> memref<1x256x128xf32, #tpu.memory_space<vmem>>
    %dma_wait3A_320 = tpu.memref_squeeze %dma_wait3A_319 : memref<1x256x128xf32, #tpu.memory_space<vmem>> -> memref<256x128xf32, #tpu.memory_space<vmem>>
    %dma_wait3A_321 = arith.constant 1280 : i32
    %dma_wait3A_322 = tpu.memref_slice %arg5[%dma_wait3A_321] : memref<6400xi32, #tpu.memory_space<vmem>> -> memref<256xi32, #tpu.memory_space<vmem>>
    %dma_wait3A_323 = arith.constant 0 : i32
    %dma_wait3A_324 = arith.constant 0 : i32
    %dma_wait3A_325 = tpu.memref_slice %arg2[%dma_wait3A_323, %dma_wait3A_324] : memref<100000x128xf32, #tpu.memory_space<hbm>> -> memref<100000x128xf32, #tpu.memory_space<hbm>>
    %dma_wait3A_326 = tpu.memref_slice %arg8[%dma_wait3A_316] : memref<3x!tpu.dma_semaphore, #tpu.memory_space<semaphore_mem>> -> memref<1x!tpu.dma_semaphore, #tpu.memory_space<semaphore_mem>>
    %dma_wait3A_327 = tpu.memref_squeeze %dma_wait3A_326 : memref<1x!tpu.dma_semaphore, #tpu.memory_space<semaphore_mem>> -> memref<!tpu.dma_semaphore, #tpu.memory_space<semaphore_mem>>
    tpu.wait_indirect_dma semaphore(%dma_wait3A_327 : memref<!tpu.dma_semaphore, #tpu.memory_space<semaphore_mem>>) src(%dma_wait3A_325 : memref<100000x128xf32, #tpu.memory_space<hbm>>) dst(%dma_wait3A_320 : memref<256x128xf32, #tpu.memory_space<vmem>>)
    %add3A_328 = arith.constant 1280 : i32
    %add3A_329 = arith.addi %mul3A_2, %add3A_328 : i32
    %dma_start3A_330 = arith.constant 2 : i32
    %dma_start3A_331 = arith.constant 2 : i32
    %dma_start3A_332 = arith.constant 0 : i32
    %dma_start3A_333 = arith.constant 0 : i32
    %dma_start3A_334 = tpu.memref_slice %arg6[%dma_start3A_330, %dma_start3A_332, %dma_start3A_333] : memref<3x256x128xf32, #tpu.memory_space<vmem>> -> memref<1x256x128xf32, #tpu.memory_space<vmem>>
    %dma_start3A_335 = tpu.memref_squeeze %dma_start3A_334 : memref<1x256x128xf32, #tpu.memory_space<vmem>> -> memref<256x128xf32, #tpu.memory_space<vmem>>
    %dma_start3A_336 = arith.constant 0 : i32
    %dma_start3A_337 = tpu.memref_slice %arg4[%add3A_329, %dma_start3A_336] : memref<204800x128xf32, #tpu.memory_space<hbm>> -> memref<256x128xf32, #tpu.memory_space<hbm>>
    %dma_start3A_338 = tpu.memref_slice %arg9[%dma_start3A_331] : memref<3x!tpu.dma_semaphore, #tpu.memory_space<semaphore_mem>> -> memref<1x!tpu.dma_semaphore, #tpu.memory_space<semaphore_mem>>
    %dma_start3A_339 = tpu.memref_squeeze %dma_start3A_338 : memref<1x!tpu.dma_semaphore, #tpu.memory_space<semaphore_mem>> -> memref<!tpu.dma_semaphore, #tpu.memory_space<semaphore_mem>>
    %dma_start3A_340 = arith.constant 0 : i32
    %dma_start3A_341 = tpu.memref_slice %arg4[%add3A_329, %dma_start3A_340] : memref<204800x128xf32, #tpu.memory_space<hbm>> -> memref<256x128xf32, #tpu.memory_space<hbm>>
    %dma_start3A_342 = arith.constant 0 : i32
    %dma_start3A_343 = arith.constant 0 : i32
    %dma_start3A_344 = tpu.memref_slice %arg6[%dma_start3A_330, %dma_start3A_342, %dma_start3A_343] : memref<3x256x128xf32, #tpu.memory_space<vmem>> -> memref<1x256x128xf32, #tpu.memory_space<vmem>>
    %dma_start3A_345 = tpu.memref_squeeze %dma_start3A_344 : memref<1x256x128xf32, #tpu.memory_space<vmem>> -> memref<256x128xf32, #tpu.memory_space<vmem>>
    tpu.enqueue_dma source(%dma_start3A_345 : memref<256x128xf32, #tpu.memory_space<vmem>>) target(%dma_start3A_341 : memref<256x128xf32, #tpu.memory_space<hbm>>) target_semaphore(%dma_start3A_339 : memref<!tpu.dma_semaphore, #tpu.memory_space<semaphore_mem>>)
    %dma_wait3A_346 = arith.constant 1 : i32
    %dma_wait3A_347 = arith.constant 1 : i32
    %dma_wait3A_348 = arith.constant 0 : i32
    %dma_wait3A_349 = arith.constant 0 : i32
    %dma_wait3A_350 = tpu.memref_slice %arg6[%dma_wait3A_346, %dma_wait3A_348, %dma_wait3A_349] : memref<3x256x128xf32, #tpu.memory_space<vmem>> -> memref<1x256x128xf32, #tpu.memory_space<vmem>>
    %dma_wait3A_351 = tpu.memref_squeeze %dma_wait3A_350 : memref<1x256x128xf32, #tpu.memory_space<vmem>> -> memref<256x128xf32, #tpu.memory_space<vmem>>
    %dma_wait3A_352 = arith.constant 0 : i32
    %dma_wait3A_353 = tpu.memref_slice %arg4[%add3A_269, %dma_wait3A_352] : memref<204800x128xf32, #tpu.memory_space<hbm>> -> memref<256x128xf32, #tpu.memory_space<hbm>>
    %dma_wait3A_354 = tpu.memref_slice %arg9[%dma_wait3A_347] : memref<3x!tpu.dma_semaphore, #tpu.memory_space<semaphore_mem>> -> memref<1x!tpu.dma_semaphore, #tpu.memory_space<semaphore_mem>>
    %dma_wait3A_355 = tpu.memref_squeeze %dma_wait3A_354 : memref<1x!tpu.dma_semaphore, #tpu.memory_space<semaphore_mem>> -> memref<!tpu.dma_semaphore, #tpu.memory_space<semaphore_mem>>
    %dma_wait3A_356 = arith.constant 0 : i32
    %dma_wait3A_357 = tpu.memref_slice %arg4[%add3A_269, %dma_wait3A_356] : memref<204800x128xf32, #tpu.memory_space<hbm>> -> memref<256x128xf32, #tpu.memory_space<hbm>>
    %dma_wait3A_358 = arith.constant 0 : i32
    %dma_wait3A_359 = arith.constant 0 : i32
    %dma_wait3A_360 = tpu.memref_slice %arg6[%dma_wait3A_346, %dma_wait3A_358, %dma_wait3A_359] : memref<3x256x128xf32, #tpu.memory_space<vmem>> -> memref<1x256x128xf32, #tpu.memory_space<vmem>>
    %dma_wait3A_361 = tpu.memref_squeeze %dma_wait3A_360 : memref<1x256x128xf32, #tpu.memory_space<vmem>> -> memref<256x128xf32, #tpu.memory_space<vmem>>
    tpu.wait_dma2 semaphore(%dma_wait3A_355 : memref<!tpu.dma_semaphore, #tpu.memory_space<semaphore_mem>>) src(%dma_wait3A_361 : memref<256x128xf32, #tpu.memory_space<vmem>>) dst(%dma_wait3A_357 : memref<256x128xf32, #tpu.memory_space<hbm>>)
    %dma_start3A_362 = arith.constant 1 : i32
    %dma_start3A_363 = arith.constant 1 : i32
    %dma_start3A_364 = arith.constant 0 : i32
    %dma_start3A_365 = arith.constant 0 : i32
    %dma_start3A_366 = tpu.memref_slice %arg6[%dma_start3A_362, %dma_start3A_364, %dma_start3A_365] : memref<3x256x128xf32, #tpu.memory_space<vmem>> -> memref<1x256x128xf32, #tpu.memory_space<vmem>>
    %dma_start3A_367 = tpu.memref_squeeze %dma_start3A_366 : memref<1x256x128xf32, #tpu.memory_space<vmem>> -> memref<256x128xf32, #tpu.memory_space<vmem>>
    %dma_start3A_368 = arith.constant 1792 : i32
    %dma_start3A_369 = tpu.memref_slice %arg5[%dma_start3A_368] : memref<6400xi32, #tpu.memory_space<vmem>> -> memref<256xi32, #tpu.memory_space<vmem>>
    %dma_start3A_370 = arith.constant 0 : i32
    %dma_start3A_371 = arith.constant 0 : i32
    %dma_start3A_372 = tpu.memref_slice %arg2[%dma_start3A_370, %dma_start3A_371] : memref<100000x128xf32, #tpu.memory_space<hbm>> -> memref<100000x128xf32, #tpu.memory_space<hbm>>
    %dma_start3A_373 = tpu.memref_slice %arg8[%dma_start3A_363] : memref<3x!tpu.dma_semaphore, #tpu.memory_space<semaphore_mem>> -> memref<1x!tpu.dma_semaphore, #tpu.memory_space<semaphore_mem>>
    %dma_start3A_374 = tpu.memref_squeeze %dma_start3A_373 : memref<1x!tpu.dma_semaphore, #tpu.memory_space<semaphore_mem>> -> memref<!tpu.dma_semaphore, #tpu.memory_space<semaphore_mem>>
    tpu.enqueue_indirect_dma source(%dma_start3A_372 : memref<100000x128xf32, #tpu.memory_space<hbm>>) target(%dma_start3A_367 : memref<256x128xf32, #tpu.memory_space<vmem>>) offsets(%dma_start3A_369 : memref<256xi32, #tpu.memory_space<vmem>>) semaphore(%dma_start3A_374 : memref<!tpu.dma_semaphore, #tpu.memory_space<semaphore_mem>>)
    %dma_wait3A_375 = arith.constant 0 : i32
    %dma_wait3A_376 = arith.constant 0 : i32
    %dma_wait3A_377 = arith.constant 0 : i32
    %dma_wait3A_378 = arith.constant 0 : i32
    %dma_wait3A_379 = tpu.memref_slice %arg6[%dma_wait3A_375, %dma_wait3A_377, %dma_wait3A_378] : memref<3x256x128xf32, #tpu.memory_space<vmem>> -> memref<1x256x128xf32, #tpu.memory_space<vmem>>
    %dma_wait3A_380 = tpu.memref_squeeze %dma_wait3A_379 : memref<1x256x128xf32, #tpu.memory_space<vmem>> -> memref<256x128xf32, #tpu.memory_space<vmem>>
    %dma_wait3A_381 = arith.constant 1536 : i32
    %dma_wait3A_382 = tpu.memref_slice %arg5[%dma_wait3A_381] : memref<6400xi32, #tpu.memory_space<vmem>> -> memref<256xi32, #tpu.memory_space<vmem>>
    %dma_wait3A_383 = arith.constant 0 : i32
    %dma_wait3A_384 = arith.constant 0 : i32
    %dma_wait3A_385 = tpu.memref_slice %arg2[%dma_wait3A_383, %dma_wait3A_384] : memref<100000x128xf32, #tpu.memory_space<hbm>> -> memref<100000x128xf32, #tpu.memory_space<hbm>>
    %dma_wait3A_386 = tpu.memref_slice %arg8[%dma_wait3A_376] : memref<3x!tpu.dma_semaphore, #tpu.memory_space<semaphore_mem>> -> memref<1x!tpu.dma_semaphore, #tpu.memory_space<semaphore_mem>>
    %dma_wait3A_387 = tpu.memref_squeeze %dma_wait3A_386 : memref<1x!tpu.dma_semaphore, #tpu.memory_space<semaphore_mem>> -> memref<!tpu.dma_semaphore, #tpu.memory_space<semaphore_mem>>
    tpu.wait_indirect_dma semaphore(%dma_wait3A_387 : memref<!tpu.dma_semaphore, #tpu.memory_space<semaphore_mem>>) src(%dma_wait3A_385 : memref<100000x128xf32, #tpu.memory_space<hbm>>) dst(%dma_wait3A_380 : memref<256x128xf32, #tpu.memory_space<vmem>>)
    %add3A_388 = arith.constant 1536 : i32
    %add3A_389 = arith.addi %mul3A_2, %add3A_388 : i32
    %dma_start3A_390 = arith.constant 0 : i32
    %dma_start3A_391 = arith.constant 0 : i32
    %dma_start3A_392 = arith.constant 0 : i32
    %dma_start3A_393 = arith.constant 0 : i32
    %dma_start3A_394 = tpu.memref_slice %arg6[%dma_start3A_390, %dma_start3A_392, %dma_start3A_393] : memref<3x256x128xf32, #tpu.memory_space<vmem>> -> memref<1x256x128xf32, #tpu.memory_space<vmem>>
    %dma_start3A_395 = tpu.memref_squeeze %dma_start3A_394 : memref<1x256x128xf32, #tpu.memory_space<vmem>> -> memref<256x128xf32, #tpu.memory_space<vmem>>
    %dma_start3A_396 = arith.constant 0 : i32
    %dma_start3A_397 = tpu.memref_slice %arg4[%add3A_389, %dma_start3A_396] : memref<204800x128xf32, #tpu.memory_space<hbm>> -> memref<256x128xf32, #tpu.memory_space<hbm>>
    %dma_start3A_398 = tpu.memref_slice %arg9[%dma_start3A_391] : memref<3x!tpu.dma_semaphore, #tpu.memory_space<semaphore_mem>> -> memref<1x!tpu.dma_semaphore, #tpu.memory_space<semaphore_mem>>
    %dma_start3A_399 = tpu.memref_squeeze %dma_start3A_398 : memref<1x!tpu.dma_semaphore, #tpu.memory_space<semaphore_mem>> -> memref<!tpu.dma_semaphore, #tpu.memory_space<semaphore_mem>>
    %dma_start3A_400 = arith.constant 0 : i32
    %dma_start3A_401 = tpu.memref_slice %arg4[%add3A_389, %dma_start3A_400] : memref<204800x128xf32, #tpu.memory_space<hbm>> -> memref<256x128xf32, #tpu.memory_space<hbm>>
    %dma_start3A_402 = arith.constant 0 : i32
    %dma_start3A_403 = arith.constant 0 : i32
    %dma_start3A_404 = tpu.memref_slice %arg6[%dma_start3A_390, %dma_start3A_402, %dma_start3A_403] : memref<3x256x128xf32, #tpu.memory_space<vmem>> -> memref<1x256x128xf32, #tpu.memory_space<vmem>>
    %dma_start3A_405 = tpu.memref_squeeze %dma_start3A_404 : memref<1x256x128xf32, #tpu.memory_space<vmem>> -> memref<256x128xf32, #tpu.memory_space<vmem>>
    tpu.enqueue_dma source(%dma_start3A_405 : memref<256x128xf32, #tpu.memory_space<vmem>>) target(%dma_start3A_401 : memref<256x128xf32, #tpu.memory_space<hbm>>) target_semaphore(%dma_start3A_399 : memref<!tpu.dma_semaphore, #tpu.memory_space<semaphore_mem>>)
    %dma_wait3A_406 = arith.constant 2 : i32
    %dma_wait3A_407 = arith.constant 2 : i32
    %dma_wait3A_408 = arith.constant 0 : i32
    %dma_wait3A_409 = arith.constant 0 : i32
    %dma_wait3A_410 = tpu.memref_slice %arg6[%dma_wait3A_406, %dma_wait3A_408, %dma_wait3A_409] : memref<3x256x128xf32, #tpu.memory_space<vmem>> -> memref<1x256x128xf32, #tpu.memory_space<vmem>>
    %dma_wait3A_411 = tpu.memref_squeeze %dma_wait3A_410 : memref<1x256x128xf32, #tpu.memory_space<vmem>> -> memref<256x128xf32, #tpu.memory_space<vmem>>
    %dma_wait3A_412 = arith.constant 0 : i32
    %dma_wait3A_413 = tpu.memref_slice %arg4[%add3A_329, %dma_wait3A_412] : memref<204800x128xf32, #tpu.memory_space<hbm>> -> memref<256x128xf32, #tpu.memory_space<hbm>>
    %dma_wait3A_414 = tpu.memref_slice %arg9[%dma_wait3A_407] : memref<3x!tpu.dma_semaphore, #tpu.memory_space<semaphore_mem>> -> memref<1x!tpu.dma_semaphore, #tpu.memory_space<semaphore_mem>>
    %dma_wait3A_415 = tpu.memref_squeeze %dma_wait3A_414 : memref<1x!tpu.dma_semaphore, #tpu.memory_space<semaphore_mem>> -> memref<!tpu.dma_semaphore, #tpu.memory_space<semaphore_mem>>
    %dma_wait3A_416 = arith.constant 0 : i32
    %dma_wait3A_417 = tpu.memref_slice %arg4[%add3A_329, %dma_wait3A_416] : memref<204800x128xf32, #tpu.memory_space<hbm>> -> memref<256x128xf32, #tpu.memory_space<hbm>>
    %dma_wait3A_418 = arith.constant 0 : i32
    %dma_wait3A_419 = arith.constant 0 : i32
    %dma_wait3A_420 = tpu.memref_slice %arg6[%dma_wait3A_406, %dma_wait3A_418, %dma_wait3A_419] : memref<3x256x128xf32, #tpu.memory_space<vmem>> -> memref<1x256x128xf32, #tpu.memory_space<vmem>>
    %dma_wait3A_421 = tpu.memref_squeeze %dma_wait3A_420 : memref<1x256x128xf32, #tpu.memory_space<vmem>> -> memref<256x128xf32, #tpu.memory_space<vmem>>
    tpu.wait_dma2 semaphore(%dma_wait3A_415 : memref<!tpu.dma_semaphore, #tpu.memory_space<semaphore_mem>>) src(%dma_wait3A_421 : memref<256x128xf32, #tpu.memory_space<vmem>>) dst(%dma_wait3A_417 : memref<256x128xf32, #tpu.memory_space<hbm>>)
    %dma_start3A_422 = arith.constant 2 : i32
    %dma_start3A_423 = arith.constant 2 : i32
    %dma_start3A_424 = arith.constant 0 : i32
    %dma_start3A_425 = arith.constant 0 : i32
    %dma_start3A_426 = tpu.memref_slice %arg6[%dma_start3A_422, %dma_start3A_424, %dma_start3A_425] : memref<3x256x128xf32, #tpu.memory_space<vmem>> -> memref<1x256x128xf32, #tpu.memory_space<vmem>>
    %dma_start3A_427 = tpu.memref_squeeze %dma_start3A_426 : memref<1x256x128xf32, #tpu.memory_space<vmem>> -> memref<256x128xf32, #tpu.memory_space<vmem>>
    %dma_start3A_428 = arith.constant 2048 : i32
    %dma_start3A_429 = tpu.memref_slice %arg5[%dma_start3A_428] : memref<6400xi32, #tpu.memory_space<vmem>> -> memref<256xi32, #tpu.memory_space<vmem>>
    %dma_start3A_430 = arith.constant 0 : i32
    %dma_start3A_431 = arith.constant 0 : i32
    %dma_start3A_432 = tpu.memref_slice %arg2[%dma_start3A_430, %dma_start3A_431] : memref<100000x128xf32, #tpu.memory_space<hbm>> -> memref<100000x128xf32, #tpu.memory_space<hbm>>
    %dma_start3A_433 = tpu.memref_slice %arg8[%dma_start3A_423] : memref<3x!tpu.dma_semaphore, #tpu.memory_space<semaphore_mem>> -> memref<1x!tpu.dma_semaphore, #tpu.memory_space<semaphore_mem>>
    %dma_start3A_434 = tpu.memref_squeeze %dma_start3A_433 : memref<1x!tpu.dma_semaphore, #tpu.memory_space<semaphore_mem>> -> memref<!tpu.dma_semaphore, #tpu.memory_space<semaphore_mem>>
    tpu.enqueue_indirect_dma source(%dma_start3A_432 : memref<100000x128xf32, #tpu.memory_space<hbm>>) target(%dma_start3A_427 : memref<256x128xf32, #tpu.memory_space<vmem>>) offsets(%dma_start3A_429 : memref<256xi32, #tpu.memory_space<vmem>>) semaphore(%dma_start3A_434 : memref<!tpu.dma_semaphore, #tpu.memory_space<semaphore_mem>>)
    %dma_wait3A_435 = arith.constant 1 : i32
    %dma_wait3A_436 = arith.constant 1 : i32
    %dma_wait3A_437 = arith.constant 0 : i32
    %dma_wait3A_438 = arith.constant 0 : i32
    %dma_wait3A_439 = tpu.memref_slice %arg6[%dma_wait3A_435, %dma_wait3A_437, %dma_wait3A_438] : memref<3x256x128xf32, #tpu.memory_space<vmem>> -> memref<1x256x128xf32, #tpu.memory_space<vmem>>
    %dma_wait3A_440 = tpu.memref_squeeze %dma_wait3A_439 : memref<1x256x128xf32, #tpu.memory_space<vmem>> -> memref<256x128xf32, #tpu.memory_space<vmem>>
    %dma_wait3A_441 = arith.constant 1792 : i32
    %dma_wait3A_442 = tpu.memref_slice %arg5[%dma_wait3A_441] : memref<6400xi32, #tpu.memory_space<vmem>> -> memref<256xi32, #tpu.memory_space<vmem>>
    %dma_wait3A_443 = arith.constant 0 : i32
    %dma_wait3A_444 = arith.constant 0 : i32
    %dma_wait3A_445 = tpu.memref_slice %arg2[%dma_wait3A_443, %dma_wait3A_444] : memref<100000x128xf32, #tpu.memory_space<hbm>> -> memref<100000x128xf32, #tpu.memory_space<hbm>>
    %dma_wait3A_446 = tpu.memref_slice %arg8[%dma_wait3A_436] : memref<3x!tpu.dma_semaphore, #tpu.memory_space<semaphore_mem>> -> memref<1x!tpu.dma_semaphore, #tpu.memory_space<semaphore_mem>>
    %dma_wait3A_447 = tpu.memref_squeeze %dma_wait3A_446 : memref<1x!tpu.dma_semaphore, #tpu.memory_space<semaphore_mem>> -> memref<!tpu.dma_semaphore, #tpu.memory_space<semaphore_mem>>
    tpu.wait_indirect_dma semaphore(%dma_wait3A_447 : memref<!tpu.dma_semaphore, #tpu.memory_space<semaphore_mem>>) src(%dma_wait3A_445 : memref<100000x128xf32, #tpu.memory_space<hbm>>) dst(%dma_wait3A_440 : memref<256x128xf32, #tpu.memory_space<vmem>>)
    %add3A_448 = arith.constant 1792 : i32
    %add3A_449 = arith.addi %mul3A_2, %add3A_448 : i32
    %dma_start3A_450 = arith.constant 1 : i32
    %dma_start3A_451 = arith.constant 1 : i32
    %dma_start3A_452 = arith.constant 0 : i32
    %dma_start3A_453 = arith.constant 0 : i32
    %dma_start3A_454 = tpu.memref_slice %arg6[%dma_start3A_450, %dma_start3A_452, %dma_start3A_453] : memref<3x256x128xf32, #tpu.memory_space<vmem>> -> memref<1x256x128xf32, #tpu.memory_space<vmem>>
    %dma_start3A_455 = tpu.memref_squeeze %dma_start3A_454 : memref<1x256x128xf32, #tpu.memory_space<vmem>> -> memref<256x128xf32, #tpu.memory_space<vmem>>
    %dma_start3A_456 = arith.constant 0 : i32
    %dma_start3A_457 = tpu.memref_slice %arg4[%add3A_449, %dma_start3A_456] : memref<204800x128xf32, #tpu.memory_space<hbm>> -> memref<256x128xf32, #tpu.memory_space<hbm>>
    %dma_start3A_458 = tpu.memref_slice %arg9[%dma_start3A_451] : memref<3x!tpu.dma_semaphore, #tpu.memory_space<semaphore_mem>> -> memref<1x!tpu.dma_semaphore, #tpu.memory_space<semaphore_mem>>
    %dma_start3A_459 = tpu.memref_squeeze %dma_start3A_458 : memref<1x!tpu.dma_semaphore, #tpu.memory_space<semaphore_mem>> -> memref<!tpu.dma_semaphore, #tpu.memory_space<semaphore_mem>>
    %dma_start3A_460 = arith.constant 0 : i32
    %dma_start3A_461 = tpu.memref_slice %arg4[%add3A_449, %dma_start3A_460] : memref<204800x128xf32, #tpu.memory_space<hbm>> -> memref<256x128xf32, #tpu.memory_space<hbm>>
    %dma_start3A_462 = arith.constant 0 : i32
    %dma_start3A_463 = arith.constant 0 : i32
    %dma_start3A_464 = tpu.memref_slice %arg6[%dma_start3A_450, %dma_start3A_462, %dma_start3A_463] : memref<3x256x128xf32, #tpu.memory_space<vmem>> -> memref<1x256x128xf32, #tpu.memory_space<vmem>>
    %dma_start3A_465 = tpu.memref_squeeze %dma_start3A_464 : memref<1x256x128xf32, #tpu.memory_space<vmem>> -> memref<256x128xf32, #tpu.memory_space<vmem>>
    tpu.enqueue_dma source(%dma_start3A_465 : memref<256x128xf32, #tpu.memory_space<vmem>>) target(%dma_start3A_461 : memref<256x128xf32, #tpu.memory_space<hbm>>) target_semaphore(%dma_start3A_459 : memref<!tpu.dma_semaphore, #tpu.memory_space<semaphore_mem>>)
    %dma_wait3A_466 = arith.constant 0 : i32
    %dma_wait3A_467 = arith.constant 0 : i32
    %dma_wait3A_468 = arith.constant 0 : i32
    %dma_wait3A_469 = arith.constant 0 : i32
    %dma_wait3A_470 = tpu.memref_slice %arg6[%dma_wait3A_466, %dma_wait3A_468, %dma_wait3A_469] : memref<3x256x128xf32, #tpu.memory_space<vmem>> -> memref<1x256x128xf32, #tpu.memory_space<vmem>>
    %dma_wait3A_471 = tpu.memref_squeeze %dma_wait3A_470 : memref<1x256x128xf32, #tpu.memory_space<vmem>> -> memref<256x128xf32, #tpu.memory_space<vmem>>
    %dma_wait3A_472 = arith.constant 0 : i32
    %dma_wait3A_473 = tpu.memref_slice %arg4[%add3A_389, %dma_wait3A_472] : memref<204800x128xf32, #tpu.memory_space<hbm>> -> memref<256x128xf32, #tpu.memory_space<hbm>>
    %dma_wait3A_474 = tpu.memref_slice %arg9[%dma_wait3A_467] : memref<3x!tpu.dma_semaphore, #tpu.memory_space<semaphore_mem>> -> memref<1x!tpu.dma_semaphore, #tpu.memory_space<semaphore_mem>>
    %dma_wait3A_475 = tpu.memref_squeeze %dma_wait3A_474 : memref<1x!tpu.dma_semaphore, #tpu.memory_space<semaphore_mem>> -> memref<!tpu.dma_semaphore, #tpu.memory_space<semaphore_mem>>
    %dma_wait3A_476 = arith.constant 0 : i32
    %dma_wait3A_477 = tpu.memref_slice %arg4[%add3A_389, %dma_wait3A_476] : memref<204800x128xf32, #tpu.memory_space<hbm>> -> memref<256x128xf32, #tpu.memory_space<hbm>>
    %dma_wait3A_478 = arith.constant 0 : i32
    %dma_wait3A_479 = arith.constant 0 : i32
    %dma_wait3A_480 = tpu.memref_slice %arg6[%dma_wait3A_466, %dma_wait3A_478, %dma_wait3A_479] : memref<3x256x128xf32, #tpu.memory_space<vmem>> -> memref<1x256x128xf32, #tpu.memory_space<vmem>>
    %dma_wait3A_481 = tpu.memref_squeeze %dma_wait3A_480 : memref<1x256x128xf32, #tpu.memory_space<vmem>> -> memref<256x128xf32, #tpu.memory_space<vmem>>
    tpu.wait_dma2 semaphore(%dma_wait3A_475 : memref<!tpu.dma_semaphore, #tpu.memory_space<semaphore_mem>>) src(%dma_wait3A_481 : memref<256x128xf32, #tpu.memory_space<vmem>>) dst(%dma_wait3A_477 : memref<256x128xf32, #tpu.memory_space<hbm>>)
    %dma_start3A_482 = arith.constant 0 : i32
    %dma_start3A_483 = arith.constant 0 : i32
    %dma_start3A_484 = arith.constant 0 : i32
    %dma_start3A_485 = arith.constant 0 : i32
    %dma_start3A_486 = tpu.memref_slice %arg6[%dma_start3A_482, %dma_start3A_484, %dma_start3A_485] : memref<3x256x128xf32, #tpu.memory_space<vmem>> -> memref<1x256x128xf32, #tpu.memory_space<vmem>>
    %dma_start3A_487 = tpu.memref_squeeze %dma_start3A_486 : memref<1x256x128xf32, #tpu.memory_space<vmem>> -> memref<256x128xf32, #tpu.memory_space<vmem>>
    %dma_start3A_488 = arith.constant 2304 : i32
    %dma_start3A_489 = tpu.memref_slice %arg5[%dma_start3A_488] : memref<6400xi32, #tpu.memory_space<vmem>> -> memref<256xi32, #tpu.memory_space<vmem>>
    %dma_start3A_490 = arith.constant 0 : i32
    %dma_start3A_491 = arith.constant 0 : i32
    %dma_start3A_492 = tpu.memref_slice %arg2[%dma_start3A_490, %dma_start3A_491] : memref<100000x128xf32, #tpu.memory_space<hbm>> -> memref<100000x128xf32, #tpu.memory_space<hbm>>
    %dma_start3A_493 = tpu.memref_slice %arg8[%dma_start3A_483] : memref<3x!tpu.dma_semaphore, #tpu.memory_space<semaphore_mem>> -> memref<1x!tpu.dma_semaphore, #tpu.memory_space<semaphore_mem>>
    %dma_start3A_494 = tpu.memref_squeeze %dma_start3A_493 : memref<1x!tpu.dma_semaphore, #tpu.memory_space<semaphore_mem>> -> memref<!tpu.dma_semaphore, #tpu.memory_space<semaphore_mem>>
    tpu.enqueue_indirect_dma source(%dma_start3A_492 : memref<100000x128xf32, #tpu.memory_space<hbm>>) target(%dma_start3A_487 : memref<256x128xf32, #tpu.memory_space<vmem>>) offsets(%dma_start3A_489 : memref<256xi32, #tpu.memory_space<vmem>>) semaphore(%dma_start3A_494 : memref<!tpu.dma_semaphore, #tpu.memory_space<semaphore_mem>>)
    %dma_wait3A_495 = arith.constant 2 : i32
    %dma_wait3A_496 = arith.constant 2 : i32
    %dma_wait3A_497 = arith.constant 0 : i32
    %dma_wait3A_498 = arith.constant 0 : i32
    %dma_wait3A_499 = tpu.memref_slice %arg6[%dma_wait3A_495, %dma_wait3A_497, %dma_wait3A_498] : memref<3x256x128xf32, #tpu.memory_space<vmem>> -> memref<1x256x128xf32, #tpu.memory_space<vmem>>
    %dma_wait3A_500 = tpu.memref_squeeze %dma_wait3A_499 : memref<1x256x128xf32, #tpu.memory_space<vmem>> -> memref<256x128xf32, #tpu.memory_space<vmem>>
    %dma_wait3A_501 = arith.constant 2048 : i32
    %dma_wait3A_502 = tpu.memref_slice %arg5[%dma_wait3A_501] : memref<6400xi32, #tpu.memory_space<vmem>> -> memref<256xi32, #tpu.memory_space<vmem>>
    %dma_wait3A_503 = arith.constant 0 : i32
    %dma_wait3A_504 = arith.constant 0 : i32
    %dma_wait3A_505 = tpu.memref_slice %arg2[%dma_wait3A_503, %dma_wait3A_504] : memref<100000x128xf32, #tpu.memory_space<hbm>> -> memref<100000x128xf32, #tpu.memory_space<hbm>>
    %dma_wait3A_506 = tpu.memref_slice %arg8[%dma_wait3A_496] : memref<3x!tpu.dma_semaphore, #tpu.memory_space<semaphore_mem>> -> memref<1x!tpu.dma_semaphore, #tpu.memory_space<semaphore_mem>>
    %dma_wait3A_507 = tpu.memref_squeeze %dma_wait3A_506 : memref<1x!tpu.dma_semaphore, #tpu.memory_space<semaphore_mem>> -> memref<!tpu.dma_semaphore, #tpu.memory_space<semaphore_mem>>
    tpu.wait_indirect_dma semaphore(%dma_wait3A_507 : memref<!tpu.dma_semaphore, #tpu.memory_space<semaphore_mem>>) src(%dma_wait3A_505 : memref<100000x128xf32, #tpu.memory_space<hbm>>) dst(%dma_wait3A_500 : memref<256x128xf32, #tpu.memory_space<vmem>>)
    %add3A_508 = arith.constant 2048 : i32
    %add3A_509 = arith.addi %mul3A_2, %add3A_508 : i32
    %dma_start3A_510 = arith.constant 2 : i32
    %dma_start3A_511 = arith.constant 2 : i32
    %dma_start3A_512 = arith.constant 0 : i32
    %dma_start3A_513 = arith.constant 0 : i32
    %dma_start3A_514 = tpu.memref_slice %arg6[%dma_start3A_510, %dma_start3A_512, %dma_start3A_513] : memref<3x256x128xf32, #tpu.memory_space<vmem>> -> memref<1x256x128xf32, #tpu.memory_space<vmem>>
    %dma_start3A_515 = tpu.memref_squeeze %dma_start3A_514 : memref<1x256x128xf32, #tpu.memory_space<vmem>> -> memref<256x128xf32, #tpu.memory_space<vmem>>
    %dma_start3A_516 = arith.constant 0 : i32
    %dma_start3A_517 = tpu.memref_slice %arg4[%add3A_509, %dma_start3A_516] : memref<204800x128xf32, #tpu.memory_space<hbm>> -> memref<256x128xf32, #tpu.memory_space<hbm>>
    %dma_start3A_518 = tpu.memref_slice %arg9[%dma_start3A_511] : memref<3x!tpu.dma_semaphore, #tpu.memory_space<semaphore_mem>> -> memref<1x!tpu.dma_semaphore, #tpu.memory_space<semaphore_mem>>
    %dma_start3A_519 = tpu.memref_squeeze %dma_start3A_518 : memref<1x!tpu.dma_semaphore, #tpu.memory_space<semaphore_mem>> -> memref<!tpu.dma_semaphore, #tpu.memory_space<semaphore_mem>>
    %dma_start3A_520 = arith.constant 0 : i32
    %dma_start3A_521 = tpu.memref_slice %arg4[%add3A_509, %dma_start3A_520] : memref<204800x128xf32, #tpu.memory_space<hbm>> -> memref<256x128xf32, #tpu.memory_space<hbm>>
    %dma_start3A_522 = arith.constant 0 : i32
    %dma_start3A_523 = arith.constant 0 : i32
    %dma_start3A_524 = tpu.memref_slice %arg6[%dma_start3A_510, %dma_start3A_522, %dma_start3A_523] : memref<3x256x128xf32, #tpu.memory_space<vmem>> -> memref<1x256x128xf32, #tpu.memory_space<vmem>>
    %dma_start3A_525 = tpu.memref_squeeze %dma_start3A_524 : memref<1x256x128xf32, #tpu.memory_space<vmem>> -> memref<256x128xf32, #tpu.memory_space<vmem>>
    tpu.enqueue_dma source(%dma_start3A_525 : memref<256x128xf32, #tpu.memory_space<vmem>>) target(%dma_start3A_521 : memref<256x128xf32, #tpu.memory_space<hbm>>) target_semaphore(%dma_start3A_519 : memref<!tpu.dma_semaphore, #tpu.memory_space<semaphore_mem>>)
    %dma_wait3A_526 = arith.constant 1 : i32
    %dma_wait3A_527 = arith.constant 1 : i32
    %dma_wait3A_528 = arith.constant 0 : i32
    %dma_wait3A_529 = arith.constant 0 : i32
    %dma_wait3A_530 = tpu.memref_slice %arg6[%dma_wait3A_526, %dma_wait3A_528, %dma_wait3A_529] : memref<3x256x128xf32, #tpu.memory_space<vmem>> -> memref<1x256x128xf32, #tpu.memory_space<vmem>>
    %dma_wait3A_531 = tpu.memref_squeeze %dma_wait3A_530 : memref<1x256x128xf32, #tpu.memory_space<vmem>> -> memref<256x128xf32, #tpu.memory_space<vmem>>
    %dma_wait3A_532 = arith.constant 0 : i32
    %dma_wait3A_533 = tpu.memref_slice %arg4[%add3A_449, %dma_wait3A_532] : memref<204800x128xf32, #tpu.memory_space<hbm>> -> memref<256x128xf32, #tpu.memory_space<hbm>>
    %dma_wait3A_534 = tpu.memref_slice %arg9[%dma_wait3A_527] : memref<3x!tpu.dma_semaphore, #tpu.memory_space<semaphore_mem>> -> memref<1x!tpu.dma_semaphore, #tpu.memory_space<semaphore_mem>>
    %dma_wait3A_535 = tpu.memref_squeeze %dma_wait3A_534 : memref<1x!tpu.dma_semaphore, #tpu.memory_space<semaphore_mem>> -> memref<!tpu.dma_semaphore, #tpu.memory_space<semaphore_mem>>
    %dma_wait3A_536 = arith.constant 0 : i32
    %dma_wait3A_537 = tpu.memref_slice %arg4[%add3A_449, %dma_wait3A_536] : memref<204800x128xf32, #tpu.memory_space<hbm>> -> memref<256x128xf32, #tpu.memory_space<hbm>>
    %dma_wait3A_538 = arith.constant 0 : i32
    %dma_wait3A_539 = arith.constant 0 : i32
    %dma_wait3A_540 = tpu.memref_slice %arg6[%dma_wait3A_526, %dma_wait3A_538, %dma_wait3A_539] : memref<3x256x128xf32, #tpu.memory_space<vmem>> -> memref<1x256x128xf32, #tpu.memory_space<vmem>>
    %dma_wait3A_541 = tpu.memref_squeeze %dma_wait3A_540 : memref<1x256x128xf32, #tpu.memory_space<vmem>> -> memref<256x128xf32, #tpu.memory_space<vmem>>
    tpu.wait_dma2 semaphore(%dma_wait3A_535 : memref<!tpu.dma_semaphore, #tpu.memory_space<semaphore_mem>>) src(%dma_wait3A_541 : memref<256x128xf32, #tpu.memory_space<vmem>>) dst(%dma_wait3A_537 : memref<256x128xf32, #tpu.memory_space<hbm>>)
    %dma_start3A_542 = arith.constant 1 : i32
    %dma_start3A_543 = arith.constant 1 : i32
    %dma_start3A_544 = arith.constant 0 : i32
    %dma_start3A_545 = arith.constant 0 : i32
    %dma_start3A_546 = tpu.memref_slice %arg6[%dma_start3A_542, %dma_start3A_544, %dma_start3A_545] : memref<3x256x128xf32, #tpu.memory_space<vmem>> -> memref<1x256x128xf32, #tpu.memory_space<vmem>>
    %dma_start3A_547 = tpu.memref_squeeze %dma_start3A_546 : memref<1x256x128xf32, #tpu.memory_space<vmem>> -> memref<256x128xf32, #tpu.memory_space<vmem>>
    %dma_start3A_548 = arith.constant 2560 : i32
    %dma_start3A_549 = tpu.memref_slice %arg5[%dma_start3A_548] : memref<6400xi32, #tpu.memory_space<vmem>> -> memref<256xi32, #tpu.memory_space<vmem>>
    %dma_start3A_550 = arith.constant 0 : i32
    %dma_start3A_551 = arith.constant 0 : i32
    %dma_start3A_552 = tpu.memref_slice %arg2[%dma_start3A_550, %dma_start3A_551] : memref<100000x128xf32, #tpu.memory_space<hbm>> -> memref<100000x128xf32, #tpu.memory_space<hbm>>
    %dma_start3A_553 = tpu.memref_slice %arg8[%dma_start3A_543] : memref<3x!tpu.dma_semaphore, #tpu.memory_space<semaphore_mem>> -> memref<1x!tpu.dma_semaphore, #tpu.memory_space<semaphore_mem>>
    %dma_start3A_554 = tpu.memref_squeeze %dma_start3A_553 : memref<1x!tpu.dma_semaphore, #tpu.memory_space<semaphore_mem>> -> memref<!tpu.dma_semaphore, #tpu.memory_space<semaphore_mem>>
    tpu.enqueue_indirect_dma source(%dma_start3A_552 : memref<100000x128xf32, #tpu.memory_space<hbm>>) target(%dma_start3A_547 : memref<256x128xf32, #tpu.memory_space<vmem>>) offsets(%dma_start3A_549 : memref<256xi32, #tpu.memory_space<vmem>>) semaphore(%dma_start3A_554 : memref<!tpu.dma_semaphore, #tpu.memory_space<semaphore_mem>>)
    %dma_wait3A_555 = arith.constant 0 : i32
    %dma_wait3A_556 = arith.constant 0 : i32
    %dma_wait3A_557 = arith.constant 0 : i32
    %dma_wait3A_558 = arith.constant 0 : i32
    %dma_wait3A_559 = tpu.memref_slice %arg6[%dma_wait3A_555, %dma_wait3A_557, %dma_wait3A_558] : memref<3x256x128xf32, #tpu.memory_space<vmem>> -> memref<1x256x128xf32, #tpu.memory_space<vmem>>
    %dma_wait3A_560 = tpu.memref_squeeze %dma_wait3A_559 : memref<1x256x128xf32, #tpu.memory_space<vmem>> -> memref<256x128xf32, #tpu.memory_space<vmem>>
    %dma_wait3A_561 = arith.constant 2304 : i32
    %dma_wait3A_562 = tpu.memref_slice %arg5[%dma_wait3A_561] : memref<6400xi32, #tpu.memory_space<vmem>> -> memref<256xi32, #tpu.memory_space<vmem>>
    %dma_wait3A_563 = arith.constant 0 : i32
    %dma_wait3A_564 = arith.constant 0 : i32
    %dma_wait3A_565 = tpu.memref_slice %arg2[%dma_wait3A_563, %dma_wait3A_564] : memref<100000x128xf32, #tpu.memory_space<hbm>> -> memref<100000x128xf32, #tpu.memory_space<hbm>>
    %dma_wait3A_566 = tpu.memref_slice %arg8[%dma_wait3A_556] : memref<3x!tpu.dma_semaphore, #tpu.memory_space<semaphore_mem>> -> memref<1x!tpu.dma_semaphore, #tpu.memory_space<semaphore_mem>>
    %dma_wait3A_567 = tpu.memref_squeeze %dma_wait3A_566 : memref<1x!tpu.dma_semaphore, #tpu.memory_space<semaphore_mem>> -> memref<!tpu.dma_semaphore, #tpu.memory_space<semaphore_mem>>
    tpu.wait_indirect_dma semaphore(%dma_wait3A_567 : memref<!tpu.dma_semaphore, #tpu.memory_space<semaphore_mem>>) src(%dma_wait3A_565 : memref<100000x128xf32, #tpu.memory_space<hbm>>) dst(%dma_wait3A_560 : memref<256x128xf32, #tpu.memory_space<vmem>>)
    %add3A_568 = arith.constant 2304 : i32
    %add3A_569 = arith.addi %mul3A_2, %add3A_568 : i32
    %dma_start3A_570 = arith.constant 0 : i32
    %dma_start3A_571 = arith.constant 0 : i32
    %dma_start3A_572 = arith.constant 0 : i32
    %dma_start3A_573 = arith.constant 0 : i32
    %dma_start3A_574 = tpu.memref_slice %arg6[%dma_start3A_570, %dma_start3A_572, %dma_start3A_573] : memref<3x256x128xf32, #tpu.memory_space<vmem>> -> memref<1x256x128xf32, #tpu.memory_space<vmem>>
    %dma_start3A_575 = tpu.memref_squeeze %dma_start3A_574 : memref<1x256x128xf32, #tpu.memory_space<vmem>> -> memref<256x128xf32, #tpu.memory_space<vmem>>
    %dma_start3A_576 = arith.constant 0 : i32
    %dma_start3A_577 = tpu.memref_slice %arg4[%add3A_569, %dma_start3A_576] : memref<204800x128xf32, #tpu.memory_space<hbm>> -> memref<256x128xf32, #tpu.memory_space<hbm>>
    %dma_start3A_578 = tpu.memref_slice %arg9[%dma_start3A_571] : memref<3x!tpu.dma_semaphore, #tpu.memory_space<semaphore_mem>> -> memref<1x!tpu.dma_semaphore, #tpu.memory_space<semaphore_mem>>
    %dma_start3A_579 = tpu.memref_squeeze %dma_start3A_578 : memref<1x!tpu.dma_semaphore, #tpu.memory_space<semaphore_mem>> -> memref<!tpu.dma_semaphore, #tpu.memory_space<semaphore_mem>>
    %dma_start3A_580 = arith.constant 0 : i32
    %dma_start3A_581 = tpu.memref_slice %arg4[%add3A_569, %dma_start3A_580] : memref<204800x128xf32, #tpu.memory_space<hbm>> -> memref<256x128xf32, #tpu.memory_space<hbm>>
    %dma_start3A_582 = arith.constant 0 : i32
    %dma_start3A_583 = arith.constant 0 : i32
    %dma_start3A_584 = tpu.memref_slice %arg6[%dma_start3A_570, %dma_start3A_582, %dma_start3A_583] : memref<3x256x128xf32, #tpu.memory_space<vmem>> -> memref<1x256x128xf32, #tpu.memory_space<vmem>>
    %dma_start3A_585 = tpu.memref_squeeze %dma_start3A_584 : memref<1x256x128xf32, #tpu.memory_space<vmem>> -> memref<256x128xf32, #tpu.memory_space<vmem>>
    tpu.enqueue_dma source(%dma_start3A_585 : memref<256x128xf32, #tpu.memory_space<vmem>>) target(%dma_start3A_581 : memref<256x128xf32, #tpu.memory_space<hbm>>) target_semaphore(%dma_start3A_579 : memref<!tpu.dma_semaphore, #tpu.memory_space<semaphore_mem>>)
    %dma_wait3A_586 = arith.constant 2 : i32
    %dma_wait3A_587 = arith.constant 2 : i32
    %dma_wait3A_588 = arith.constant 0 : i32
    %dma_wait3A_589 = arith.constant 0 : i32
    %dma_wait3A_590 = tpu.memref_slice %arg6[%dma_wait3A_586, %dma_wait3A_588, %dma_wait3A_589] : memref<3x256x128xf32, #tpu.memory_space<vmem>> -> memref<1x256x128xf32, #tpu.memory_space<vmem>>
    %dma_wait3A_591 = tpu.memref_squeeze %dma_wait3A_590 : memref<1x256x128xf32, #tpu.memory_space<vmem>> -> memref<256x128xf32, #tpu.memory_space<vmem>>
    %dma_wait3A_592 = arith.constant 0 : i32
    %dma_wait3A_593 = tpu.memref_slice %arg4[%add3A_509, %dma_wait3A_592] : memref<204800x128xf32, #tpu.memory_space<hbm>> -> memref<256x128xf32, #tpu.memory_space<hbm>>
    %dma_wait3A_594 = tpu.memref_slice %arg9[%dma_wait3A_587] : memref<3x!tpu.dma_semaphore, #tpu.memory_space<semaphore_mem>> -> memref<1x!tpu.dma_semaphore, #tpu.memory_space<semaphore_mem>>
    %dma_wait3A_595 = tpu.memref_squeeze %dma_wait3A_594 : memref<1x!tpu.dma_semaphore, #tpu.memory_space<semaphore_mem>> -> memref<!tpu.dma_semaphore, #tpu.memory_space<semaphore_mem>>
    %dma_wait3A_596 = arith.constant 0 : i32
    %dma_wait3A_597 = tpu.memref_slice %arg4[%add3A_509, %dma_wait3A_596] : memref<204800x128xf32, #tpu.memory_space<hbm>> -> memref<256x128xf32, #tpu.memory_space<hbm>>
    %dma_wait3A_598 = arith.constant 0 : i32
    %dma_wait3A_599 = arith.constant 0 : i32
    %dma_wait3A_600 = tpu.memref_slice %arg6[%dma_wait3A_586, %dma_wait3A_598, %dma_wait3A_599] : memref<3x256x128xf32, #tpu.memory_space<vmem>> -> memref<1x256x128xf32, #tpu.memory_space<vmem>>
    %dma_wait3A_601 = tpu.memref_squeeze %dma_wait3A_600 : memref<1x256x128xf32, #tpu.memory_space<vmem>> -> memref<256x128xf32, #tpu.memory_space<vmem>>
    tpu.wait_dma2 semaphore(%dma_wait3A_595 : memref<!tpu.dma_semaphore, #tpu.memory_space<semaphore_mem>>) src(%dma_wait3A_601 : memref<256x128xf32, #tpu.memory_space<vmem>>) dst(%dma_wait3A_597 : memref<256x128xf32, #tpu.memory_space<hbm>>)
    %dma_start3A_602 = arith.constant 2 : i32
    %dma_start3A_603 = arith.constant 2 : i32
    %dma_start3A_604 = arith.constant 0 : i32
    %dma_start3A_605 = arith.constant 0 : i32
    %dma_start3A_606 = tpu.memref_slice %arg6[%dma_start3A_602, %dma_start3A_604, %dma_start3A_605] : memref<3x256x128xf32, #tpu.memory_space<vmem>> -> memref<1x256x128xf32, #tpu.memory_space<vmem>>
    %dma_start3A_607 = tpu.memref_squeeze %dma_start3A_606 : memref<1x256x128xf32, #tpu.memory_space<vmem>> -> memref<256x128xf32, #tpu.memory_space<vmem>>
    %dma_start3A_608 = arith.constant 2816 : i32
    %dma_start3A_609 = tpu.memref_slice %arg5[%dma_start3A_608] : memref<6400xi32, #tpu.memory_space<vmem>> -> memref<256xi32, #tpu.memory_space<vmem>>
    %dma_start3A_610 = arith.constant 0 : i32
    %dma_start3A_611 = arith.constant 0 : i32
    %dma_start3A_612 = tpu.memref_slice %arg2[%dma_start3A_610, %dma_start3A_611] : memref<100000x128xf32, #tpu.memory_space<hbm>> -> memref<100000x128xf32, #tpu.memory_space<hbm>>
    %dma_start3A_613 = tpu.memref_slice %arg8[%dma_start3A_603] : memref<3x!tpu.dma_semaphore, #tpu.memory_space<semaphore_mem>> -> memref<1x!tpu.dma_semaphore, #tpu.memory_space<semaphore_mem>>
    %dma_start3A_614 = tpu.memref_squeeze %dma_start3A_613 : memref<1x!tpu.dma_semaphore, #tpu.memory_space<semaphore_mem>> -> memref<!tpu.dma_semaphore, #tpu.memory_space<semaphore_mem>>
    tpu.enqueue_indirect_dma source(%dma_start3A_612 : memref<100000x128xf32, #tpu.memory_space<hbm>>) target(%dma_start3A_607 : memref<256x128xf32, #tpu.memory_space<vmem>>) offsets(%dma_start3A_609 : memref<256xi32, #tpu.memory_space<vmem>>) semaphore(%dma_start3A_614 : memref<!tpu.dma_semaphore, #tpu.memory_space<semaphore_mem>>)
    %dma_wait3A_615 = arith.constant 1 : i32
    %dma_wait3A_616 = arith.constant 1 : i32
    %dma_wait3A_617 = arith.constant 0 : i32
    %dma_wait3A_618 = arith.constant 0 : i32
    %dma_wait3A_619 = tpu.memref_slice %arg6[%dma_wait3A_615, %dma_wait3A_617, %dma_wait3A_618] : memref<3x256x128xf32, #tpu.memory_space<vmem>> -> memref<1x256x128xf32, #tpu.memory_space<vmem>>
    %dma_wait3A_620 = tpu.memref_squeeze %dma_wait3A_619 : memref<1x256x128xf32, #tpu.memory_space<vmem>> -> memref<256x128xf32, #tpu.memory_space<vmem>>
    %dma_wait3A_621 = arith.constant 2560 : i32
    %dma_wait3A_622 = tpu.memref_slice %arg5[%dma_wait3A_621] : memref<6400xi32, #tpu.memory_space<vmem>> -> memref<256xi32, #tpu.memory_space<vmem>>
    %dma_wait3A_623 = arith.constant 0 : i32
    %dma_wait3A_624 = arith.constant 0 : i32
    %dma_wait3A_625 = tpu.memref_slice %arg2[%dma_wait3A_623, %dma_wait3A_624] : memref<100000x128xf32, #tpu.memory_space<hbm>> -> memref<100000x128xf32, #tpu.memory_space<hbm>>
    %dma_wait3A_626 = tpu.memref_slice %arg8[%dma_wait3A_616] : memref<3x!tpu.dma_semaphore, #tpu.memory_space<semaphore_mem>> -> memref<1x!tpu.dma_semaphore, #tpu.memory_space<semaphore_mem>>
    %dma_wait3A_627 = tpu.memref_squeeze %dma_wait3A_626 : memref<1x!tpu.dma_semaphore, #tpu.memory_space<semaphore_mem>> -> memref<!tpu.dma_semaphore, #tpu.memory_space<semaphore_mem>>
    tpu.wait_indirect_dma semaphore(%dma_wait3A_627 : memref<!tpu.dma_semaphore, #tpu.memory_space<semaphore_mem>>) src(%dma_wait3A_625 : memref<100000x128xf32, #tpu.memory_space<hbm>>) dst(%dma_wait3A_620 : memref<256x128xf32, #tpu.memory_space<vmem>>)
    %add3A_628 = arith.constant 2560 : i32
    %add3A_629 = arith.addi %mul3A_2, %add3A_628 : i32
    %dma_start3A_630 = arith.constant 1 : i32
    %dma_start3A_631 = arith.constant 1 : i32
    %dma_start3A_632 = arith.constant 0 : i32
    %dma_start3A_633 = arith.constant 0 : i32
    %dma_start3A_634 = tpu.memref_slice %arg6[%dma_start3A_630, %dma_start3A_632, %dma_start3A_633] : memref<3x256x128xf32, #tpu.memory_space<vmem>> -> memref<1x256x128xf32, #tpu.memory_space<vmem>>
    %dma_start3A_635 = tpu.memref_squeeze %dma_start3A_634 : memref<1x256x128xf32, #tpu.memory_space<vmem>> -> memref<256x128xf32, #tpu.memory_space<vmem>>
    %dma_start3A_636 = arith.constant 0 : i32
    %dma_start3A_637 = tpu.memref_slice %arg4[%add3A_629, %dma_start3A_636] : memref<204800x128xf32, #tpu.memory_space<hbm>> -> memref<256x128xf32, #tpu.memory_space<hbm>>
    %dma_start3A_638 = tpu.memref_slice %arg9[%dma_start3A_631] : memref<3x!tpu.dma_semaphore, #tpu.memory_space<semaphore_mem>> -> memref<1x!tpu.dma_semaphore, #tpu.memory_space<semaphore_mem>>
    %dma_start3A_639 = tpu.memref_squeeze %dma_start3A_638 : memref<1x!tpu.dma_semaphore, #tpu.memory_space<semaphore_mem>> -> memref<!tpu.dma_semaphore, #tpu.memory_space<semaphore_mem>>
    %dma_start3A_640 = arith.constant 0 : i32
    %dma_start3A_641 = tpu.memref_slice %arg4[%add3A_629, %dma_start3A_640] : memref<204800x128xf32, #tpu.memory_space<hbm>> -> memref<256x128xf32, #tpu.memory_space<hbm>>
    %dma_start3A_642 = arith.constant 0 : i32
    %dma_start3A_643 = arith.constant 0 : i32
    %dma_start3A_644 = tpu.memref_slice %arg6[%dma_start3A_630, %dma_start3A_642, %dma_start3A_643] : memref<3x256x128xf32, #tpu.memory_space<vmem>> -> memref<1x256x128xf32, #tpu.memory_space<vmem>>
    %dma_start3A_645 = tpu.memref_squeeze %dma_start3A_644 : memref<1x256x128xf32, #tpu.memory_space<vmem>> -> memref<256x128xf32, #tpu.memory_space<vmem>>
    tpu.enqueue_dma source(%dma_start3A_645 : memref<256x128xf32, #tpu.memory_space<vmem>>) target(%dma_start3A_641 : memref<256x128xf32, #tpu.memory_space<hbm>>) target_semaphore(%dma_start3A_639 : memref<!tpu.dma_semaphore, #tpu.memory_space<semaphore_mem>>)
    %dma_wait3A_646 = arith.constant 0 : i32
    %dma_wait3A_647 = arith.constant 0 : i32
    %dma_wait3A_648 = arith.constant 0 : i32
    %dma_wait3A_649 = arith.constant 0 : i32
    %dma_wait3A_650 = tpu.memref_slice %arg6[%dma_wait3A_646, %dma_wait3A_648, %dma_wait3A_649] : memref<3x256x128xf32, #tpu.memory_space<vmem>> -> memref<1x256x128xf32, #tpu.memory_space<vmem>>
    %dma_wait3A_651 = tpu.memref_squeeze %dma_wait3A_650 : memref<1x256x128xf32, #tpu.memory_space<vmem>> -> memref<256x128xf32, #tpu.memory_space<vmem>>
    %dma_wait3A_652 = arith.constant 0 : i32
    %dma_wait3A_653 = tpu.memref_slice %arg4[%add3A_569, %dma_wait3A_652] : memref<204800x128xf32, #tpu.memory_space<hbm>> -> memref<256x128xf32, #tpu.memory_space<hbm>>
    %dma_wait3A_654 = tpu.memref_slice %arg9[%dma_wait3A_647] : memref<3x!tpu.dma_semaphore, #tpu.memory_space<semaphore_mem>> -> memref<1x!tpu.dma_semaphore, #tpu.memory_space<semaphore_mem>>
    %dma_wait3A_655 = tpu.memref_squeeze %dma_wait3A_654 : memref<1x!tpu.dma_semaphore, #tpu.memory_space<semaphore_mem>> -> memref<!tpu.dma_semaphore, #tpu.memory_space<semaphore_mem>>
    %dma_wait3A_656 = arith.constant 0 : i32
    %dma_wait3A_657 = tpu.memref_slice %arg4[%add3A_569, %dma_wait3A_656] : memref<204800x128xf32, #tpu.memory_space<hbm>> -> memref<256x128xf32, #tpu.memory_space<hbm>>
    %dma_wait3A_658 = arith.constant 0 : i32
    %dma_wait3A_659 = arith.constant 0 : i32
    %dma_wait3A_660 = tpu.memref_slice %arg6[%dma_wait3A_646, %dma_wait3A_658, %dma_wait3A_659] : memref<3x256x128xf32, #tpu.memory_space<vmem>> -> memref<1x256x128xf32, #tpu.memory_space<vmem>>
    %dma_wait3A_661 = tpu.memref_squeeze %dma_wait3A_660 : memref<1x256x128xf32, #tpu.memory_space<vmem>> -> memref<256x128xf32, #tpu.memory_space<vmem>>
    tpu.wait_dma2 semaphore(%dma_wait3A_655 : memref<!tpu.dma_semaphore, #tpu.memory_space<semaphore_mem>>) src(%dma_wait3A_661 : memref<256x128xf32, #tpu.memory_space<vmem>>) dst(%dma_wait3A_657 : memref<256x128xf32, #tpu.memory_space<hbm>>)
    %dma_start3A_662 = arith.constant 0 : i32
    %dma_start3A_663 = arith.constant 0 : i32
    %dma_start3A_664 = arith.constant 0 : i32
    %dma_start3A_665 = arith.constant 0 : i32
    %dma_start3A_666 = tpu.memref_slice %arg6[%dma_start3A_662, %dma_start3A_664, %dma_start3A_665] : memref<3x256x128xf32, #tpu.memory_space<vmem>> -> memref<1x256x128xf32, #tpu.memory_space<vmem>>
    %dma_start3A_667 = tpu.memref_squeeze %dma_start3A_666 : memref<1x256x128xf32, #tpu.memory_space<vmem>> -> memref<256x128xf32, #tpu.memory_space<vmem>>
    %dma_start3A_668 = arith.constant 3072 : i32
    %dma_start3A_669 = tpu.memref_slice %arg5[%dma_start3A_668] : memref<6400xi32, #tpu.memory_space<vmem>> -> memref<256xi32, #tpu.memory_space<vmem>>
    %dma_start3A_670 = arith.constant 0 : i32
    %dma_start3A_671 = arith.constant 0 : i32
    %dma_start3A_672 = tpu.memref_slice %arg2[%dma_start3A_670, %dma_start3A_671] : memref<100000x128xf32, #tpu.memory_space<hbm>> -> memref<100000x128xf32, #tpu.memory_space<hbm>>
    %dma_start3A_673 = tpu.memref_slice %arg8[%dma_start3A_663] : memref<3x!tpu.dma_semaphore, #tpu.memory_space<semaphore_mem>> -> memref<1x!tpu.dma_semaphore, #tpu.memory_space<semaphore_mem>>
    %dma_start3A_674 = tpu.memref_squeeze %dma_start3A_673 : memref<1x!tpu.dma_semaphore, #tpu.memory_space<semaphore_mem>> -> memref<!tpu.dma_semaphore, #tpu.memory_space<semaphore_mem>>
    tpu.enqueue_indirect_dma source(%dma_start3A_672 : memref<100000x128xf32, #tpu.memory_space<hbm>>) target(%dma_start3A_667 : memref<256x128xf32, #tpu.memory_space<vmem>>) offsets(%dma_start3A_669 : memref<256xi32, #tpu.memory_space<vmem>>) semaphore(%dma_start3A_674 : memref<!tpu.dma_semaphore, #tpu.memory_space<semaphore_mem>>)
    %dma_wait3A_675 = arith.constant 2 : i32
    %dma_wait3A_676 = arith.constant 2 : i32
    %dma_wait3A_677 = arith.constant 0 : i32
    %dma_wait3A_678 = arith.constant 0 : i32
    %dma_wait3A_679 = tpu.memref_slice %arg6[%dma_wait3A_675, %dma_wait3A_677, %dma_wait3A_678] : memref<3x256x128xf32, #tpu.memory_space<vmem>> -> memref<1x256x128xf32, #tpu.memory_space<vmem>>
    %dma_wait3A_680 = tpu.memref_squeeze %dma_wait3A_679 : memref<1x256x128xf32, #tpu.memory_space<vmem>> -> memref<256x128xf32, #tpu.memory_space<vmem>>
    %dma_wait3A_681 = arith.constant 2816 : i32
    %dma_wait3A_682 = tpu.memref_slice %arg5[%dma_wait3A_681] : memref<6400xi32, #tpu.memory_space<vmem>> -> memref<256xi32, #tpu.memory_space<vmem>>
    %dma_wait3A_683 = arith.constant 0 : i32
    %dma_wait3A_684 = arith.constant 0 : i32
    %dma_wait3A_685 = tpu.memref_slice %arg2[%dma_wait3A_683, %dma_wait3A_684] : memref<100000x128xf32, #tpu.memory_space<hbm>> -> memref<100000x128xf32, #tpu.memory_space<hbm>>
    %dma_wait3A_686 = tpu.memref_slice %arg8[%dma_wait3A_676] : memref<3x!tpu.dma_semaphore, #tpu.memory_space<semaphore_mem>> -> memref<1x!tpu.dma_semaphore, #tpu.memory_space<semaphore_mem>>
    %dma_wait3A_687 = tpu.memref_squeeze %dma_wait3A_686 : memref<1x!tpu.dma_semaphore, #tpu.memory_space<semaphore_mem>> -> memref<!tpu.dma_semaphore, #tpu.memory_space<semaphore_mem>>
    tpu.wait_indirect_dma semaphore(%dma_wait3A_687 : memref<!tpu.dma_semaphore, #tpu.memory_space<semaphore_mem>>) src(%dma_wait3A_685 : memref<100000x128xf32, #tpu.memory_space<hbm>>) dst(%dma_wait3A_680 : memref<256x128xf32, #tpu.memory_space<vmem>>)
    %add3A_688 = arith.constant 2816 : i32
    %add3A_689 = arith.addi %mul3A_2, %add3A_688 : i32
    %dma_start3A_690 = arith.constant 2 : i32
    %dma_start3A_691 = arith.constant 2 : i32
    %dma_start3A_692 = arith.constant 0 : i32
    %dma_start3A_693 = arith.constant 0 : i32
    %dma_start3A_694 = tpu.memref_slice %arg6[%dma_start3A_690, %dma_start3A_692, %dma_start3A_693] : memref<3x256x128xf32, #tpu.memory_space<vmem>> -> memref<1x256x128xf32, #tpu.memory_space<vmem>>
    %dma_start3A_695 = tpu.memref_squeeze %dma_start3A_694 : memref<1x256x128xf32, #tpu.memory_space<vmem>> -> memref<256x128xf32, #tpu.memory_space<vmem>>
    %dma_start3A_696 = arith.constant 0 : i32
    %dma_start3A_697 = tpu.memref_slice %arg4[%add3A_689, %dma_start3A_696] : memref<204800x128xf32, #tpu.memory_space<hbm>> -> memref<256x128xf32, #tpu.memory_space<hbm>>
    %dma_start3A_698 = tpu.memref_slice %arg9[%dma_start3A_691] : memref<3x!tpu.dma_semaphore, #tpu.memory_space<semaphore_mem>> -> memref<1x!tpu.dma_semaphore, #tpu.memory_space<semaphore_mem>>
    %dma_start3A_699 = tpu.memref_squeeze %dma_start3A_698 : memref<1x!tpu.dma_semaphore, #tpu.memory_space<semaphore_mem>> -> memref<!tpu.dma_semaphore, #tpu.memory_space<semaphore_mem>>
    %dma_start3A_700 = arith.constant 0 : i32
    %dma_start3A_701 = tpu.memref_slice %arg4[%add3A_689, %dma_start3A_700] : memref<204800x128xf32, #tpu.memory_space<hbm>> -> memref<256x128xf32, #tpu.memory_space<hbm>>
    %dma_start3A_702 = arith.constant 0 : i32
    %dma_start3A_703 = arith.constant 0 : i32
    %dma_start3A_704 = tpu.memref_slice %arg6[%dma_start3A_690, %dma_start3A_702, %dma_start3A_703] : memref<3x256x128xf32, #tpu.memory_space<vmem>> -> memref<1x256x128xf32, #tpu.memory_space<vmem>>
    %dma_start3A_705 = tpu.memref_squeeze %dma_start3A_704 : memref<1x256x128xf32, #tpu.memory_space<vmem>> -> memref<256x128xf32, #tpu.memory_space<vmem>>
    tpu.enqueue_dma source(%dma_start3A_705 : memref<256x128xf32, #tpu.memory_space<vmem>>) target(%dma_start3A_701 : memref<256x128xf32, #tpu.memory_space<hbm>>) target_semaphore(%dma_start3A_699 : memref<!tpu.dma_semaphore, #tpu.memory_space<semaphore_mem>>)
    %dma_wait3A_706 = arith.constant 1 : i32
    %dma_wait3A_707 = arith.constant 1 : i32
    %dma_wait3A_708 = arith.constant 0 : i32
    %dma_wait3A_709 = arith.constant 0 : i32
    %dma_wait3A_710 = tpu.memref_slice %arg6[%dma_wait3A_706, %dma_wait3A_708, %dma_wait3A_709] : memref<3x256x128xf32, #tpu.memory_space<vmem>> -> memref<1x256x128xf32, #tpu.memory_space<vmem>>
    %dma_wait3A_711 = tpu.memref_squeeze %dma_wait3A_710 : memref<1x256x128xf32, #tpu.memory_space<vmem>> -> memref<256x128xf32, #tpu.memory_space<vmem>>
    %dma_wait3A_712 = arith.constant 0 : i32
    %dma_wait3A_713 = tpu.memref_slice %arg4[%add3A_629, %dma_wait3A_712] : memref<204800x128xf32, #tpu.memory_space<hbm>> -> memref<256x128xf32, #tpu.memory_space<hbm>>
    %dma_wait3A_714 = tpu.memref_slice %arg9[%dma_wait3A_707] : memref<3x!tpu.dma_semaphore, #tpu.memory_space<semaphore_mem>> -> memref<1x!tpu.dma_semaphore, #tpu.memory_space<semaphore_mem>>
    %dma_wait3A_715 = tpu.memref_squeeze %dma_wait3A_714 : memref<1x!tpu.dma_semaphore, #tpu.memory_space<semaphore_mem>> -> memref<!tpu.dma_semaphore, #tpu.memory_space<semaphore_mem>>
    %dma_wait3A_716 = arith.constant 0 : i32
    %dma_wait3A_717 = tpu.memref_slice %arg4[%add3A_629, %dma_wait3A_716] : memref<204800x128xf32, #tpu.memory_space<hbm>> -> memref<256x128xf32, #tpu.memory_space<hbm>>
    %dma_wait3A_718 = arith.constant 0 : i32
    %dma_wait3A_719 = arith.constant 0 : i32
    %dma_wait3A_720 = tpu.memref_slice %arg6[%dma_wait3A_706, %dma_wait3A_718, %dma_wait3A_719] : memref<3x256x128xf32, #tpu.memory_space<vmem>> -> memref<1x256x128xf32, #tpu.memory_space<vmem>>
    %dma_wait3A_721 = tpu.memref_squeeze %dma_wait3A_720 : memref<1x256x128xf32, #tpu.memory_space<vmem>> -> memref<256x128xf32, #tpu.memory_space<vmem>>
    tpu.wait_dma2 semaphore(%dma_wait3A_715 : memref<!tpu.dma_semaphore, #tpu.memory_space<semaphore_mem>>) src(%dma_wait3A_721 : memref<256x128xf32, #tpu.memory_space<vmem>>) dst(%dma_wait3A_717 : memref<256x128xf32, #tpu.memory_space<hbm>>)
    %dma_start3A_722 = arith.constant 1 : i32
    %dma_start3A_723 = arith.constant 1 : i32
    %dma_start3A_724 = arith.constant 0 : i32
    %dma_start3A_725 = arith.constant 0 : i32
    %dma_start3A_726 = tpu.memref_slice %arg6[%dma_start3A_722, %dma_start3A_724, %dma_start3A_725] : memref<3x256x128xf32, #tpu.memory_space<vmem>> -> memref<1x256x128xf32, #tpu.memory_space<vmem>>
    %dma_start3A_727 = tpu.memref_squeeze %dma_start3A_726 : memref<1x256x128xf32, #tpu.memory_space<vmem>> -> memref<256x128xf32, #tpu.memory_space<vmem>>
    %dma_start3A_728 = arith.constant 3328 : i32
    %dma_start3A_729 = tpu.memref_slice %arg5[%dma_start3A_728] : memref<6400xi32, #tpu.memory_space<vmem>> -> memref<256xi32, #tpu.memory_space<vmem>>
    %dma_start3A_730 = arith.constant 0 : i32
    %dma_start3A_731 = arith.constant 0 : i32
    %dma_start3A_732 = tpu.memref_slice %arg2[%dma_start3A_730, %dma_start3A_731] : memref<100000x128xf32, #tpu.memory_space<hbm>> -> memref<100000x128xf32, #tpu.memory_space<hbm>>
    %dma_start3A_733 = tpu.memref_slice %arg8[%dma_start3A_723] : memref<3x!tpu.dma_semaphore, #tpu.memory_space<semaphore_mem>> -> memref<1x!tpu.dma_semaphore, #tpu.memory_space<semaphore_mem>>
    %dma_start3A_734 = tpu.memref_squeeze %dma_start3A_733 : memref<1x!tpu.dma_semaphore, #tpu.memory_space<semaphore_mem>> -> memref<!tpu.dma_semaphore, #tpu.memory_space<semaphore_mem>>
    tpu.enqueue_indirect_dma source(%dma_start3A_732 : memref<100000x128xf32, #tpu.memory_space<hbm>>) target(%dma_start3A_727 : memref<256x128xf32, #tpu.memory_space<vmem>>) offsets(%dma_start3A_729 : memref<256xi32, #tpu.memory_space<vmem>>) semaphore(%dma_start3A_734 : memref<!tpu.dma_semaphore, #tpu.memory_space<semaphore_mem>>)
    %dma_wait3A_735 = arith.constant 0 : i32
    %dma_wait3A_736 = arith.constant 0 : i32
    %dma_wait3A_737 = arith.constant 0 : i32
    %dma_wait3A_738 = arith.constant 0 : i32
    %dma_wait3A_739 = tpu.memref_slice %arg6[%dma_wait3A_735, %dma_wait3A_737, %dma_wait3A_738] : memref<3x256x128xf32, #tpu.memory_space<vmem>> -> memref<1x256x128xf32, #tpu.memory_space<vmem>>
    %dma_wait3A_740 = tpu.memref_squeeze %dma_wait3A_739 : memref<1x256x128xf32, #tpu.memory_space<vmem>> -> memref<256x128xf32, #tpu.memory_space<vmem>>
    %dma_wait3A_741 = arith.constant 3072 : i32
    %dma_wait3A_742 = tpu.memref_slice %arg5[%dma_wait3A_741] : memref<6400xi32, #tpu.memory_space<vmem>> -> memref<256xi32, #tpu.memory_space<vmem>>
    %dma_wait3A_743 = arith.constant 0 : i32
    %dma_wait3A_744 = arith.constant 0 : i32
    %dma_wait3A_745 = tpu.memref_slice %arg2[%dma_wait3A_743, %dma_wait3A_744] : memref<100000x128xf32, #tpu.memory_space<hbm>> -> memref<100000x128xf32, #tpu.memory_space<hbm>>
    %dma_wait3A_746 = tpu.memref_slice %arg8[%dma_wait3A_736] : memref<3x!tpu.dma_semaphore, #tpu.memory_space<semaphore_mem>> -> memref<1x!tpu.dma_semaphore, #tpu.memory_space<semaphore_mem>>
    %dma_wait3A_747 = tpu.memref_squeeze %dma_wait3A_746 : memref<1x!tpu.dma_semaphore, #tpu.memory_space<semaphore_mem>> -> memref<!tpu.dma_semaphore, #tpu.memory_space<semaphore_mem>>
    tpu.wait_indirect_dma semaphore(%dma_wait3A_747 : memref<!tpu.dma_semaphore, #tpu.memory_space<semaphore_mem>>) src(%dma_wait3A_745 : memref<100000x128xf32, #tpu.memory_space<hbm>>) dst(%dma_wait3A_740 : memref<256x128xf32, #tpu.memory_space<vmem>>)
    %add3A_748 = arith.constant 3072 : i32
    %add3A_749 = arith.addi %mul3A_2, %add3A_748 : i32
    %dma_start3A_750 = arith.constant 0 : i32
    %dma_start3A_751 = arith.constant 0 : i32
    %dma_start3A_752 = arith.constant 0 : i32
    %dma_start3A_753 = arith.constant 0 : i32
    %dma_start3A_754 = tpu.memref_slice %arg6[%dma_start3A_750, %dma_start3A_752, %dma_start3A_753] : memref<3x256x128xf32, #tpu.memory_space<vmem>> -> memref<1x256x128xf32, #tpu.memory_space<vmem>>
    %dma_start3A_755 = tpu.memref_squeeze %dma_start3A_754 : memref<1x256x128xf32, #tpu.memory_space<vmem>> -> memref<256x128xf32, #tpu.memory_space<vmem>>
    %dma_start3A_756 = arith.constant 0 : i32
    %dma_start3A_757 = tpu.memref_slice %arg4[%add3A_749, %dma_start3A_756] : memref<204800x128xf32, #tpu.memory_space<hbm>> -> memref<256x128xf32, #tpu.memory_space<hbm>>
    %dma_start3A_758 = tpu.memref_slice %arg9[%dma_start3A_751] : memref<3x!tpu.dma_semaphore, #tpu.memory_space<semaphore_mem>> -> memref<1x!tpu.dma_semaphore, #tpu.memory_space<semaphore_mem>>
    %dma_start3A_759 = tpu.memref_squeeze %dma_start3A_758 : memref<1x!tpu.dma_semaphore, #tpu.memory_space<semaphore_mem>> -> memref<!tpu.dma_semaphore, #tpu.memory_space<semaphore_mem>>
    %dma_start3A_760 = arith.constant 0 : i32
    %dma_start3A_761 = tpu.memref_slice %arg4[%add3A_749, %dma_start3A_760] : memref<204800x128xf32, #tpu.memory_space<hbm>> -> memref<256x128xf32, #tpu.memory_space<hbm>>
    %dma_start3A_762 = arith.constant 0 : i32
    %dma_start3A_763 = arith.constant 0 : i32
    %dma_start3A_764 = tpu.memref_slice %arg6[%dma_start3A_750, %dma_start3A_762, %dma_start3A_763] : memref<3x256x128xf32, #tpu.memory_space<vmem>> -> memref<1x256x128xf32, #tpu.memory_space<vmem>>
    %dma_start3A_765 = tpu.memref_squeeze %dma_start3A_764 : memref<1x256x128xf32, #tpu.memory_space<vmem>> -> memref<256x128xf32, #tpu.memory_space<vmem>>
    tpu.enqueue_dma source(%dma_start3A_765 : memref<256x128xf32, #tpu.memory_space<vmem>>) target(%dma_start3A_761 : memref<256x128xf32, #tpu.memory_space<hbm>>) target_semaphore(%dma_start3A_759 : memref<!tpu.dma_semaphore, #tpu.memory_space<semaphore_mem>>)
    %dma_wait3A_766 = arith.constant 2 : i32
    %dma_wait3A_767 = arith.constant 2 : i32
    %dma_wait3A_768 = arith.constant 0 : i32
    %dma_wait3A_769 = arith.constant 0 : i32
    %dma_wait3A_770 = tpu.memref_slice %arg6[%dma_wait3A_766, %dma_wait3A_768, %dma_wait3A_769] : memref<3x256x128xf32, #tpu.memory_space<vmem>> -> memref<1x256x128xf32, #tpu.memory_space<vmem>>
    %dma_wait3A_771 = tpu.memref_squeeze %dma_wait3A_770 : memref<1x256x128xf32, #tpu.memory_space<vmem>> -> memref<256x128xf32, #tpu.memory_space<vmem>>
    %dma_wait3A_772 = arith.constant 0 : i32
    %dma_wait3A_773 = tpu.memref_slice %arg4[%add3A_689, %dma_wait3A_772] : memref<204800x128xf32, #tpu.memory_space<hbm>> -> memref<256x128xf32, #tpu.memory_space<hbm>>
    %dma_wait3A_774 = tpu.memref_slice %arg9[%dma_wait3A_767] : memref<3x!tpu.dma_semaphore, #tpu.memory_space<semaphore_mem>> -> memref<1x!tpu.dma_semaphore, #tpu.memory_space<semaphore_mem>>
    %dma_wait3A_775 = tpu.memref_squeeze %dma_wait3A_774 : memref<1x!tpu.dma_semaphore, #tpu.memory_space<semaphore_mem>> -> memref<!tpu.dma_semaphore, #tpu.memory_space<semaphore_mem>>
    %dma_wait3A_776 = arith.constant 0 : i32
    %dma_wait3A_777 = tpu.memref_slice %arg4[%add3A_689, %dma_wait3A_776] : memref<204800x128xf32, #tpu.memory_space<hbm>> -> memref<256x128xf32, #tpu.memory_space<hbm>>
    %dma_wait3A_778 = arith.constant 0 : i32
    %dma_wait3A_779 = arith.constant 0 : i32
    %dma_wait3A_780 = tpu.memref_slice %arg6[%dma_wait3A_766, %dma_wait3A_778, %dma_wait3A_779] : memref<3x256x128xf32, #tpu.memory_space<vmem>> -> memref<1x256x128xf32, #tpu.memory_space<vmem>>
    %dma_wait3A_781 = tpu.memref_squeeze %dma_wait3A_780 : memref<1x256x128xf32, #tpu.memory_space<vmem>> -> memref<256x128xf32, #tpu.memory_space<vmem>>
    tpu.wait_dma2 semaphore(%dma_wait3A_775 : memref<!tpu.dma_semaphore, #tpu.memory_space<semaphore_mem>>) src(%dma_wait3A_781 : memref<256x128xf32, #tpu.memory_space<vmem>>) dst(%dma_wait3A_777 : memref<256x128xf32, #tpu.memory_space<hbm>>)
    %dma_start3A_782 = arith.constant 2 : i32
    %dma_start3A_783 = arith.constant 2 : i32
    %dma_start3A_784 = arith.constant 0 : i32
    %dma_start3A_785 = arith.constant 0 : i32
    %dma_start3A_786 = tpu.memref_slice %arg6[%dma_start3A_782, %dma_start3A_784, %dma_start3A_785] : memref<3x256x128xf32, #tpu.memory_space<vmem>> -> memref<1x256x128xf32, #tpu.memory_space<vmem>>
    %dma_start3A_787 = tpu.memref_squeeze %dma_start3A_786 : memref<1x256x128xf32, #tpu.memory_space<vmem>> -> memref<256x128xf32, #tpu.memory_space<vmem>>
    %dma_start3A_788 = arith.constant 3584 : i32
    %dma_start3A_789 = tpu.memref_slice %arg5[%dma_start3A_788] : memref<6400xi32, #tpu.memory_space<vmem>> -> memref<256xi32, #tpu.memory_space<vmem>>
    %dma_start3A_790 = arith.constant 0 : i32
    %dma_start3A_791 = arith.constant 0 : i32
    %dma_start3A_792 = tpu.memref_slice %arg2[%dma_start3A_790, %dma_start3A_791] : memref<100000x128xf32, #tpu.memory_space<hbm>> -> memref<100000x128xf32, #tpu.memory_space<hbm>>
    %dma_start3A_793 = tpu.memref_slice %arg8[%dma_start3A_783] : memref<3x!tpu.dma_semaphore, #tpu.memory_space<semaphore_mem>> -> memref<1x!tpu.dma_semaphore, #tpu.memory_space<semaphore_mem>>
    %dma_start3A_794 = tpu.memref_squeeze %dma_start3A_793 : memref<1x!tpu.dma_semaphore, #tpu.memory_space<semaphore_mem>> -> memref<!tpu.dma_semaphore, #tpu.memory_space<semaphore_mem>>
    tpu.enqueue_indirect_dma source(%dma_start3A_792 : memref<100000x128xf32, #tpu.memory_space<hbm>>) target(%dma_start3A_787 : memref<256x128xf32, #tpu.memory_space<vmem>>) offsets(%dma_start3A_789 : memref<256xi32, #tpu.memory_space<vmem>>) semaphore(%dma_start3A_794 : memref<!tpu.dma_semaphore, #tpu.memory_space<semaphore_mem>>)
    %dma_wait3A_795 = arith.constant 1 : i32
    %dma_wait3A_796 = arith.constant 1 : i32
    %dma_wait3A_797 = arith.constant 0 : i32
    %dma_wait3A_798 = arith.constant 0 : i32
    %dma_wait3A_799 = tpu.memref_slice %arg6[%dma_wait3A_795, %dma_wait3A_797, %dma_wait3A_798] : memref<3x256x128xf32, #tpu.memory_space<vmem>> -> memref<1x256x128xf32, #tpu.memory_space<vmem>>
    %dma_wait3A_800 = tpu.memref_squeeze %dma_wait3A_799 : memref<1x256x128xf32, #tpu.memory_space<vmem>> -> memref<256x128xf32, #tpu.memory_space<vmem>>
    %dma_wait3A_801 = arith.constant 3328 : i32
    %dma_wait3A_802 = tpu.memref_slice %arg5[%dma_wait3A_801] : memref<6400xi32, #tpu.memory_space<vmem>> -> memref<256xi32, #tpu.memory_space<vmem>>
    %dma_wait3A_803 = arith.constant 0 : i32
    %dma_wait3A_804 = arith.constant 0 : i32
    %dma_wait3A_805 = tpu.memref_slice %arg2[%dma_wait3A_803, %dma_wait3A_804] : memref<100000x128xf32, #tpu.memory_space<hbm>> -> memref<100000x128xf32, #tpu.memory_space<hbm>>
    %dma_wait3A_806 = tpu.memref_slice %arg8[%dma_wait3A_796] : memref<3x!tpu.dma_semaphore, #tpu.memory_space<semaphore_mem>> -> memref<1x!tpu.dma_semaphore, #tpu.memory_space<semaphore_mem>>
    %dma_wait3A_807 = tpu.memref_squeeze %dma_wait3A_806 : memref<1x!tpu.dma_semaphore, #tpu.memory_space<semaphore_mem>> -> memref<!tpu.dma_semaphore, #tpu.memory_space<semaphore_mem>>
    tpu.wait_indirect_dma semaphore(%dma_wait3A_807 : memref<!tpu.dma_semaphore, #tpu.memory_space<semaphore_mem>>) src(%dma_wait3A_805 : memref<100000x128xf32, #tpu.memory_space<hbm>>) dst(%dma_wait3A_800 : memref<256x128xf32, #tpu.memory_space<vmem>>)
    %add3A_808 = arith.constant 3328 : i32
    %add3A_809 = arith.addi %mul3A_2, %add3A_808 : i32
    %dma_start3A_810 = arith.constant 1 : i32
    %dma_start3A_811 = arith.constant 1 : i32
    %dma_start3A_812 = arith.constant 0 : i32
    %dma_start3A_813 = arith.constant 0 : i32
    %dma_start3A_814 = tpu.memref_slice %arg6[%dma_start3A_810, %dma_start3A_812, %dma_start3A_813] : memref<3x256x128xf32, #tpu.memory_space<vmem>> -> memref<1x256x128xf32, #tpu.memory_space<vmem>>
    %dma_start3A_815 = tpu.memref_squeeze %dma_start3A_814 : memref<1x256x128xf32, #tpu.memory_space<vmem>> -> memref<256x128xf32, #tpu.memory_space<vmem>>
    %dma_start3A_816 = arith.constant 0 : i32
    %dma_start3A_817 = tpu.memref_slice %arg4[%add3A_809, %dma_start3A_816] : memref<204800x128xf32, #tpu.memory_space<hbm>> -> memref<256x128xf32, #tpu.memory_space<hbm>>
    %dma_start3A_818 = tpu.memref_slice %arg9[%dma_start3A_811] : memref<3x!tpu.dma_semaphore, #tpu.memory_space<semaphore_mem>> -> memref<1x!tpu.dma_semaphore, #tpu.memory_space<semaphore_mem>>
    %dma_start3A_819 = tpu.memref_squeeze %dma_start3A_818 : memref<1x!tpu.dma_semaphore, #tpu.memory_space<semaphore_mem>> -> memref<!tpu.dma_semaphore, #tpu.memory_space<semaphore_mem>>
    %dma_start3A_820 = arith.constant 0 : i32
    %dma_start3A_821 = tpu.memref_slice %arg4[%add3A_809, %dma_start3A_820] : memref<204800x128xf32, #tpu.memory_space<hbm>> -> memref<256x128xf32, #tpu.memory_space<hbm>>
    %dma_start3A_822 = arith.constant 0 : i32
    %dma_start3A_823 = arith.constant 0 : i32
    %dma_start3A_824 = tpu.memref_slice %arg6[%dma_start3A_810, %dma_start3A_822, %dma_start3A_823] : memref<3x256x128xf32, #tpu.memory_space<vmem>> -> memref<1x256x128xf32, #tpu.memory_space<vmem>>
    %dma_start3A_825 = tpu.memref_squeeze %dma_start3A_824 : memref<1x256x128xf32, #tpu.memory_space<vmem>> -> memref<256x128xf32, #tpu.memory_space<vmem>>
    tpu.enqueue_dma source(%dma_start3A_825 : memref<256x128xf32, #tpu.memory_space<vmem>>) target(%dma_start3A_821 : memref<256x128xf32, #tpu.memory_space<hbm>>) target_semaphore(%dma_start3A_819 : memref<!tpu.dma_semaphore, #tpu.memory_space<semaphore_mem>>)
    %dma_wait3A_826 = arith.constant 0 : i32
    %dma_wait3A_827 = arith.constant 0 : i32
    %dma_wait3A_828 = arith.constant 0 : i32
    %dma_wait3A_829 = arith.constant 0 : i32
    %dma_wait3A_830 = tpu.memref_slice %arg6[%dma_wait3A_826, %dma_wait3A_828, %dma_wait3A_829] : memref<3x256x128xf32, #tpu.memory_space<vmem>> -> memref<1x256x128xf32, #tpu.memory_space<vmem>>
    %dma_wait3A_831 = tpu.memref_squeeze %dma_wait3A_830 : memref<1x256x128xf32, #tpu.memory_space<vmem>> -> memref<256x128xf32, #tpu.memory_space<vmem>>
    %dma_wait3A_832 = arith.constant 0 : i32
    %dma_wait3A_833 = tpu.memref_slice %arg4[%add3A_749, %dma_wait3A_832] : memref<204800x128xf32, #tpu.memory_space<hbm>> -> memref<256x128xf32, #tpu.memory_space<hbm>>
    %dma_wait3A_834 = tpu.memref_slice %arg9[%dma_wait3A_827] : memref<3x!tpu.dma_semaphore, #tpu.memory_space<semaphore_mem>> -> memref<1x!tpu.dma_semaphore, #tpu.memory_space<semaphore_mem>>
    %dma_wait3A_835 = tpu.memref_squeeze %dma_wait3A_834 : memref<1x!tpu.dma_semaphore, #tpu.memory_space<semaphore_mem>> -> memref<!tpu.dma_semaphore, #tpu.memory_space<semaphore_mem>>
    %dma_wait3A_836 = arith.constant 0 : i32
    %dma_wait3A_837 = tpu.memref_slice %arg4[%add3A_749, %dma_wait3A_836] : memref<204800x128xf32, #tpu.memory_space<hbm>> -> memref<256x128xf32, #tpu.memory_space<hbm>>
    %dma_wait3A_838 = arith.constant 0 : i32
    %dma_wait3A_839 = arith.constant 0 : i32
    %dma_wait3A_840 = tpu.memref_slice %arg6[%dma_wait3A_826, %dma_wait3A_838, %dma_wait3A_839] : memref<3x256x128xf32, #tpu.memory_space<vmem>> -> memref<1x256x128xf32, #tpu.memory_space<vmem>>
    %dma_wait3A_841 = tpu.memref_squeeze %dma_wait3A_840 : memref<1x256x128xf32, #tpu.memory_space<vmem>> -> memref<256x128xf32, #tpu.memory_space<vmem>>
    tpu.wait_dma2 semaphore(%dma_wait3A_835 : memref<!tpu.dma_semaphore, #tpu.memory_space<semaphore_mem>>) src(%dma_wait3A_841 : memref<256x128xf32, #tpu.memory_space<vmem>>) dst(%dma_wait3A_837 : memref<256x128xf32, #tpu.memory_space<hbm>>)
    %dma_start3A_842 = arith.constant 0 : i32
    %dma_start3A_843 = arith.constant 0 : i32
    %dma_start3A_844 = arith.constant 0 : i32
    %dma_start3A_845 = arith.constant 0 : i32
    %dma_start3A_846 = tpu.memref_slice %arg6[%dma_start3A_842, %dma_start3A_844, %dma_start3A_845] : memref<3x256x128xf32, #tpu.memory_space<vmem>> -> memref<1x256x128xf32, #tpu.memory_space<vmem>>
    %dma_start3A_847 = tpu.memref_squeeze %dma_start3A_846 : memref<1x256x128xf32, #tpu.memory_space<vmem>> -> memref<256x128xf32, #tpu.memory_space<vmem>>
    %dma_start3A_848 = arith.constant 3840 : i32
    %dma_start3A_849 = tpu.memref_slice %arg5[%dma_start3A_848] : memref<6400xi32, #tpu.memory_space<vmem>> -> memref<256xi32, #tpu.memory_space<vmem>>
    %dma_start3A_850 = arith.constant 0 : i32
    %dma_start3A_851 = arith.constant 0 : i32
    %dma_start3A_852 = tpu.memref_slice %arg2[%dma_start3A_850, %dma_start3A_851] : memref<100000x128xf32, #tpu.memory_space<hbm>> -> memref<100000x128xf32, #tpu.memory_space<hbm>>
    %dma_start3A_853 = tpu.memref_slice %arg8[%dma_start3A_843] : memref<3x!tpu.dma_semaphore, #tpu.memory_space<semaphore_mem>> -> memref<1x!tpu.dma_semaphore, #tpu.memory_space<semaphore_mem>>
    %dma_start3A_854 = tpu.memref_squeeze %dma_start3A_853 : memref<1x!tpu.dma_semaphore, #tpu.memory_space<semaphore_mem>> -> memref<!tpu.dma_semaphore, #tpu.memory_space<semaphore_mem>>
    tpu.enqueue_indirect_dma source(%dma_start3A_852 : memref<100000x128xf32, #tpu.memory_space<hbm>>) target(%dma_start3A_847 : memref<256x128xf32, #tpu.memory_space<vmem>>) offsets(%dma_start3A_849 : memref<256xi32, #tpu.memory_space<vmem>>) semaphore(%dma_start3A_854 : memref<!tpu.dma_semaphore, #tpu.memory_space<semaphore_mem>>)
    %dma_wait3A_855 = arith.constant 2 : i32
    %dma_wait3A_856 = arith.constant 2 : i32
    %dma_wait3A_857 = arith.constant 0 : i32
    %dma_wait3A_858 = arith.constant 0 : i32
    %dma_wait3A_859 = tpu.memref_slice %arg6[%dma_wait3A_855, %dma_wait3A_857, %dma_wait3A_858] : memref<3x256x128xf32, #tpu.memory_space<vmem>> -> memref<1x256x128xf32, #tpu.memory_space<vmem>>
    %dma_wait3A_860 = tpu.memref_squeeze %dma_wait3A_859 : memref<1x256x128xf32, #tpu.memory_space<vmem>> -> memref<256x128xf32, #tpu.memory_space<vmem>>
    %dma_wait3A_861 = arith.constant 3584 : i32
    %dma_wait3A_862 = tpu.memref_slice %arg5[%dma_wait3A_861] : memref<6400xi32, #tpu.memory_space<vmem>> -> memref<256xi32, #tpu.memory_space<vmem>>
    %dma_wait3A_863 = arith.constant 0 : i32
    %dma_wait3A_864 = arith.constant 0 : i32
    %dma_wait3A_865 = tpu.memref_slice %arg2[%dma_wait3A_863, %dma_wait3A_864] : memref<100000x128xf32, #tpu.memory_space<hbm>> -> memref<100000x128xf32, #tpu.memory_space<hbm>>
    %dma_wait3A_866 = tpu.memref_slice %arg8[%dma_wait3A_856] : memref<3x!tpu.dma_semaphore, #tpu.memory_space<semaphore_mem>> -> memref<1x!tpu.dma_semaphore, #tpu.memory_space<semaphore_mem>>
    %dma_wait3A_867 = tpu.memref_squeeze %dma_wait3A_866 : memref<1x!tpu.dma_semaphore, #tpu.memory_space<semaphore_mem>> -> memref<!tpu.dma_semaphore, #tpu.memory_space<semaphore_mem>>
    tpu.wait_indirect_dma semaphore(%dma_wait3A_867 : memref<!tpu.dma_semaphore, #tpu.memory_space<semaphore_mem>>) src(%dma_wait3A_865 : memref<100000x128xf32, #tpu.memory_space<hbm>>) dst(%dma_wait3A_860 : memref<256x128xf32, #tpu.memory_space<vmem>>)
    %add3A_868 = arith.constant 3584 : i32
    %add3A_869 = arith.addi %mul3A_2, %add3A_868 : i32
    %dma_start3A_870 = arith.constant 2 : i32
    %dma_start3A_871 = arith.constant 2 : i32
    %dma_start3A_872 = arith.constant 0 : i32
    %dma_start3A_873 = arith.constant 0 : i32
    %dma_start3A_874 = tpu.memref_slice %arg6[%dma_start3A_870, %dma_start3A_872, %dma_start3A_873] : memref<3x256x128xf32, #tpu.memory_space<vmem>> -> memref<1x256x128xf32, #tpu.memory_space<vmem>>
    %dma_start3A_875 = tpu.memref_squeeze %dma_start3A_874 : memref<1x256x128xf32, #tpu.memory_space<vmem>> -> memref<256x128xf32, #tpu.memory_space<vmem>>
    %dma_start3A_876 = arith.constant 0 : i32
    %dma_start3A_877 = tpu.memref_slice %arg4[%add3A_869, %dma_start3A_876] : memref<204800x128xf32, #tpu.memory_space<hbm>> -> memref<256x128xf32, #tpu.memory_space<hbm>>
    %dma_start3A_878 = tpu.memref_slice %arg9[%dma_start3A_871] : memref<3x!tpu.dma_semaphore, #tpu.memory_space<semaphore_mem>> -> memref<1x!tpu.dma_semaphore, #tpu.memory_space<semaphore_mem>>
    %dma_start3A_879 = tpu.memref_squeeze %dma_start3A_878 : memref<1x!tpu.dma_semaphore, #tpu.memory_space<semaphore_mem>> -> memref<!tpu.dma_semaphore, #tpu.memory_space<semaphore_mem>>
    %dma_start3A_880 = arith.constant 0 : i32
    %dma_start3A_881 = tpu.memref_slice %arg4[%add3A_869, %dma_start3A_880] : memref<204800x128xf32, #tpu.memory_space<hbm>> -> memref<256x128xf32, #tpu.memory_space<hbm>>
    %dma_start3A_882 = arith.constant 0 : i32
    %dma_start3A_883 = arith.constant 0 : i32
    %dma_start3A_884 = tpu.memref_slice %arg6[%dma_start3A_870, %dma_start3A_882, %dma_start3A_883] : memref<3x256x128xf32, #tpu.memory_space<vmem>> -> memref<1x256x128xf32, #tpu.memory_space<vmem>>
    %dma_start3A_885 = tpu.memref_squeeze %dma_start3A_884 : memref<1x256x128xf32, #tpu.memory_space<vmem>> -> memref<256x128xf32, #tpu.memory_space<vmem>>
    tpu.enqueue_dma source(%dma_start3A_885 : memref<256x128xf32, #tpu.memory_space<vmem>>) target(%dma_start3A_881 : memref<256x128xf32, #tpu.memory_space<hbm>>) target_semaphore(%dma_start3A_879 : memref<!tpu.dma_semaphore, #tpu.memory_space<semaphore_mem>>)
    %dma_wait3A_886 = arith.constant 1 : i32
    %dma_wait3A_887 = arith.constant 1 : i32
    %dma_wait3A_888 = arith.constant 0 : i32
    %dma_wait3A_889 = arith.constant 0 : i32
    %dma_wait3A_890 = tpu.memref_slice %arg6[%dma_wait3A_886, %dma_wait3A_888, %dma_wait3A_889] : memref<3x256x128xf32, #tpu.memory_space<vmem>> -> memref<1x256x128xf32, #tpu.memory_space<vmem>>
    %dma_wait3A_891 = tpu.memref_squeeze %dma_wait3A_890 : memref<1x256x128xf32, #tpu.memory_space<vmem>> -> memref<256x128xf32, #tpu.memory_space<vmem>>
    %dma_wait3A_892 = arith.constant 0 : i32
    %dma_wait3A_893 = tpu.memref_slice %arg4[%add3A_809, %dma_wait3A_892] : memref<204800x128xf32, #tpu.memory_space<hbm>> -> memref<256x128xf32, #tpu.memory_space<hbm>>
    %dma_wait3A_894 = tpu.memref_slice %arg9[%dma_wait3A_887] : memref<3x!tpu.dma_semaphore, #tpu.memory_space<semaphore_mem>> -> memref<1x!tpu.dma_semaphore, #tpu.memory_space<semaphore_mem>>
    %dma_wait3A_895 = tpu.memref_squeeze %dma_wait3A_894 : memref<1x!tpu.dma_semaphore, #tpu.memory_space<semaphore_mem>> -> memref<!tpu.dma_semaphore, #tpu.memory_space<semaphore_mem>>
    %dma_wait3A_896 = arith.constant 0 : i32
    %dma_wait3A_897 = tpu.memref_slice %arg4[%add3A_809, %dma_wait3A_896] : memref<204800x128xf32, #tpu.memory_space<hbm>> -> memref<256x128xf32, #tpu.memory_space<hbm>>
    %dma_wait3A_898 = arith.constant 0 : i32
    %dma_wait3A_899 = arith.constant 0 : i32
    %dma_wait3A_900 = tpu.memref_slice %arg6[%dma_wait3A_886, %dma_wait3A_898, %dma_wait3A_899] : memref<3x256x128xf32, #tpu.memory_space<vmem>> -> memref<1x256x128xf32, #tpu.memory_space<vmem>>
    %dma_wait3A_901 = tpu.memref_squeeze %dma_wait3A_900 : memref<1x256x128xf32, #tpu.memory_space<vmem>> -> memref<256x128xf32, #tpu.memory_space<vmem>>
    tpu.wait_dma2 semaphore(%dma_wait3A_895 : memref<!tpu.dma_semaphore, #tpu.memory_space<semaphore_mem>>) src(%dma_wait3A_901 : memref<256x128xf32, #tpu.memory_space<vmem>>) dst(%dma_wait3A_897 : memref<256x128xf32, #tpu.memory_space<hbm>>)
    %dma_start3A_902 = arith.constant 1 : i32
    %dma_start3A_903 = arith.constant 1 : i32
    %dma_start3A_904 = arith.constant 0 : i32
    %dma_start3A_905 = arith.constant 0 : i32
    %dma_start3A_906 = tpu.memref_slice %arg6[%dma_start3A_902, %dma_start3A_904, %dma_start3A_905] : memref<3x256x128xf32, #tpu.memory_space<vmem>> -> memref<1x256x128xf32, #tpu.memory_space<vmem>>
    %dma_start3A_907 = tpu.memref_squeeze %dma_start3A_906 : memref<1x256x128xf32, #tpu.memory_space<vmem>> -> memref<256x128xf32, #tpu.memory_space<vmem>>
    %dma_start3A_908 = arith.constant 4096 : i32
    %dma_start3A_909 = tpu.memref_slice %arg5[%dma_start3A_908] : memref<6400xi32, #tpu.memory_space<vmem>> -> memref<256xi32, #tpu.memory_space<vmem>>
    %dma_start3A_910 = arith.constant 0 : i32
    %dma_start3A_911 = arith.constant 0 : i32
    %dma_start3A_912 = tpu.memref_slice %arg2[%dma_start3A_910, %dma_start3A_911] : memref<100000x128xf32, #tpu.memory_space<hbm>> -> memref<100000x128xf32, #tpu.memory_space<hbm>>
    %dma_start3A_913 = tpu.memref_slice %arg8[%dma_start3A_903] : memref<3x!tpu.dma_semaphore, #tpu.memory_space<semaphore_mem>> -> memref<1x!tpu.dma_semaphore, #tpu.memory_space<semaphore_mem>>
    %dma_start3A_914 = tpu.memref_squeeze %dma_start3A_913 : memref<1x!tpu.dma_semaphore, #tpu.memory_space<semaphore_mem>> -> memref<!tpu.dma_semaphore, #tpu.memory_space<semaphore_mem>>
    tpu.enqueue_indirect_dma source(%dma_start3A_912 : memref<100000x128xf32, #tpu.memory_space<hbm>>) target(%dma_start3A_907 : memref<256x128xf32, #tpu.memory_space<vmem>>) offsets(%dma_start3A_909 : memref<256xi32, #tpu.memory_space<vmem>>) semaphore(%dma_start3A_914 : memref<!tpu.dma_semaphore, #tpu.memory_space<semaphore_mem>>)
    %dma_wait3A_915 = arith.constant 0 : i32
    %dma_wait3A_916 = arith.constant 0 : i32
    %dma_wait3A_917 = arith.constant 0 : i32
    %dma_wait3A_918 = arith.constant 0 : i32
    %dma_wait3A_919 = tpu.memref_slice %arg6[%dma_wait3A_915, %dma_wait3A_917, %dma_wait3A_918] : memref<3x256x128xf32, #tpu.memory_space<vmem>> -> memref<1x256x128xf32, #tpu.memory_space<vmem>>
    %dma_wait3A_920 = tpu.memref_squeeze %dma_wait3A_919 : memref<1x256x128xf32, #tpu.memory_space<vmem>> -> memref<256x128xf32, #tpu.memory_space<vmem>>
    %dma_wait3A_921 = arith.constant 3840 : i32
    %dma_wait3A_922 = tpu.memref_slice %arg5[%dma_wait3A_921] : memref<6400xi32, #tpu.memory_space<vmem>> -> memref<256xi32, #tpu.memory_space<vmem>>
    %dma_wait3A_923 = arith.constant 0 : i32
    %dma_wait3A_924 = arith.constant 0 : i32
    %dma_wait3A_925 = tpu.memref_slice %arg2[%dma_wait3A_923, %dma_wait3A_924] : memref<100000x128xf32, #tpu.memory_space<hbm>> -> memref<100000x128xf32, #tpu.memory_space<hbm>>
    %dma_wait3A_926 = tpu.memref_slice %arg8[%dma_wait3A_916] : memref<3x!tpu.dma_semaphore, #tpu.memory_space<semaphore_mem>> -> memref<1x!tpu.dma_semaphore, #tpu.memory_space<semaphore_mem>>
    %dma_wait3A_927 = tpu.memref_squeeze %dma_wait3A_926 : memref<1x!tpu.dma_semaphore, #tpu.memory_space<semaphore_mem>> -> memref<!tpu.dma_semaphore, #tpu.memory_space<semaphore_mem>>
    tpu.wait_indirect_dma semaphore(%dma_wait3A_927 : memref<!tpu.dma_semaphore, #tpu.memory_space<semaphore_mem>>) src(%dma_wait3A_925 : memref<100000x128xf32, #tpu.memory_space<hbm>>) dst(%dma_wait3A_920 : memref<256x128xf32, #tpu.memory_space<vmem>>)
    %add3A_928 = arith.constant 3840 : i32
    %add3A_929 = arith.addi %mul3A_2, %add3A_928 : i32
    %dma_start3A_930 = arith.constant 0 : i32
    %dma_start3A_931 = arith.constant 0 : i32
    %dma_start3A_932 = arith.constant 0 : i32
    %dma_start3A_933 = arith.constant 0 : i32
    %dma_start3A_934 = tpu.memref_slice %arg6[%dma_start3A_930, %dma_start3A_932, %dma_start3A_933] : memref<3x256x128xf32, #tpu.memory_space<vmem>> -> memref<1x256x128xf32, #tpu.memory_space<vmem>>
    %dma_start3A_935 = tpu.memref_squeeze %dma_start3A_934 : memref<1x256x128xf32, #tpu.memory_space<vmem>> -> memref<256x128xf32, #tpu.memory_space<vmem>>
    %dma_start3A_936 = arith.constant 0 : i32
    %dma_start3A_937 = tpu.memref_slice %arg4[%add3A_929, %dma_start3A_936] : memref<204800x128xf32, #tpu.memory_space<hbm>> -> memref<256x128xf32, #tpu.memory_space<hbm>>
    %dma_start3A_938 = tpu.memref_slice %arg9[%dma_start3A_931] : memref<3x!tpu.dma_semaphore, #tpu.memory_space<semaphore_mem>> -> memref<1x!tpu.dma_semaphore, #tpu.memory_space<semaphore_mem>>
    %dma_start3A_939 = tpu.memref_squeeze %dma_start3A_938 : memref<1x!tpu.dma_semaphore, #tpu.memory_space<semaphore_mem>> -> memref<!tpu.dma_semaphore, #tpu.memory_space<semaphore_mem>>
    %dma_start3A_940 = arith.constant 0 : i32
    %dma_start3A_941 = tpu.memref_slice %arg4[%add3A_929, %dma_start3A_940] : memref<204800x128xf32, #tpu.memory_space<hbm>> -> memref<256x128xf32, #tpu.memory_space<hbm>>
    %dma_start3A_942 = arith.constant 0 : i32
    %dma_start3A_943 = arith.constant 0 : i32
    %dma_start3A_944 = tpu.memref_slice %arg6[%dma_start3A_930, %dma_start3A_942, %dma_start3A_943] : memref<3x256x128xf32, #tpu.memory_space<vmem>> -> memref<1x256x128xf32, #tpu.memory_space<vmem>>
    %dma_start3A_945 = tpu.memref_squeeze %dma_start3A_944 : memref<1x256x128xf32, #tpu.memory_space<vmem>> -> memref<256x128xf32, #tpu.memory_space<vmem>>
    tpu.enqueue_dma source(%dma_start3A_945 : memref<256x128xf32, #tpu.memory_space<vmem>>) target(%dma_start3A_941 : memref<256x128xf32, #tpu.memory_space<hbm>>) target_semaphore(%dma_start3A_939 : memref<!tpu.dma_semaphore, #tpu.memory_space<semaphore_mem>>)
    %dma_wait3A_946 = arith.constant 2 : i32
    %dma_wait3A_947 = arith.constant 2 : i32
    %dma_wait3A_948 = arith.constant 0 : i32
    %dma_wait3A_949 = arith.constant 0 : i32
    %dma_wait3A_950 = tpu.memref_slice %arg6[%dma_wait3A_946, %dma_wait3A_948, %dma_wait3A_949] : memref<3x256x128xf32, #tpu.memory_space<vmem>> -> memref<1x256x128xf32, #tpu.memory_space<vmem>>
    %dma_wait3A_951 = tpu.memref_squeeze %dma_wait3A_950 : memref<1x256x128xf32, #tpu.memory_space<vmem>> -> memref<256x128xf32, #tpu.memory_space<vmem>>
    %dma_wait3A_952 = arith.constant 0 : i32
    %dma_wait3A_953 = tpu.memref_slice %arg4[%add3A_869, %dma_wait3A_952] : memref<204800x128xf32, #tpu.memory_space<hbm>> -> memref<256x128xf32, #tpu.memory_space<hbm>>
    %dma_wait3A_954 = tpu.memref_slice %arg9[%dma_wait3A_947] : memref<3x!tpu.dma_semaphore, #tpu.memory_space<semaphore_mem>> -> memref<1x!tpu.dma_semaphore, #tpu.memory_space<semaphore_mem>>
    %dma_wait3A_955 = tpu.memref_squeeze %dma_wait3A_954 : memref<1x!tpu.dma_semaphore, #tpu.memory_space<semaphore_mem>> -> memref<!tpu.dma_semaphore, #tpu.memory_space<semaphore_mem>>
    %dma_wait3A_956 = arith.constant 0 : i32
    %dma_wait3A_957 = tpu.memref_slice %arg4[%add3A_869, %dma_wait3A_956] : memref<204800x128xf32, #tpu.memory_space<hbm>> -> memref<256x128xf32, #tpu.memory_space<hbm>>
    %dma_wait3A_958 = arith.constant 0 : i32
    %dma_wait3A_959 = arith.constant 0 : i32
    %dma_wait3A_960 = tpu.memref_slice %arg6[%dma_wait3A_946, %dma_wait3A_958, %dma_wait3A_959] : memref<3x256x128xf32, #tpu.memory_space<vmem>> -> memref<1x256x128xf32, #tpu.memory_space<vmem>>
    %dma_wait3A_961 = tpu.memref_squeeze %dma_wait3A_960 : memref<1x256x128xf32, #tpu.memory_space<vmem>> -> memref<256x128xf32, #tpu.memory_space<vmem>>
    tpu.wait_dma2 semaphore(%dma_wait3A_955 : memref<!tpu.dma_semaphore, #tpu.memory_space<semaphore_mem>>) src(%dma_wait3A_961 : memref<256x128xf32, #tpu.memory_space<vmem>>) dst(%dma_wait3A_957 : memref<256x128xf32, #tpu.memory_space<hbm>>)
    %dma_start3A_962 = arith.constant 2 : i32
    %dma_start3A_963 = arith.constant 2 : i32
    %dma_start3A_964 = arith.constant 0 : i32
    %dma_start3A_965 = arith.constant 0 : i32
    %dma_start3A_966 = tpu.memref_slice %arg6[%dma_start3A_962, %dma_start3A_964, %dma_start3A_965] : memref<3x256x128xf32, #tpu.memory_space<vmem>> -> memref<1x256x128xf32, #tpu.memory_space<vmem>>
    %dma_start3A_967 = tpu.memref_squeeze %dma_start3A_966 : memref<1x256x128xf32, #tpu.memory_space<vmem>> -> memref<256x128xf32, #tpu.memory_space<vmem>>
    %dma_start3A_968 = arith.constant 4352 : i32
    %dma_start3A_969 = tpu.memref_slice %arg5[%dma_start3A_968] : memref<6400xi32, #tpu.memory_space<vmem>> -> memref<256xi32, #tpu.memory_space<vmem>>
    %dma_start3A_970 = arith.constant 0 : i32
    %dma_start3A_971 = arith.constant 0 : i32
    %dma_start3A_972 = tpu.memref_slice %arg2[%dma_start3A_970, %dma_start3A_971] : memref<100000x128xf32, #tpu.memory_space<hbm>> -> memref<100000x128xf32, #tpu.memory_space<hbm>>
    %dma_start3A_973 = tpu.memref_slice %arg8[%dma_start3A_963] : memref<3x!tpu.dma_semaphore, #tpu.memory_space<semaphore_mem>> -> memref<1x!tpu.dma_semaphore, #tpu.memory_space<semaphore_mem>>
    %dma_start3A_974 = tpu.memref_squeeze %dma_start3A_973 : memref<1x!tpu.dma_semaphore, #tpu.memory_space<semaphore_mem>> -> memref<!tpu.dma_semaphore, #tpu.memory_space<semaphore_mem>>
    tpu.enqueue_indirect_dma source(%dma_start3A_972 : memref<100000x128xf32, #tpu.memory_space<hbm>>) target(%dma_start3A_967 : memref<256x128xf32, #tpu.memory_space<vmem>>) offsets(%dma_start3A_969 : memref<256xi32, #tpu.memory_space<vmem>>) semaphore(%dma_start3A_974 : memref<!tpu.dma_semaphore, #tpu.memory_space<semaphore_mem>>)
    %dma_wait3A_975 = arith.constant 1 : i32
    %dma_wait3A_976 = arith.constant 1 : i32
    %dma_wait3A_977 = arith.constant 0 : i32
    %dma_wait3A_978 = arith.constant 0 : i32
    %dma_wait3A_979 = tpu.memref_slice %arg6[%dma_wait3A_975, %dma_wait3A_977, %dma_wait3A_978] : memref<3x256x128xf32, #tpu.memory_space<vmem>> -> memref<1x256x128xf32, #tpu.memory_space<vmem>>
    %dma_wait3A_980 = tpu.memref_squeeze %dma_wait3A_979 : memref<1x256x128xf32, #tpu.memory_space<vmem>> -> memref<256x128xf32, #tpu.memory_space<vmem>>
    %dma_wait3A_981 = arith.constant 4096 : i32
    %dma_wait3A_982 = tpu.memref_slice %arg5[%dma_wait3A_981] : memref<6400xi32, #tpu.memory_space<vmem>> -> memref<256xi32, #tpu.memory_space<vmem>>
    %dma_wait3A_983 = arith.constant 0 : i32
    %dma_wait3A_984 = arith.constant 0 : i32
    %dma_wait3A_985 = tpu.memref_slice %arg2[%dma_wait3A_983, %dma_wait3A_984] : memref<100000x128xf32, #tpu.memory_space<hbm>> -> memref<100000x128xf32, #tpu.memory_space<hbm>>
    %dma_wait3A_986 = tpu.memref_slice %arg8[%dma_wait3A_976] : memref<3x!tpu.dma_semaphore, #tpu.memory_space<semaphore_mem>> -> memref<1x!tpu.dma_semaphore, #tpu.memory_space<semaphore_mem>>
    %dma_wait3A_987 = tpu.memref_squeeze %dma_wait3A_986 : memref<1x!tpu.dma_semaphore, #tpu.memory_space<semaphore_mem>> -> memref<!tpu.dma_semaphore, #tpu.memory_space<semaphore_mem>>
    tpu.wait_indirect_dma semaphore(%dma_wait3A_987 : memref<!tpu.dma_semaphore, #tpu.memory_space<semaphore_mem>>) src(%dma_wait3A_985 : memref<100000x128xf32, #tpu.memory_space<hbm>>) dst(%dma_wait3A_980 : memref<256x128xf32, #tpu.memory_space<vmem>>)
    %add3A_988 = arith.constant 4096 : i32
    %add3A_989 = arith.addi %mul3A_2, %add3A_988 : i32
    %dma_start3A_990 = arith.constant 1 : i32
    %dma_start3A_991 = arith.constant 1 : i32
    %dma_start3A_992 = arith.constant 0 : i32
    %dma_start3A_993 = arith.constant 0 : i32
    %dma_start3A_994 = tpu.memref_slice %arg6[%dma_start3A_990, %dma_start3A_992, %dma_start3A_993] : memref<3x256x128xf32, #tpu.memory_space<vmem>> -> memref<1x256x128xf32, #tpu.memory_space<vmem>>
    %dma_start3A_995 = tpu.memref_squeeze %dma_start3A_994 : memref<1x256x128xf32, #tpu.memory_space<vmem>> -> memref<256x128xf32, #tpu.memory_space<vmem>>
    %dma_start3A_996 = arith.constant 0 : i32
    %dma_start3A_997 = tpu.memref_slice %arg4[%add3A_989, %dma_start3A_996] : memref<204800x128xf32, #tpu.memory_space<hbm>> -> memref<256x128xf32, #tpu.memory_space<hbm>>
    %dma_start3A_998 = tpu.memref_slice %arg9[%dma_start3A_991] : memref<3x!tpu.dma_semaphore, #tpu.memory_space<semaphore_mem>> -> memref<1x!tpu.dma_semaphore, #tpu.memory_space<semaphore_mem>>
    %dma_start3A_999 = tpu.memref_squeeze %dma_start3A_998 : memref<1x!tpu.dma_semaphore, #tpu.memory_space<semaphore_mem>> -> memref<!tpu.dma_semaphore, #tpu.memory_space<semaphore_mem>>
    %dma_start3A_1000 = arith.constant 0 : i32
    %dma_start3A_1001 = tpu.memref_slice %arg4[%add3A_989, %dma_start3A_1000] : memref<204800x128xf32, #tpu.memory_space<hbm>> -> memref<256x128xf32, #tpu.memory_space<hbm>>
    %dma_start3A_1002 = arith.constant 0 : i32
    %dma_start3A_1003 = arith.constant 0 : i32
    %dma_start3A_1004 = tpu.memref_slice %arg6[%dma_start3A_990, %dma_start3A_1002, %dma_start3A_1003] : memref<3x256x128xf32, #tpu.memory_space<vmem>> -> memref<1x256x128xf32, #tpu.memory_space<vmem>>
    %dma_start3A_1005 = tpu.memref_squeeze %dma_start3A_1004 : memref<1x256x128xf32, #tpu.memory_space<vmem>> -> memref<256x128xf32, #tpu.memory_space<vmem>>
    tpu.enqueue_dma source(%dma_start3A_1005 : memref<256x128xf32, #tpu.memory_space<vmem>>) target(%dma_start3A_1001 : memref<256x128xf32, #tpu.memory_space<hbm>>) target_semaphore(%dma_start3A_999 : memref<!tpu.dma_semaphore, #tpu.memory_space<semaphore_mem>>)
    %dma_wait3A_1006 = arith.constant 0 : i32
    %dma_wait3A_1007 = arith.constant 0 : i32
    %dma_wait3A_1008 = arith.constant 0 : i32
    %dma_wait3A_1009 = arith.constant 0 : i32
    %dma_wait3A_1010 = tpu.memref_slice %arg6[%dma_wait3A_1006, %dma_wait3A_1008, %dma_wait3A_1009] : memref<3x256x128xf32, #tpu.memory_space<vmem>> -> memref<1x256x128xf32, #tpu.memory_space<vmem>>
    %dma_wait3A_1011 = tpu.memref_squeeze %dma_wait3A_1010 : memref<1x256x128xf32, #tpu.memory_space<vmem>> -> memref<256x128xf32, #tpu.memory_space<vmem>>
    %dma_wait3A_1012 = arith.constant 0 : i32
    %dma_wait3A_1013 = tpu.memref_slice %arg4[%add3A_929, %dma_wait3A_1012] : memref<204800x128xf32, #tpu.memory_space<hbm>> -> memref<256x128xf32, #tpu.memory_space<hbm>>
    %dma_wait3A_1014 = tpu.memref_slice %arg9[%dma_wait3A_1007] : memref<3x!tpu.dma_semaphore, #tpu.memory_space<semaphore_mem>> -> memref<1x!tpu.dma_semaphore, #tpu.memory_space<semaphore_mem>>
    %dma_wait3A_1015 = tpu.memref_squeeze %dma_wait3A_1014 : memref<1x!tpu.dma_semaphore, #tpu.memory_space<semaphore_mem>> -> memref<!tpu.dma_semaphore, #tpu.memory_space<semaphore_mem>>
    %dma_wait3A_1016 = arith.constant 0 : i32
    %dma_wait3A_1017 = tpu.memref_slice %arg4[%add3A_929, %dma_wait3A_1016] : memref<204800x128xf32, #tpu.memory_space<hbm>> -> memref<256x128xf32, #tpu.memory_space<hbm>>
    %dma_wait3A_1018 = arith.constant 0 : i32
    %dma_wait3A_1019 = arith.constant 0 : i32
    %dma_wait3A_1020 = tpu.memref_slice %arg6[%dma_wait3A_1006, %dma_wait3A_1018, %dma_wait3A_1019] : memref<3x256x128xf32, #tpu.memory_space<vmem>> -> memref<1x256x128xf32, #tpu.memory_space<vmem>>
    %dma_wait3A_1021 = tpu.memref_squeeze %dma_wait3A_1020 : memref<1x256x128xf32, #tpu.memory_space<vmem>> -> memref<256x128xf32, #tpu.memory_space<vmem>>
    tpu.wait_dma2 semaphore(%dma_wait3A_1015 : memref<!tpu.dma_semaphore, #tpu.memory_space<semaphore_mem>>) src(%dma_wait3A_1021 : memref<256x128xf32, #tpu.memory_space<vmem>>) dst(%dma_wait3A_1017 : memref<256x128xf32, #tpu.memory_space<hbm>>)
    %dma_start3A_1022 = arith.constant 0 : i32
    %dma_start3A_1023 = arith.constant 0 : i32
    %dma_start3A_1024 = arith.constant 0 : i32
    %dma_start3A_1025 = arith.constant 0 : i32
    %dma_start3A_1026 = tpu.memref_slice %arg6[%dma_start3A_1022, %dma_start3A_1024, %dma_start3A_1025] : memref<3x256x128xf32, #tpu.memory_space<vmem>> -> memref<1x256x128xf32, #tpu.memory_space<vmem>>
    %dma_start3A_1027 = tpu.memref_squeeze %dma_start3A_1026 : memref<1x256x128xf32, #tpu.memory_space<vmem>> -> memref<256x128xf32, #tpu.memory_space<vmem>>
    %dma_start3A_1028 = arith.constant 4608 : i32
    %dma_start3A_1029 = tpu.memref_slice %arg5[%dma_start3A_1028] : memref<6400xi32, #tpu.memory_space<vmem>> -> memref<256xi32, #tpu.memory_space<vmem>>
    %dma_start3A_1030 = arith.constant 0 : i32
    %dma_start3A_1031 = arith.constant 0 : i32
    %dma_start3A_1032 = tpu.memref_slice %arg2[%dma_start3A_1030, %dma_start3A_1031] : memref<100000x128xf32, #tpu.memory_space<hbm>> -> memref<100000x128xf32, #tpu.memory_space<hbm>>
    %dma_start3A_1033 = tpu.memref_slice %arg8[%dma_start3A_1023] : memref<3x!tpu.dma_semaphore, #tpu.memory_space<semaphore_mem>> -> memref<1x!tpu.dma_semaphore, #tpu.memory_space<semaphore_mem>>
    %dma_start3A_1034 = tpu.memref_squeeze %dma_start3A_1033 : memref<1x!tpu.dma_semaphore, #tpu.memory_space<semaphore_mem>> -> memref<!tpu.dma_semaphore, #tpu.memory_space<semaphore_mem>>
    tpu.enqueue_indirect_dma source(%dma_start3A_1032 : memref<100000x128xf32, #tpu.memory_space<hbm>>) target(%dma_start3A_1027 : memref<256x128xf32, #tpu.memory_space<vmem>>) offsets(%dma_start3A_1029 : memref<256xi32, #tpu.memory_space<vmem>>) semaphore(%dma_start3A_1034 : memref<!tpu.dma_semaphore, #tpu.memory_space<semaphore_mem>>)
    %dma_wait3A_1035 = arith.constant 2 : i32
    %dma_wait3A_1036 = arith.constant 2 : i32
    %dma_wait3A_1037 = arith.constant 0 : i32
    %dma_wait3A_1038 = arith.constant 0 : i32
    %dma_wait3A_1039 = tpu.memref_slice %arg6[%dma_wait3A_1035, %dma_wait3A_1037, %dma_wait3A_1038] : memref<3x256x128xf32, #tpu.memory_space<vmem>> -> memref<1x256x128xf32, #tpu.memory_space<vmem>>
    %dma_wait3A_1040 = tpu.memref_squeeze %dma_wait3A_1039 : memref<1x256x128xf32, #tpu.memory_space<vmem>> -> memref<256x128xf32, #tpu.memory_space<vmem>>
    %dma_wait3A_1041 = arith.constant 4352 : i32
    %dma_wait3A_1042 = tpu.memref_slice %arg5[%dma_wait3A_1041] : memref<6400xi32, #tpu.memory_space<vmem>> -> memref<256xi32, #tpu.memory_space<vmem>>
    %dma_wait3A_1043 = arith.constant 0 : i32
    %dma_wait3A_1044 = arith.constant 0 : i32
    %dma_wait3A_1045 = tpu.memref_slice %arg2[%dma_wait3A_1043, %dma_wait3A_1044] : memref<100000x128xf32, #tpu.memory_space<hbm>> -> memref<100000x128xf32, #tpu.memory_space<hbm>>
    %dma_wait3A_1046 = tpu.memref_slice %arg8[%dma_wait3A_1036] : memref<3x!tpu.dma_semaphore, #tpu.memory_space<semaphore_mem>> -> memref<1x!tpu.dma_semaphore, #tpu.memory_space<semaphore_mem>>
    %dma_wait3A_1047 = tpu.memref_squeeze %dma_wait3A_1046 : memref<1x!tpu.dma_semaphore, #tpu.memory_space<semaphore_mem>> -> memref<!tpu.dma_semaphore, #tpu.memory_space<semaphore_mem>>
    tpu.wait_indirect_dma semaphore(%dma_wait3A_1047 : memref<!tpu.dma_semaphore, #tpu.memory_space<semaphore_mem>>) src(%dma_wait3A_1045 : memref<100000x128xf32, #tpu.memory_space<hbm>>) dst(%dma_wait3A_1040 : memref<256x128xf32, #tpu.memory_space<vmem>>)
    %add3A_1048 = arith.constant 4352 : i32
    %add3A_1049 = arith.addi %mul3A_2, %add3A_1048 : i32
    %dma_start3A_1050 = arith.constant 2 : i32
    %dma_start3A_1051 = arith.constant 2 : i32
    %dma_start3A_1052 = arith.constant 0 : i32
    %dma_start3A_1053 = arith.constant 0 : i32
    %dma_start3A_1054 = tpu.memref_slice %arg6[%dma_start3A_1050, %dma_start3A_1052, %dma_start3A_1053] : memref<3x256x128xf32, #tpu.memory_space<vmem>> -> memref<1x256x128xf32, #tpu.memory_space<vmem>>
    %dma_start3A_1055 = tpu.memref_squeeze %dma_start3A_1054 : memref<1x256x128xf32, #tpu.memory_space<vmem>> -> memref<256x128xf32, #tpu.memory_space<vmem>>
    %dma_start3A_1056 = arith.constant 0 : i32
    %dma_start3A_1057 = tpu.memref_slice %arg4[%add3A_1049, %dma_start3A_1056] : memref<204800x128xf32, #tpu.memory_space<hbm>> -> memref<256x128xf32, #tpu.memory_space<hbm>>
    %dma_start3A_1058 = tpu.memref_slice %arg9[%dma_start3A_1051] : memref<3x!tpu.dma_semaphore, #tpu.memory_space<semaphore_mem>> -> memref<1x!tpu.dma_semaphore, #tpu.memory_space<semaphore_mem>>
    %dma_start3A_1059 = tpu.memref_squeeze %dma_start3A_1058 : memref<1x!tpu.dma_semaphore, #tpu.memory_space<semaphore_mem>> -> memref<!tpu.dma_semaphore, #tpu.memory_space<semaphore_mem>>
    %dma_start3A_1060 = arith.constant 0 : i32
    %dma_start3A_1061 = tpu.memref_slice %arg4[%add3A_1049, %dma_start3A_1060] : memref<204800x128xf32, #tpu.memory_space<hbm>> -> memref<256x128xf32, #tpu.memory_space<hbm>>
    %dma_start3A_1062 = arith.constant 0 : i32
    %dma_start3A_1063 = arith.constant 0 : i32
    %dma_start3A_1064 = tpu.memref_slice %arg6[%dma_start3A_1050, %dma_start3A_1062, %dma_start3A_1063] : memref<3x256x128xf32, #tpu.memory_space<vmem>> -> memref<1x256x128xf32, #tpu.memory_space<vmem>>
    %dma_start3A_1065 = tpu.memref_squeeze %dma_start3A_1064 : memref<1x256x128xf32, #tpu.memory_space<vmem>> -> memref<256x128xf32, #tpu.memory_space<vmem>>
    tpu.enqueue_dma source(%dma_start3A_1065 : memref<256x128xf32, #tpu.memory_space<vmem>>) target(%dma_start3A_1061 : memref<256x128xf32, #tpu.memory_space<hbm>>) target_semaphore(%dma_start3A_1059 : memref<!tpu.dma_semaphore, #tpu.memory_space<semaphore_mem>>)
    %dma_wait3A_1066 = arith.constant 1 : i32
    %dma_wait3A_1067 = arith.constant 1 : i32
    %dma_wait3A_1068 = arith.constant 0 : i32
    %dma_wait3A_1069 = arith.constant 0 : i32
    %dma_wait3A_1070 = tpu.memref_slice %arg6[%dma_wait3A_1066, %dma_wait3A_1068, %dma_wait3A_1069] : memref<3x256x128xf32, #tpu.memory_space<vmem>> -> memref<1x256x128xf32, #tpu.memory_space<vmem>>
    %dma_wait3A_1071 = tpu.memref_squeeze %dma_wait3A_1070 : memref<1x256x128xf32, #tpu.memory_space<vmem>> -> memref<256x128xf32, #tpu.memory_space<vmem>>
    %dma_wait3A_1072 = arith.constant 0 : i32
    %dma_wait3A_1073 = tpu.memref_slice %arg4[%add3A_989, %dma_wait3A_1072] : memref<204800x128xf32, #tpu.memory_space<hbm>> -> memref<256x128xf32, #tpu.memory_space<hbm>>
    %dma_wait3A_1074 = tpu.memref_slice %arg9[%dma_wait3A_1067] : memref<3x!tpu.dma_semaphore, #tpu.memory_space<semaphore_mem>> -> memref<1x!tpu.dma_semaphore, #tpu.memory_space<semaphore_mem>>
    %dma_wait3A_1075 = tpu.memref_squeeze %dma_wait3A_1074 : memref<1x!tpu.dma_semaphore, #tpu.memory_space<semaphore_mem>> -> memref<!tpu.dma_semaphore, #tpu.memory_space<semaphore_mem>>
    %dma_wait3A_1076 = arith.constant 0 : i32
    %dma_wait3A_1077 = tpu.memref_slice %arg4[%add3A_989, %dma_wait3A_1076] : memref<204800x128xf32, #tpu.memory_space<hbm>> -> memref<256x128xf32, #tpu.memory_space<hbm>>
    %dma_wait3A_1078 = arith.constant 0 : i32
    %dma_wait3A_1079 = arith.constant 0 : i32
    %dma_wait3A_1080 = tpu.memref_slice %arg6[%dma_wait3A_1066, %dma_wait3A_1078, %dma_wait3A_1079] : memref<3x256x128xf32, #tpu.memory_space<vmem>> -> memref<1x256x128xf32, #tpu.memory_space<vmem>>
    %dma_wait3A_1081 = tpu.memref_squeeze %dma_wait3A_1080 : memref<1x256x128xf32, #tpu.memory_space<vmem>> -> memref<256x128xf32, #tpu.memory_space<vmem>>
    tpu.wait_dma2 semaphore(%dma_wait3A_1075 : memref<!tpu.dma_semaphore, #tpu.memory_space<semaphore_mem>>) src(%dma_wait3A_1081 : memref<256x128xf32, #tpu.memory_space<vmem>>) dst(%dma_wait3A_1077 : memref<256x128xf32, #tpu.memory_space<hbm>>)
    %dma_start3A_1082 = arith.constant 1 : i32
    %dma_start3A_1083 = arith.constant 1 : i32
    %dma_start3A_1084 = arith.constant 0 : i32
    %dma_start3A_1085 = arith.constant 0 : i32
    %dma_start3A_1086 = tpu.memref_slice %arg6[%dma_start3A_1082, %dma_start3A_1084, %dma_start3A_1085] : memref<3x256x128xf32, #tpu.memory_space<vmem>> -> memref<1x256x128xf32, #tpu.memory_space<vmem>>
    %dma_start3A_1087 = tpu.memref_squeeze %dma_start3A_1086 : memref<1x256x128xf32, #tpu.memory_space<vmem>> -> memref<256x128xf32, #tpu.memory_space<vmem>>
    %dma_start3A_1088 = arith.constant 4864 : i32
    %dma_start3A_1089 = tpu.memref_slice %arg5[%dma_start3A_1088] : memref<6400xi32, #tpu.memory_space<vmem>> -> memref<256xi32, #tpu.memory_space<vmem>>
    %dma_start3A_1090 = arith.constant 0 : i32
    %dma_start3A_1091 = arith.constant 0 : i32
    %dma_start3A_1092 = tpu.memref_slice %arg2[%dma_start3A_1090, %dma_start3A_1091] : memref<100000x128xf32, #tpu.memory_space<hbm>> -> memref<100000x128xf32, #tpu.memory_space<hbm>>
    %dma_start3A_1093 = tpu.memref_slice %arg8[%dma_start3A_1083] : memref<3x!tpu.dma_semaphore, #tpu.memory_space<semaphore_mem>> -> memref<1x!tpu.dma_semaphore, #tpu.memory_space<semaphore_mem>>
    %dma_start3A_1094 = tpu.memref_squeeze %dma_start3A_1093 : memref<1x!tpu.dma_semaphore, #tpu.memory_space<semaphore_mem>> -> memref<!tpu.dma_semaphore, #tpu.memory_space<semaphore_mem>>
    tpu.enqueue_indirect_dma source(%dma_start3A_1092 : memref<100000x128xf32, #tpu.memory_space<hbm>>) target(%dma_start3A_1087 : memref<256x128xf32, #tpu.memory_space<vmem>>) offsets(%dma_start3A_1089 : memref<256xi32, #tpu.memory_space<vmem>>) semaphore(%dma_start3A_1094 : memref<!tpu.dma_semaphore, #tpu.memory_space<semaphore_mem>>)
    %dma_wait3A_1095 = arith.constant 0 : i32
    %dma_wait3A_1096 = arith.constant 0 : i32
    %dma_wait3A_1097 = arith.constant 0 : i32
    %dma_wait3A_1098 = arith.constant 0 : i32
    %dma_wait3A_1099 = tpu.memref_slice %arg6[%dma_wait3A_1095, %dma_wait3A_1097, %dma_wait3A_1098] : memref<3x256x128xf32, #tpu.memory_space<vmem>> -> memref<1x256x128xf32, #tpu.memory_space<vmem>>
    %dma_wait3A_1100 = tpu.memref_squeeze %dma_wait3A_1099 : memref<1x256x128xf32, #tpu.memory_space<vmem>> -> memref<256x128xf32, #tpu.memory_space<vmem>>
    %dma_wait3A_1101 = arith.constant 4608 : i32
    %dma_wait3A_1102 = tpu.memref_slice %arg5[%dma_wait3A_1101] : memref<6400xi32, #tpu.memory_space<vmem>> -> memref<256xi32, #tpu.memory_space<vmem>>
    %dma_wait3A_1103 = arith.constant 0 : i32
    %dma_wait3A_1104 = arith.constant 0 : i32
    %dma_wait3A_1105 = tpu.memref_slice %arg2[%dma_wait3A_1103, %dma_wait3A_1104] : memref<100000x128xf32, #tpu.memory_space<hbm>> -> memref<100000x128xf32, #tpu.memory_space<hbm>>
    %dma_wait3A_1106 = tpu.memref_slice %arg8[%dma_wait3A_1096] : memref<3x!tpu.dma_semaphore, #tpu.memory_space<semaphore_mem>> -> memref<1x!tpu.dma_semaphore, #tpu.memory_space<semaphore_mem>>
    %dma_wait3A_1107 = tpu.memref_squeeze %dma_wait3A_1106 : memref<1x!tpu.dma_semaphore, #tpu.memory_space<semaphore_mem>> -> memref<!tpu.dma_semaphore, #tpu.memory_space<semaphore_mem>>
    tpu.wait_indirect_dma semaphore(%dma_wait3A_1107 : memref<!tpu.dma_semaphore, #tpu.memory_space<semaphore_mem>>) src(%dma_wait3A_1105 : memref<100000x128xf32, #tpu.memory_space<hbm>>) dst(%dma_wait3A_1100 : memref<256x128xf32, #tpu.memory_space<vmem>>)
    %add3A_1108 = arith.constant 4608 : i32
    %add3A_1109 = arith.addi %mul3A_2, %add3A_1108 : i32
    %dma_start3A_1110 = arith.constant 0 : i32
    %dma_start3A_1111 = arith.constant 0 : i32
    %dma_start3A_1112 = arith.constant 0 : i32
    %dma_start3A_1113 = arith.constant 0 : i32
    %dma_start3A_1114 = tpu.memref_slice %arg6[%dma_start3A_1110, %dma_start3A_1112, %dma_start3A_1113] : memref<3x256x128xf32, #tpu.memory_space<vmem>> -> memref<1x256x128xf32, #tpu.memory_space<vmem>>
    %dma_start3A_1115 = tpu.memref_squeeze %dma_start3A_1114 : memref<1x256x128xf32, #tpu.memory_space<vmem>> -> memref<256x128xf32, #tpu.memory_space<vmem>>
    %dma_start3A_1116 = arith.constant 0 : i32
    %dma_start3A_1117 = tpu.memref_slice %arg4[%add3A_1109, %dma_start3A_1116] : memref<204800x128xf32, #tpu.memory_space<hbm>> -> memref<256x128xf32, #tpu.memory_space<hbm>>
    %dma_start3A_1118 = tpu.memref_slice %arg9[%dma_start3A_1111] : memref<3x!tpu.dma_semaphore, #tpu.memory_space<semaphore_mem>> -> memref<1x!tpu.dma_semaphore, #tpu.memory_space<semaphore_mem>>
    %dma_start3A_1119 = tpu.memref_squeeze %dma_start3A_1118 : memref<1x!tpu.dma_semaphore, #tpu.memory_space<semaphore_mem>> -> memref<!tpu.dma_semaphore, #tpu.memory_space<semaphore_mem>>
    %dma_start3A_1120 = arith.constant 0 : i32
    %dma_start3A_1121 = tpu.memref_slice %arg4[%add3A_1109, %dma_start3A_1120] : memref<204800x128xf32, #tpu.memory_space<hbm>> -> memref<256x128xf32, #tpu.memory_space<hbm>>
    %dma_start3A_1122 = arith.constant 0 : i32
    %dma_start3A_1123 = arith.constant 0 : i32
    %dma_start3A_1124 = tpu.memref_slice %arg6[%dma_start3A_1110, %dma_start3A_1122, %dma_start3A_1123] : memref<3x256x128xf32, #tpu.memory_space<vmem>> -> memref<1x256x128xf32, #tpu.memory_space<vmem>>
    %dma_start3A_1125 = tpu.memref_squeeze %dma_start3A_1124 : memref<1x256x128xf32, #tpu.memory_space<vmem>> -> memref<256x128xf32, #tpu.memory_space<vmem>>
    tpu.enqueue_dma source(%dma_start3A_1125 : memref<256x128xf32, #tpu.memory_space<vmem>>) target(%dma_start3A_1121 : memref<256x128xf32, #tpu.memory_space<hbm>>) target_semaphore(%dma_start3A_1119 : memref<!tpu.dma_semaphore, #tpu.memory_space<semaphore_mem>>)
    %dma_wait3A_1126 = arith.constant 2 : i32
    %dma_wait3A_1127 = arith.constant 2 : i32
    %dma_wait3A_1128 = arith.constant 0 : i32
    %dma_wait3A_1129 = arith.constant 0 : i32
    %dma_wait3A_1130 = tpu.memref_slice %arg6[%dma_wait3A_1126, %dma_wait3A_1128, %dma_wait3A_1129] : memref<3x256x128xf32, #tpu.memory_space<vmem>> -> memref<1x256x128xf32, #tpu.memory_space<vmem>>
    %dma_wait3A_1131 = tpu.memref_squeeze %dma_wait3A_1130 : memref<1x256x128xf32, #tpu.memory_space<vmem>> -> memref<256x128xf32, #tpu.memory_space<vmem>>
    %dma_wait3A_1132 = arith.constant 0 : i32
    %dma_wait3A_1133 = tpu.memref_slice %arg4[%add3A_1049, %dma_wait3A_1132] : memref<204800x128xf32, #tpu.memory_space<hbm>> -> memref<256x128xf32, #tpu.memory_space<hbm>>
    %dma_wait3A_1134 = tpu.memref_slice %arg9[%dma_wait3A_1127] : memref<3x!tpu.dma_semaphore, #tpu.memory_space<semaphore_mem>> -> memref<1x!tpu.dma_semaphore, #tpu.memory_space<semaphore_mem>>
    %dma_wait3A_1135 = tpu.memref_squeeze %dma_wait3A_1134 : memref<1x!tpu.dma_semaphore, #tpu.memory_space<semaphore_mem>> -> memref<!tpu.dma_semaphore, #tpu.memory_space<semaphore_mem>>
    %dma_wait3A_1136 = arith.constant 0 : i32
    %dma_wait3A_1137 = tpu.memref_slice %arg4[%add3A_1049, %dma_wait3A_1136] : memref<204800x128xf32, #tpu.memory_space<hbm>> -> memref<256x128xf32, #tpu.memory_space<hbm>>
    %dma_wait3A_1138 = arith.constant 0 : i32
    %dma_wait3A_1139 = arith.constant 0 : i32
    %dma_wait3A_1140 = tpu.memref_slice %arg6[%dma_wait3A_1126, %dma_wait3A_1138, %dma_wait3A_1139] : memref<3x256x128xf32, #tpu.memory_space<vmem>> -> memref<1x256x128xf32, #tpu.memory_space<vmem>>
    %dma_wait3A_1141 = tpu.memref_squeeze %dma_wait3A_1140 : memref<1x256x128xf32, #tpu.memory_space<vmem>> -> memref<256x128xf32, #tpu.memory_space<vmem>>
    tpu.wait_dma2 semaphore(%dma_wait3A_1135 : memref<!tpu.dma_semaphore, #tpu.memory_space<semaphore_mem>>) src(%dma_wait3A_1141 : memref<256x128xf32, #tpu.memory_space<vmem>>) dst(%dma_wait3A_1137 : memref<256x128xf32, #tpu.memory_space<hbm>>)
    %dma_start3A_1142 = arith.constant 2 : i32
    %dma_start3A_1143 = arith.constant 2 : i32
    %dma_start3A_1144 = arith.constant 0 : i32
    %dma_start3A_1145 = arith.constant 0 : i32
    %dma_start3A_1146 = tpu.memref_slice %arg6[%dma_start3A_1142, %dma_start3A_1144, %dma_start3A_1145] : memref<3x256x128xf32, #tpu.memory_space<vmem>> -> memref<1x256x128xf32, #tpu.memory_space<vmem>>
    %dma_start3A_1147 = tpu.memref_squeeze %dma_start3A_1146 : memref<1x256x128xf32, #tpu.memory_space<vmem>> -> memref<256x128xf32, #tpu.memory_space<vmem>>
    %dma_start3A_1148 = arith.constant 5120 : i32
    %dma_start3A_1149 = tpu.memref_slice %arg5[%dma_start3A_1148] : memref<6400xi32, #tpu.memory_space<vmem>> -> memref<256xi32, #tpu.memory_space<vmem>>
    %dma_start3A_1150 = arith.constant 0 : i32
    %dma_start3A_1151 = arith.constant 0 : i32
    %dma_start3A_1152 = tpu.memref_slice %arg2[%dma_start3A_1150, %dma_start3A_1151] : memref<100000x128xf32, #tpu.memory_space<hbm>> -> memref<100000x128xf32, #tpu.memory_space<hbm>>
    %dma_start3A_1153 = tpu.memref_slice %arg8[%dma_start3A_1143] : memref<3x!tpu.dma_semaphore, #tpu.memory_space<semaphore_mem>> -> memref<1x!tpu.dma_semaphore, #tpu.memory_space<semaphore_mem>>
    %dma_start3A_1154 = tpu.memref_squeeze %dma_start3A_1153 : memref<1x!tpu.dma_semaphore, #tpu.memory_space<semaphore_mem>> -> memref<!tpu.dma_semaphore, #tpu.memory_space<semaphore_mem>>
    tpu.enqueue_indirect_dma source(%dma_start3A_1152 : memref<100000x128xf32, #tpu.memory_space<hbm>>) target(%dma_start3A_1147 : memref<256x128xf32, #tpu.memory_space<vmem>>) offsets(%dma_start3A_1149 : memref<256xi32, #tpu.memory_space<vmem>>) semaphore(%dma_start3A_1154 : memref<!tpu.dma_semaphore, #tpu.memory_space<semaphore_mem>>)
    %dma_wait3A_1155 = arith.constant 1 : i32
    %dma_wait3A_1156 = arith.constant 1 : i32
    %dma_wait3A_1157 = arith.constant 0 : i32
    %dma_wait3A_1158 = arith.constant 0 : i32
    %dma_wait3A_1159 = tpu.memref_slice %arg6[%dma_wait3A_1155, %dma_wait3A_1157, %dma_wait3A_1158] : memref<3x256x128xf32, #tpu.memory_space<vmem>> -> memref<1x256x128xf32, #tpu.memory_space<vmem>>
    %dma_wait3A_1160 = tpu.memref_squeeze %dma_wait3A_1159 : memref<1x256x128xf32, #tpu.memory_space<vmem>> -> memref<256x128xf32, #tpu.memory_space<vmem>>
    %dma_wait3A_1161 = arith.constant 4864 : i32
    %dma_wait3A_1162 = tpu.memref_slice %arg5[%dma_wait3A_1161] : memref<6400xi32, #tpu.memory_space<vmem>> -> memref<256xi32, #tpu.memory_space<vmem>>
    %dma_wait3A_1163 = arith.constant 0 : i32
    %dma_wait3A_1164 = arith.constant 0 : i32
    %dma_wait3A_1165 = tpu.memref_slice %arg2[%dma_wait3A_1163, %dma_wait3A_1164] : memref<100000x128xf32, #tpu.memory_space<hbm>> -> memref<100000x128xf32, #tpu.memory_space<hbm>>
    %dma_wait3A_1166 = tpu.memref_slice %arg8[%dma_wait3A_1156] : memref<3x!tpu.dma_semaphore, #tpu.memory_space<semaphore_mem>> -> memref<1x!tpu.dma_semaphore, #tpu.memory_space<semaphore_mem>>
    %dma_wait3A_1167 = tpu.memref_squeeze %dma_wait3A_1166 : memref<1x!tpu.dma_semaphore, #tpu.memory_space<semaphore_mem>> -> memref<!tpu.dma_semaphore, #tpu.memory_space<semaphore_mem>>
    tpu.wait_indirect_dma semaphore(%dma_wait3A_1167 : memref<!tpu.dma_semaphore, #tpu.memory_space<semaphore_mem>>) src(%dma_wait3A_1165 : memref<100000x128xf32, #tpu.memory_space<hbm>>) dst(%dma_wait3A_1160 : memref<256x128xf32, #tpu.memory_space<vmem>>)
    %add3A_1168 = arith.constant 4864 : i32
    %add3A_1169 = arith.addi %mul3A_2, %add3A_1168 : i32
    %dma_start3A_1170 = arith.constant 1 : i32
    %dma_start3A_1171 = arith.constant 1 : i32
    %dma_start3A_1172 = arith.constant 0 : i32
    %dma_start3A_1173 = arith.constant 0 : i32
    %dma_start3A_1174 = tpu.memref_slice %arg6[%dma_start3A_1170, %dma_start3A_1172, %dma_start3A_1173] : memref<3x256x128xf32, #tpu.memory_space<vmem>> -> memref<1x256x128xf32, #tpu.memory_space<vmem>>
    %dma_start3A_1175 = tpu.memref_squeeze %dma_start3A_1174 : memref<1x256x128xf32, #tpu.memory_space<vmem>> -> memref<256x128xf32, #tpu.memory_space<vmem>>
    %dma_start3A_1176 = arith.constant 0 : i32
    %dma_start3A_1177 = tpu.memref_slice %arg4[%add3A_1169, %dma_start3A_1176] : memref<204800x128xf32, #tpu.memory_space<hbm>> -> memref<256x128xf32, #tpu.memory_space<hbm>>
    %dma_start3A_1178 = tpu.memref_slice %arg9[%dma_start3A_1171] : memref<3x!tpu.dma_semaphore, #tpu.memory_space<semaphore_mem>> -> memref<1x!tpu.dma_semaphore, #tpu.memory_space<semaphore_mem>>
    %dma_start3A_1179 = tpu.memref_squeeze %dma_start3A_1178 : memref<1x!tpu.dma_semaphore, #tpu.memory_space<semaphore_mem>> -> memref<!tpu.dma_semaphore, #tpu.memory_space<semaphore_mem>>
    %dma_start3A_1180 = arith.constant 0 : i32
    %dma_start3A_1181 = tpu.memref_slice %arg4[%add3A_1169, %dma_start3A_1180] : memref<204800x128xf32, #tpu.memory_space<hbm>> -> memref<256x128xf32, #tpu.memory_space<hbm>>
    %dma_start3A_1182 = arith.constant 0 : i32
    %dma_start3A_1183 = arith.constant 0 : i32
    %dma_start3A_1184 = tpu.memref_slice %arg6[%dma_start3A_1170, %dma_start3A_1182, %dma_start3A_1183] : memref<3x256x128xf32, #tpu.memory_space<vmem>> -> memref<1x256x128xf32, #tpu.memory_space<vmem>>
    %dma_start3A_1185 = tpu.memref_squeeze %dma_start3A_1184 : memref<1x256x128xf32, #tpu.memory_space<vmem>> -> memref<256x128xf32, #tpu.memory_space<vmem>>
    tpu.enqueue_dma source(%dma_start3A_1185 : memref<256x128xf32, #tpu.memory_space<vmem>>) target(%dma_start3A_1181 : memref<256x128xf32, #tpu.memory_space<hbm>>) target_semaphore(%dma_start3A_1179 : memref<!tpu.dma_semaphore, #tpu.memory_space<semaphore_mem>>)
    %dma_wait3A_1186 = arith.constant 0 : i32
    %dma_wait3A_1187 = arith.constant 0 : i32
    %dma_wait3A_1188 = arith.constant 0 : i32
    %dma_wait3A_1189 = arith.constant 0 : i32
    %dma_wait3A_1190 = tpu.memref_slice %arg6[%dma_wait3A_1186, %dma_wait3A_1188, %dma_wait3A_1189] : memref<3x256x128xf32, #tpu.memory_space<vmem>> -> memref<1x256x128xf32, #tpu.memory_space<vmem>>
    %dma_wait3A_1191 = tpu.memref_squeeze %dma_wait3A_1190 : memref<1x256x128xf32, #tpu.memory_space<vmem>> -> memref<256x128xf32, #tpu.memory_space<vmem>>
    %dma_wait3A_1192 = arith.constant 0 : i32
    %dma_wait3A_1193 = tpu.memref_slice %arg4[%add3A_1109, %dma_wait3A_1192] : memref<204800x128xf32, #tpu.memory_space<hbm>> -> memref<256x128xf32, #tpu.memory_space<hbm>>
    %dma_wait3A_1194 = tpu.memref_slice %arg9[%dma_wait3A_1187] : memref<3x!tpu.dma_semaphore, #tpu.memory_space<semaphore_mem>> -> memref<1x!tpu.dma_semaphore, #tpu.memory_space<semaphore_mem>>
    %dma_wait3A_1195 = tpu.memref_squeeze %dma_wait3A_1194 : memref<1x!tpu.dma_semaphore, #tpu.memory_space<semaphore_mem>> -> memref<!tpu.dma_semaphore, #tpu.memory_space<semaphore_mem>>
    %dma_wait3A_1196 = arith.constant 0 : i32
    %dma_wait3A_1197 = tpu.memref_slice %arg4[%add3A_1109, %dma_wait3A_1196] : memref<204800x128xf32, #tpu.memory_space<hbm>> -> memref<256x128xf32, #tpu.memory_space<hbm>>
    %dma_wait3A_1198 = arith.constant 0 : i32
    %dma_wait3A_1199 = arith.constant 0 : i32
    %dma_wait3A_1200 = tpu.memref_slice %arg6[%dma_wait3A_1186, %dma_wait3A_1198, %dma_wait3A_1199] : memref<3x256x128xf32, #tpu.memory_space<vmem>> -> memref<1x256x128xf32, #tpu.memory_space<vmem>>
    %dma_wait3A_1201 = tpu.memref_squeeze %dma_wait3A_1200 : memref<1x256x128xf32, #tpu.memory_space<vmem>> -> memref<256x128xf32, #tpu.memory_space<vmem>>
    tpu.wait_dma2 semaphore(%dma_wait3A_1195 : memref<!tpu.dma_semaphore, #tpu.memory_space<semaphore_mem>>) src(%dma_wait3A_1201 : memref<256x128xf32, #tpu.memory_space<vmem>>) dst(%dma_wait3A_1197 : memref<256x128xf32, #tpu.memory_space<hbm>>)
    %dma_start3A_1202 = arith.constant 0 : i32
    %dma_start3A_1203 = arith.constant 0 : i32
    %dma_start3A_1204 = arith.constant 0 : i32
    %dma_start3A_1205 = arith.constant 0 : i32
    %dma_start3A_1206 = tpu.memref_slice %arg6[%dma_start3A_1202, %dma_start3A_1204, %dma_start3A_1205] : memref<3x256x128xf32, #tpu.memory_space<vmem>> -> memref<1x256x128xf32, #tpu.memory_space<vmem>>
    %dma_start3A_1207 = tpu.memref_squeeze %dma_start3A_1206 : memref<1x256x128xf32, #tpu.memory_space<vmem>> -> memref<256x128xf32, #tpu.memory_space<vmem>>
    %dma_start3A_1208 = arith.constant 5376 : i32
    %dma_start3A_1209 = tpu.memref_slice %arg5[%dma_start3A_1208] : memref<6400xi32, #tpu.memory_space<vmem>> -> memref<256xi32, #tpu.memory_space<vmem>>
    %dma_start3A_1210 = arith.constant 0 : i32
    %dma_start3A_1211 = arith.constant 0 : i32
    %dma_start3A_1212 = tpu.memref_slice %arg2[%dma_start3A_1210, %dma_start3A_1211] : memref<100000x128xf32, #tpu.memory_space<hbm>> -> memref<100000x128xf32, #tpu.memory_space<hbm>>
    %dma_start3A_1213 = tpu.memref_slice %arg8[%dma_start3A_1203] : memref<3x!tpu.dma_semaphore, #tpu.memory_space<semaphore_mem>> -> memref<1x!tpu.dma_semaphore, #tpu.memory_space<semaphore_mem>>
    %dma_start3A_1214 = tpu.memref_squeeze %dma_start3A_1213 : memref<1x!tpu.dma_semaphore, #tpu.memory_space<semaphore_mem>> -> memref<!tpu.dma_semaphore, #tpu.memory_space<semaphore_mem>>
    tpu.enqueue_indirect_dma source(%dma_start3A_1212 : memref<100000x128xf32, #tpu.memory_space<hbm>>) target(%dma_start3A_1207 : memref<256x128xf32, #tpu.memory_space<vmem>>) offsets(%dma_start3A_1209 : memref<256xi32, #tpu.memory_space<vmem>>) semaphore(%dma_start3A_1214 : memref<!tpu.dma_semaphore, #tpu.memory_space<semaphore_mem>>)
    %dma_wait3A_1215 = arith.constant 2 : i32
    %dma_wait3A_1216 = arith.constant 2 : i32
    %dma_wait3A_1217 = arith.constant 0 : i32
    %dma_wait3A_1218 = arith.constant 0 : i32
    %dma_wait3A_1219 = tpu.memref_slice %arg6[%dma_wait3A_1215, %dma_wait3A_1217, %dma_wait3A_1218] : memref<3x256x128xf32, #tpu.memory_space<vmem>> -> memref<1x256x128xf32, #tpu.memory_space<vmem>>
    %dma_wait3A_1220 = tpu.memref_squeeze %dma_wait3A_1219 : memref<1x256x128xf32, #tpu.memory_space<vmem>> -> memref<256x128xf32, #tpu.memory_space<vmem>>
    %dma_wait3A_1221 = arith.constant 5120 : i32
    %dma_wait3A_1222 = tpu.memref_slice %arg5[%dma_wait3A_1221] : memref<6400xi32, #tpu.memory_space<vmem>> -> memref<256xi32, #tpu.memory_space<vmem>>
    %dma_wait3A_1223 = arith.constant 0 : i32
    %dma_wait3A_1224 = arith.constant 0 : i32
    %dma_wait3A_1225 = tpu.memref_slice %arg2[%dma_wait3A_1223, %dma_wait3A_1224] : memref<100000x128xf32, #tpu.memory_space<hbm>> -> memref<100000x128xf32, #tpu.memory_space<hbm>>
    %dma_wait3A_1226 = tpu.memref_slice %arg8[%dma_wait3A_1216] : memref<3x!tpu.dma_semaphore, #tpu.memory_space<semaphore_mem>> -> memref<1x!tpu.dma_semaphore, #tpu.memory_space<semaphore_mem>>
    %dma_wait3A_1227 = tpu.memref_squeeze %dma_wait3A_1226 : memref<1x!tpu.dma_semaphore, #tpu.memory_space<semaphore_mem>> -> memref<!tpu.dma_semaphore, #tpu.memory_space<semaphore_mem>>
    tpu.wait_indirect_dma semaphore(%dma_wait3A_1227 : memref<!tpu.dma_semaphore, #tpu.memory_space<semaphore_mem>>) src(%dma_wait3A_1225 : memref<100000x128xf32, #tpu.memory_space<hbm>>) dst(%dma_wait3A_1220 : memref<256x128xf32, #tpu.memory_space<vmem>>)
    %add3A_1228 = arith.constant 5120 : i32
    %add3A_1229 = arith.addi %mul3A_2, %add3A_1228 : i32
    %dma_start3A_1230 = arith.constant 2 : i32
    %dma_start3A_1231 = arith.constant 2 : i32
    %dma_start3A_1232 = arith.constant 0 : i32
    %dma_start3A_1233 = arith.constant 0 : i32
    %dma_start3A_1234 = tpu.memref_slice %arg6[%dma_start3A_1230, %dma_start3A_1232, %dma_start3A_1233] : memref<3x256x128xf32, #tpu.memory_space<vmem>> -> memref<1x256x128xf32, #tpu.memory_space<vmem>>
    %dma_start3A_1235 = tpu.memref_squeeze %dma_start3A_1234 : memref<1x256x128xf32, #tpu.memory_space<vmem>> -> memref<256x128xf32, #tpu.memory_space<vmem>>
    %dma_start3A_1236 = arith.constant 0 : i32
    %dma_start3A_1237 = tpu.memref_slice %arg4[%add3A_1229, %dma_start3A_1236] : memref<204800x128xf32, #tpu.memory_space<hbm>> -> memref<256x128xf32, #tpu.memory_space<hbm>>
    %dma_start3A_1238 = tpu.memref_slice %arg9[%dma_start3A_1231] : memref<3x!tpu.dma_semaphore, #tpu.memory_space<semaphore_mem>> -> memref<1x!tpu.dma_semaphore, #tpu.memory_space<semaphore_mem>>
    %dma_start3A_1239 = tpu.memref_squeeze %dma_start3A_1238 : memref<1x!tpu.dma_semaphore, #tpu.memory_space<semaphore_mem>> -> memref<!tpu.dma_semaphore, #tpu.memory_space<semaphore_mem>>
    %dma_start3A_1240 = arith.constant 0 : i32
    %dma_start3A_1241 = tpu.memref_slice %arg4[%add3A_1229, %dma_start3A_1240] : memref<204800x128xf32, #tpu.memory_space<hbm>> -> memref<256x128xf32, #tpu.memory_space<hbm>>
    %dma_start3A_1242 = arith.constant 0 : i32
    %dma_start3A_1243 = arith.constant 0 : i32
    %dma_start3A_1244 = tpu.memref_slice %arg6[%dma_start3A_1230, %dma_start3A_1242, %dma_start3A_1243] : memref<3x256x128xf32, #tpu.memory_space<vmem>> -> memref<1x256x128xf32, #tpu.memory_space<vmem>>
    %dma_start3A_1245 = tpu.memref_squeeze %dma_start3A_1244 : memref<1x256x128xf32, #tpu.memory_space<vmem>> -> memref<256x128xf32, #tpu.memory_space<vmem>>
    tpu.enqueue_dma source(%dma_start3A_1245 : memref<256x128xf32, #tpu.memory_space<vmem>>) target(%dma_start3A_1241 : memref<256x128xf32, #tpu.memory_space<hbm>>) target_semaphore(%dma_start3A_1239 : memref<!tpu.dma_semaphore, #tpu.memory_space<semaphore_mem>>)
    %dma_wait3A_1246 = arith.constant 1 : i32
    %dma_wait3A_1247 = arith.constant 1 : i32
    %dma_wait3A_1248 = arith.constant 0 : i32
    %dma_wait3A_1249 = arith.constant 0 : i32
    %dma_wait3A_1250 = tpu.memref_slice %arg6[%dma_wait3A_1246, %dma_wait3A_1248, %dma_wait3A_1249] : memref<3x256x128xf32, #tpu.memory_space<vmem>> -> memref<1x256x128xf32, #tpu.memory_space<vmem>>
    %dma_wait3A_1251 = tpu.memref_squeeze %dma_wait3A_1250 : memref<1x256x128xf32, #tpu.memory_space<vmem>> -> memref<256x128xf32, #tpu.memory_space<vmem>>
    %dma_wait3A_1252 = arith.constant 0 : i32
    %dma_wait3A_1253 = tpu.memref_slice %arg4[%add3A_1169, %dma_wait3A_1252] : memref<204800x128xf32, #tpu.memory_space<hbm>> -> memref<256x128xf32, #tpu.memory_space<hbm>>
    %dma_wait3A_1254 = tpu.memref_slice %arg9[%dma_wait3A_1247] : memref<3x!tpu.dma_semaphore, #tpu.memory_space<semaphore_mem>> -> memref<1x!tpu.dma_semaphore, #tpu.memory_space<semaphore_mem>>
    %dma_wait3A_1255 = tpu.memref_squeeze %dma_wait3A_1254 : memref<1x!tpu.dma_semaphore, #tpu.memory_space<semaphore_mem>> -> memref<!tpu.dma_semaphore, #tpu.memory_space<semaphore_mem>>
    %dma_wait3A_1256 = arith.constant 0 : i32
    %dma_wait3A_1257 = tpu.memref_slice %arg4[%add3A_1169, %dma_wait3A_1256] : memref<204800x128xf32, #tpu.memory_space<hbm>> -> memref<256x128xf32, #tpu.memory_space<hbm>>
    %dma_wait3A_1258 = arith.constant 0 : i32
    %dma_wait3A_1259 = arith.constant 0 : i32
    %dma_wait3A_1260 = tpu.memref_slice %arg6[%dma_wait3A_1246, %dma_wait3A_1258, %dma_wait3A_1259] : memref<3x256x128xf32, #tpu.memory_space<vmem>> -> memref<1x256x128xf32, #tpu.memory_space<vmem>>
    %dma_wait3A_1261 = tpu.memref_squeeze %dma_wait3A_1260 : memref<1x256x128xf32, #tpu.memory_space<vmem>> -> memref<256x128xf32, #tpu.memory_space<vmem>>
    tpu.wait_dma2 semaphore(%dma_wait3A_1255 : memref<!tpu.dma_semaphore, #tpu.memory_space<semaphore_mem>>) src(%dma_wait3A_1261 : memref<256x128xf32, #tpu.memory_space<vmem>>) dst(%dma_wait3A_1257 : memref<256x128xf32, #tpu.memory_space<hbm>>)
    %dma_start3A_1262 = arith.constant 1 : i32
    %dma_start3A_1263 = arith.constant 1 : i32
    %dma_start3A_1264 = arith.constant 0 : i32
    %dma_start3A_1265 = arith.constant 0 : i32
    %dma_start3A_1266 = tpu.memref_slice %arg6[%dma_start3A_1262, %dma_start3A_1264, %dma_start3A_1265] : memref<3x256x128xf32, #tpu.memory_space<vmem>> -> memref<1x256x128xf32, #tpu.memory_space<vmem>>
    %dma_start3A_1267 = tpu.memref_squeeze %dma_start3A_1266 : memref<1x256x128xf32, #tpu.memory_space<vmem>> -> memref<256x128xf32, #tpu.memory_space<vmem>>
    %dma_start3A_1268 = arith.constant 5632 : i32
    %dma_start3A_1269 = tpu.memref_slice %arg5[%dma_start3A_1268] : memref<6400xi32, #tpu.memory_space<vmem>> -> memref<256xi32, #tpu.memory_space<vmem>>
    %dma_start3A_1270 = arith.constant 0 : i32
    %dma_start3A_1271 = arith.constant 0 : i32
    %dma_start3A_1272 = tpu.memref_slice %arg2[%dma_start3A_1270, %dma_start3A_1271] : memref<100000x128xf32, #tpu.memory_space<hbm>> -> memref<100000x128xf32, #tpu.memory_space<hbm>>
    %dma_start3A_1273 = tpu.memref_slice %arg8[%dma_start3A_1263] : memref<3x!tpu.dma_semaphore, #tpu.memory_space<semaphore_mem>> -> memref<1x!tpu.dma_semaphore, #tpu.memory_space<semaphore_mem>>
    %dma_start3A_1274 = tpu.memref_squeeze %dma_start3A_1273 : memref<1x!tpu.dma_semaphore, #tpu.memory_space<semaphore_mem>> -> memref<!tpu.dma_semaphore, #tpu.memory_space<semaphore_mem>>
    tpu.enqueue_indirect_dma source(%dma_start3A_1272 : memref<100000x128xf32, #tpu.memory_space<hbm>>) target(%dma_start3A_1267 : memref<256x128xf32, #tpu.memory_space<vmem>>) offsets(%dma_start3A_1269 : memref<256xi32, #tpu.memory_space<vmem>>) semaphore(%dma_start3A_1274 : memref<!tpu.dma_semaphore, #tpu.memory_space<semaphore_mem>>)
    %dma_wait3A_1275 = arith.constant 0 : i32
    %dma_wait3A_1276 = arith.constant 0 : i32
    %dma_wait3A_1277 = arith.constant 0 : i32
    %dma_wait3A_1278 = arith.constant 0 : i32
    %dma_wait3A_1279 = tpu.memref_slice %arg6[%dma_wait3A_1275, %dma_wait3A_1277, %dma_wait3A_1278] : memref<3x256x128xf32, #tpu.memory_space<vmem>> -> memref<1x256x128xf32, #tpu.memory_space<vmem>>
    %dma_wait3A_1280 = tpu.memref_squeeze %dma_wait3A_1279 : memref<1x256x128xf32, #tpu.memory_space<vmem>> -> memref<256x128xf32, #tpu.memory_space<vmem>>
    %dma_wait3A_1281 = arith.constant 5376 : i32
    %dma_wait3A_1282 = tpu.memref_slice %arg5[%dma_wait3A_1281] : memref<6400xi32, #tpu.memory_space<vmem>> -> memref<256xi32, #tpu.memory_space<vmem>>
    %dma_wait3A_1283 = arith.constant 0 : i32
    %dma_wait3A_1284 = arith.constant 0 : i32
    %dma_wait3A_1285 = tpu.memref_slice %arg2[%dma_wait3A_1283, %dma_wait3A_1284] : memref<100000x128xf32, #tpu.memory_space<hbm>> -> memref<100000x128xf32, #tpu.memory_space<hbm>>
    %dma_wait3A_1286 = tpu.memref_slice %arg8[%dma_wait3A_1276] : memref<3x!tpu.dma_semaphore, #tpu.memory_space<semaphore_mem>> -> memref<1x!tpu.dma_semaphore, #tpu.memory_space<semaphore_mem>>
    %dma_wait3A_1287 = tpu.memref_squeeze %dma_wait3A_1286 : memref<1x!tpu.dma_semaphore, #tpu.memory_space<semaphore_mem>> -> memref<!tpu.dma_semaphore, #tpu.memory_space<semaphore_mem>>
    tpu.wait_indirect_dma semaphore(%dma_wait3A_1287 : memref<!tpu.dma_semaphore, #tpu.memory_space<semaphore_mem>>) src(%dma_wait3A_1285 : memref<100000x128xf32, #tpu.memory_space<hbm>>) dst(%dma_wait3A_1280 : memref<256x128xf32, #tpu.memory_space<vmem>>)
    %add3A_1288 = arith.constant 5376 : i32
    %add3A_1289 = arith.addi %mul3A_2, %add3A_1288 : i32
    %dma_start3A_1290 = arith.constant 0 : i32
    %dma_start3A_1291 = arith.constant 0 : i32
    %dma_start3A_1292 = arith.constant 0 : i32
    %dma_start3A_1293 = arith.constant 0 : i32
    %dma_start3A_1294 = tpu.memref_slice %arg6[%dma_start3A_1290, %dma_start3A_1292, %dma_start3A_1293] : memref<3x256x128xf32, #tpu.memory_space<vmem>> -> memref<1x256x128xf32, #tpu.memory_space<vmem>>
    %dma_start3A_1295 = tpu.memref_squeeze %dma_start3A_1294 : memref<1x256x128xf32, #tpu.memory_space<vmem>> -> memref<256x128xf32, #tpu.memory_space<vmem>>
    %dma_start3A_1296 = arith.constant 0 : i32
    %dma_start3A_1297 = tpu.memref_slice %arg4[%add3A_1289, %dma_start3A_1296] : memref<204800x128xf32, #tpu.memory_space<hbm>> -> memref<256x128xf32, #tpu.memory_space<hbm>>
    %dma_start3A_1298 = tpu.memref_slice %arg9[%dma_start3A_1291] : memref<3x!tpu.dma_semaphore, #tpu.memory_space<semaphore_mem>> -> memref<1x!tpu.dma_semaphore, #tpu.memory_space<semaphore_mem>>
    %dma_start3A_1299 = tpu.memref_squeeze %dma_start3A_1298 : memref<1x!tpu.dma_semaphore, #tpu.memory_space<semaphore_mem>> -> memref<!tpu.dma_semaphore, #tpu.memory_space<semaphore_mem>>
    %dma_start3A_1300 = arith.constant 0 : i32
    %dma_start3A_1301 = tpu.memref_slice %arg4[%add3A_1289, %dma_start3A_1300] : memref<204800x128xf32, #tpu.memory_space<hbm>> -> memref<256x128xf32, #tpu.memory_space<hbm>>
    %dma_start3A_1302 = arith.constant 0 : i32
    %dma_start3A_1303 = arith.constant 0 : i32
    %dma_start3A_1304 = tpu.memref_slice %arg6[%dma_start3A_1290, %dma_start3A_1302, %dma_start3A_1303] : memref<3x256x128xf32, #tpu.memory_space<vmem>> -> memref<1x256x128xf32, #tpu.memory_space<vmem>>
    %dma_start3A_1305 = tpu.memref_squeeze %dma_start3A_1304 : memref<1x256x128xf32, #tpu.memory_space<vmem>> -> memref<256x128xf32, #tpu.memory_space<vmem>>
    tpu.enqueue_dma source(%dma_start3A_1305 : memref<256x128xf32, #tpu.memory_space<vmem>>) target(%dma_start3A_1301 : memref<256x128xf32, #tpu.memory_space<hbm>>) target_semaphore(%dma_start3A_1299 : memref<!tpu.dma_semaphore, #tpu.memory_space<semaphore_mem>>)
    %dma_wait3A_1306 = arith.constant 2 : i32
    %dma_wait3A_1307 = arith.constant 2 : i32
    %dma_wait3A_1308 = arith.constant 0 : i32
    %dma_wait3A_1309 = arith.constant 0 : i32
    %dma_wait3A_1310 = tpu.memref_slice %arg6[%dma_wait3A_1306, %dma_wait3A_1308, %dma_wait3A_1309] : memref<3x256x128xf32, #tpu.memory_space<vmem>> -> memref<1x256x128xf32, #tpu.memory_space<vmem>>
    %dma_wait3A_1311 = tpu.memref_squeeze %dma_wait3A_1310 : memref<1x256x128xf32, #tpu.memory_space<vmem>> -> memref<256x128xf32, #tpu.memory_space<vmem>>
    %dma_wait3A_1312 = arith.constant 0 : i32
    %dma_wait3A_1313 = tpu.memref_slice %arg4[%add3A_1229, %dma_wait3A_1312] : memref<204800x128xf32, #tpu.memory_space<hbm>> -> memref<256x128xf32, #tpu.memory_space<hbm>>
    %dma_wait3A_1314 = tpu.memref_slice %arg9[%dma_wait3A_1307] : memref<3x!tpu.dma_semaphore, #tpu.memory_space<semaphore_mem>> -> memref<1x!tpu.dma_semaphore, #tpu.memory_space<semaphore_mem>>
    %dma_wait3A_1315 = tpu.memref_squeeze %dma_wait3A_1314 : memref<1x!tpu.dma_semaphore, #tpu.memory_space<semaphore_mem>> -> memref<!tpu.dma_semaphore, #tpu.memory_space<semaphore_mem>>
    %dma_wait3A_1316 = arith.constant 0 : i32
    %dma_wait3A_1317 = tpu.memref_slice %arg4[%add3A_1229, %dma_wait3A_1316] : memref<204800x128xf32, #tpu.memory_space<hbm>> -> memref<256x128xf32, #tpu.memory_space<hbm>>
    %dma_wait3A_1318 = arith.constant 0 : i32
    %dma_wait3A_1319 = arith.constant 0 : i32
    %dma_wait3A_1320 = tpu.memref_slice %arg6[%dma_wait3A_1306, %dma_wait3A_1318, %dma_wait3A_1319] : memref<3x256x128xf32, #tpu.memory_space<vmem>> -> memref<1x256x128xf32, #tpu.memory_space<vmem>>
    %dma_wait3A_1321 = tpu.memref_squeeze %dma_wait3A_1320 : memref<1x256x128xf32, #tpu.memory_space<vmem>> -> memref<256x128xf32, #tpu.memory_space<vmem>>
    tpu.wait_dma2 semaphore(%dma_wait3A_1315 : memref<!tpu.dma_semaphore, #tpu.memory_space<semaphore_mem>>) src(%dma_wait3A_1321 : memref<256x128xf32, #tpu.memory_space<vmem>>) dst(%dma_wait3A_1317 : memref<256x128xf32, #tpu.memory_space<hbm>>)
    %dma_start3A_1322 = arith.constant 2 : i32
    %dma_start3A_1323 = arith.constant 2 : i32
    %dma_start3A_1324 = arith.constant 0 : i32
    %dma_start3A_1325 = arith.constant 0 : i32
    %dma_start3A_1326 = tpu.memref_slice %arg6[%dma_start3A_1322, %dma_start3A_1324, %dma_start3A_1325] : memref<3x256x128xf32, #tpu.memory_space<vmem>> -> memref<1x256x128xf32, #tpu.memory_space<vmem>>
    %dma_start3A_1327 = tpu.memref_squeeze %dma_start3A_1326 : memref<1x256x128xf32, #tpu.memory_space<vmem>> -> memref<256x128xf32, #tpu.memory_space<vmem>>
    %dma_start3A_1328 = arith.constant 5888 : i32
    %dma_start3A_1329 = tpu.memref_slice %arg5[%dma_start3A_1328] : memref<6400xi32, #tpu.memory_space<vmem>> -> memref<256xi32, #tpu.memory_space<vmem>>
    %dma_start3A_1330 = arith.constant 0 : i32
    %dma_start3A_1331 = arith.constant 0 : i32
    %dma_start3A_1332 = tpu.memref_slice %arg2[%dma_start3A_1330, %dma_start3A_1331] : memref<100000x128xf32, #tpu.memory_space<hbm>> -> memref<100000x128xf32, #tpu.memory_space<hbm>>
    %dma_start3A_1333 = tpu.memref_slice %arg8[%dma_start3A_1323] : memref<3x!tpu.dma_semaphore, #tpu.memory_space<semaphore_mem>> -> memref<1x!tpu.dma_semaphore, #tpu.memory_space<semaphore_mem>>
    %dma_start3A_1334 = tpu.memref_squeeze %dma_start3A_1333 : memref<1x!tpu.dma_semaphore, #tpu.memory_space<semaphore_mem>> -> memref<!tpu.dma_semaphore, #tpu.memory_space<semaphore_mem>>
    tpu.enqueue_indirect_dma source(%dma_start3A_1332 : memref<100000x128xf32, #tpu.memory_space<hbm>>) target(%dma_start3A_1327 : memref<256x128xf32, #tpu.memory_space<vmem>>) offsets(%dma_start3A_1329 : memref<256xi32, #tpu.memory_space<vmem>>) semaphore(%dma_start3A_1334 : memref<!tpu.dma_semaphore, #tpu.memory_space<semaphore_mem>>)
    %dma_wait3A_1335 = arith.constant 1 : i32
    %dma_wait3A_1336 = arith.constant 1 : i32
    %dma_wait3A_1337 = arith.constant 0 : i32
    %dma_wait3A_1338 = arith.constant 0 : i32
    %dma_wait3A_1339 = tpu.memref_slice %arg6[%dma_wait3A_1335, %dma_wait3A_1337, %dma_wait3A_1338] : memref<3x256x128xf32, #tpu.memory_space<vmem>> -> memref<1x256x128xf32, #tpu.memory_space<vmem>>
    %dma_wait3A_1340 = tpu.memref_squeeze %dma_wait3A_1339 : memref<1x256x128xf32, #tpu.memory_space<vmem>> -> memref<256x128xf32, #tpu.memory_space<vmem>>
    %dma_wait3A_1341 = arith.constant 5632 : i32
    %dma_wait3A_1342 = tpu.memref_slice %arg5[%dma_wait3A_1341] : memref<6400xi32, #tpu.memory_space<vmem>> -> memref<256xi32, #tpu.memory_space<vmem>>
    %dma_wait3A_1343 = arith.constant 0 : i32
    %dma_wait3A_1344 = arith.constant 0 : i32
    %dma_wait3A_1345 = tpu.memref_slice %arg2[%dma_wait3A_1343, %dma_wait3A_1344] : memref<100000x128xf32, #tpu.memory_space<hbm>> -> memref<100000x128xf32, #tpu.memory_space<hbm>>
    %dma_wait3A_1346 = tpu.memref_slice %arg8[%dma_wait3A_1336] : memref<3x!tpu.dma_semaphore, #tpu.memory_space<semaphore_mem>> -> memref<1x!tpu.dma_semaphore, #tpu.memory_space<semaphore_mem>>
    %dma_wait3A_1347 = tpu.memref_squeeze %dma_wait3A_1346 : memref<1x!tpu.dma_semaphore, #tpu.memory_space<semaphore_mem>> -> memref<!tpu.dma_semaphore, #tpu.memory_space<semaphore_mem>>
    tpu.wait_indirect_dma semaphore(%dma_wait3A_1347 : memref<!tpu.dma_semaphore, #tpu.memory_space<semaphore_mem>>) src(%dma_wait3A_1345 : memref<100000x128xf32, #tpu.memory_space<hbm>>) dst(%dma_wait3A_1340 : memref<256x128xf32, #tpu.memory_space<vmem>>)
    %add3A_1348 = arith.constant 5632 : i32
    %add3A_1349 = arith.addi %mul3A_2, %add3A_1348 : i32
    %dma_start3A_1350 = arith.constant 1 : i32
    %dma_start3A_1351 = arith.constant 1 : i32
    %dma_start3A_1352 = arith.constant 0 : i32
    %dma_start3A_1353 = arith.constant 0 : i32
    %dma_start3A_1354 = tpu.memref_slice %arg6[%dma_start3A_1350, %dma_start3A_1352, %dma_start3A_1353] : memref<3x256x128xf32, #tpu.memory_space<vmem>> -> memref<1x256x128xf32, #tpu.memory_space<vmem>>
    %dma_start3A_1355 = tpu.memref_squeeze %dma_start3A_1354 : memref<1x256x128xf32, #tpu.memory_space<vmem>> -> memref<256x128xf32, #tpu.memory_space<vmem>>
    %dma_start3A_1356 = arith.constant 0 : i32
    %dma_start3A_1357 = tpu.memref_slice %arg4[%add3A_1349, %dma_start3A_1356] : memref<204800x128xf32, #tpu.memory_space<hbm>> -> memref<256x128xf32, #tpu.memory_space<hbm>>
    %dma_start3A_1358 = tpu.memref_slice %arg9[%dma_start3A_1351] : memref<3x!tpu.dma_semaphore, #tpu.memory_space<semaphore_mem>> -> memref<1x!tpu.dma_semaphore, #tpu.memory_space<semaphore_mem>>
    %dma_start3A_1359 = tpu.memref_squeeze %dma_start3A_1358 : memref<1x!tpu.dma_semaphore, #tpu.memory_space<semaphore_mem>> -> memref<!tpu.dma_semaphore, #tpu.memory_space<semaphore_mem>>
    %dma_start3A_1360 = arith.constant 0 : i32
    %dma_start3A_1361 = tpu.memref_slice %arg4[%add3A_1349, %dma_start3A_1360] : memref<204800x128xf32, #tpu.memory_space<hbm>> -> memref<256x128xf32, #tpu.memory_space<hbm>>
    %dma_start3A_1362 = arith.constant 0 : i32
    %dma_start3A_1363 = arith.constant 0 : i32
    %dma_start3A_1364 = tpu.memref_slice %arg6[%dma_start3A_1350, %dma_start3A_1362, %dma_start3A_1363] : memref<3x256x128xf32, #tpu.memory_space<vmem>> -> memref<1x256x128xf32, #tpu.memory_space<vmem>>
    %dma_start3A_1365 = tpu.memref_squeeze %dma_start3A_1364 : memref<1x256x128xf32, #tpu.memory_space<vmem>> -> memref<256x128xf32, #tpu.memory_space<vmem>>
    tpu.enqueue_dma source(%dma_start3A_1365 : memref<256x128xf32, #tpu.memory_space<vmem>>) target(%dma_start3A_1361 : memref<256x128xf32, #tpu.memory_space<hbm>>) target_semaphore(%dma_start3A_1359 : memref<!tpu.dma_semaphore, #tpu.memory_space<semaphore_mem>>)
    %dma_wait3A_1366 = arith.constant 0 : i32
    %dma_wait3A_1367 = arith.constant 0 : i32
    %dma_wait3A_1368 = arith.constant 0 : i32
    %dma_wait3A_1369 = arith.constant 0 : i32
    %dma_wait3A_1370 = tpu.memref_slice %arg6[%dma_wait3A_1366, %dma_wait3A_1368, %dma_wait3A_1369] : memref<3x256x128xf32, #tpu.memory_space<vmem>> -> memref<1x256x128xf32, #tpu.memory_space<vmem>>
    %dma_wait3A_1371 = tpu.memref_squeeze %dma_wait3A_1370 : memref<1x256x128xf32, #tpu.memory_space<vmem>> -> memref<256x128xf32, #tpu.memory_space<vmem>>
    %dma_wait3A_1372 = arith.constant 0 : i32
    %dma_wait3A_1373 = tpu.memref_slice %arg4[%add3A_1289, %dma_wait3A_1372] : memref<204800x128xf32, #tpu.memory_space<hbm>> -> memref<256x128xf32, #tpu.memory_space<hbm>>
    %dma_wait3A_1374 = tpu.memref_slice %arg9[%dma_wait3A_1367] : memref<3x!tpu.dma_semaphore, #tpu.memory_space<semaphore_mem>> -> memref<1x!tpu.dma_semaphore, #tpu.memory_space<semaphore_mem>>
    %dma_wait3A_1375 = tpu.memref_squeeze %dma_wait3A_1374 : memref<1x!tpu.dma_semaphore, #tpu.memory_space<semaphore_mem>> -> memref<!tpu.dma_semaphore, #tpu.memory_space<semaphore_mem>>
    %dma_wait3A_1376 = arith.constant 0 : i32
    %dma_wait3A_1377 = tpu.memref_slice %arg4[%add3A_1289, %dma_wait3A_1376] : memref<204800x128xf32, #tpu.memory_space<hbm>> -> memref<256x128xf32, #tpu.memory_space<hbm>>
    %dma_wait3A_1378 = arith.constant 0 : i32
    %dma_wait3A_1379 = arith.constant 0 : i32
    %dma_wait3A_1380 = tpu.memref_slice %arg6[%dma_wait3A_1366, %dma_wait3A_1378, %dma_wait3A_1379] : memref<3x256x128xf32, #tpu.memory_space<vmem>> -> memref<1x256x128xf32, #tpu.memory_space<vmem>>
    %dma_wait3A_1381 = tpu.memref_squeeze %dma_wait3A_1380 : memref<1x256x128xf32, #tpu.memory_space<vmem>> -> memref<256x128xf32, #tpu.memory_space<vmem>>
    tpu.wait_dma2 semaphore(%dma_wait3A_1375 : memref<!tpu.dma_semaphore, #tpu.memory_space<semaphore_mem>>) src(%dma_wait3A_1381 : memref<256x128xf32, #tpu.memory_space<vmem>>) dst(%dma_wait3A_1377 : memref<256x128xf32, #tpu.memory_space<hbm>>)
    %dma_start3A_1382 = arith.constant 0 : i32
    %dma_start3A_1383 = arith.constant 0 : i32
    %dma_start3A_1384 = arith.constant 0 : i32
    %dma_start3A_1385 = arith.constant 0 : i32
    %dma_start3A_1386 = tpu.memref_slice %arg6[%dma_start3A_1382, %dma_start3A_1384, %dma_start3A_1385] : memref<3x256x128xf32, #tpu.memory_space<vmem>> -> memref<1x256x128xf32, #tpu.memory_space<vmem>>
    %dma_start3A_1387 = tpu.memref_squeeze %dma_start3A_1386 : memref<1x256x128xf32, #tpu.memory_space<vmem>> -> memref<256x128xf32, #tpu.memory_space<vmem>>
    %dma_start3A_1388 = arith.constant 6144 : i32
    %dma_start3A_1389 = tpu.memref_slice %arg5[%dma_start3A_1388] : memref<6400xi32, #tpu.memory_space<vmem>> -> memref<256xi32, #tpu.memory_space<vmem>>
    %dma_start3A_1390 = arith.constant 0 : i32
    %dma_start3A_1391 = arith.constant 0 : i32
    %dma_start3A_1392 = tpu.memref_slice %arg2[%dma_start3A_1390, %dma_start3A_1391] : memref<100000x128xf32, #tpu.memory_space<hbm>> -> memref<100000x128xf32, #tpu.memory_space<hbm>>
    %dma_start3A_1393 = tpu.memref_slice %arg8[%dma_start3A_1383] : memref<3x!tpu.dma_semaphore, #tpu.memory_space<semaphore_mem>> -> memref<1x!tpu.dma_semaphore, #tpu.memory_space<semaphore_mem>>
    %dma_start3A_1394 = tpu.memref_squeeze %dma_start3A_1393 : memref<1x!tpu.dma_semaphore, #tpu.memory_space<semaphore_mem>> -> memref<!tpu.dma_semaphore, #tpu.memory_space<semaphore_mem>>
    tpu.enqueue_indirect_dma source(%dma_start3A_1392 : memref<100000x128xf32, #tpu.memory_space<hbm>>) target(%dma_start3A_1387 : memref<256x128xf32, #tpu.memory_space<vmem>>) offsets(%dma_start3A_1389 : memref<256xi32, #tpu.memory_space<vmem>>) semaphore(%dma_start3A_1394 : memref<!tpu.dma_semaphore, #tpu.memory_space<semaphore_mem>>)
    %dma_wait3A_1395 = arith.constant 2 : i32
    %dma_wait3A_1396 = arith.constant 2 : i32
    %dma_wait3A_1397 = arith.constant 0 : i32
    %dma_wait3A_1398 = arith.constant 0 : i32
    %dma_wait3A_1399 = tpu.memref_slice %arg6[%dma_wait3A_1395, %dma_wait3A_1397, %dma_wait3A_1398] : memref<3x256x128xf32, #tpu.memory_space<vmem>> -> memref<1x256x128xf32, #tpu.memory_space<vmem>>
    %dma_wait3A_1400 = tpu.memref_squeeze %dma_wait3A_1399 : memref<1x256x128xf32, #tpu.memory_space<vmem>> -> memref<256x128xf32, #tpu.memory_space<vmem>>
    %dma_wait3A_1401 = arith.constant 5888 : i32
    %dma_wait3A_1402 = tpu.memref_slice %arg5[%dma_wait3A_1401] : memref<6400xi32, #tpu.memory_space<vmem>> -> memref<256xi32, #tpu.memory_space<vmem>>
    %dma_wait3A_1403 = arith.constant 0 : i32
    %dma_wait3A_1404 = arith.constant 0 : i32
    %dma_wait3A_1405 = tpu.memref_slice %arg2[%dma_wait3A_1403, %dma_wait3A_1404] : memref<100000x128xf32, #tpu.memory_space<hbm>> -> memref<100000x128xf32, #tpu.memory_space<hbm>>
    %dma_wait3A_1406 = tpu.memref_slice %arg8[%dma_wait3A_1396] : memref<3x!tpu.dma_semaphore, #tpu.memory_space<semaphore_mem>> -> memref<1x!tpu.dma_semaphore, #tpu.memory_space<semaphore_mem>>
    %dma_wait3A_1407 = tpu.memref_squeeze %dma_wait3A_1406 : memref<1x!tpu.dma_semaphore, #tpu.memory_space<semaphore_mem>> -> memref<!tpu.dma_semaphore, #tpu.memory_space<semaphore_mem>>
    tpu.wait_indirect_dma semaphore(%dma_wait3A_1407 : memref<!tpu.dma_semaphore, #tpu.memory_space<semaphore_mem>>) src(%dma_wait3A_1405 : memref<100000x128xf32, #tpu.memory_space<hbm>>) dst(%dma_wait3A_1400 : memref<256x128xf32, #tpu.memory_space<vmem>>)
    %add3A_1408 = arith.constant 5888 : i32
    %add3A_1409 = arith.addi %mul3A_2, %add3A_1408 : i32
    %dma_start3A_1410 = arith.constant 2 : i32
    %dma_start3A_1411 = arith.constant 2 : i32
    %dma_start3A_1412 = arith.constant 0 : i32
    %dma_start3A_1413 = arith.constant 0 : i32
    %dma_start3A_1414 = tpu.memref_slice %arg6[%dma_start3A_1410, %dma_start3A_1412, %dma_start3A_1413] : memref<3x256x128xf32, #tpu.memory_space<vmem>> -> memref<1x256x128xf32, #tpu.memory_space<vmem>>
    %dma_start3A_1415 = tpu.memref_squeeze %dma_start3A_1414 : memref<1x256x128xf32, #tpu.memory_space<vmem>> -> memref<256x128xf32, #tpu.memory_space<vmem>>
    %dma_start3A_1416 = arith.constant 0 : i32
    %dma_start3A_1417 = tpu.memref_slice %arg4[%add3A_1409, %dma_start3A_1416] : memref<204800x128xf32, #tpu.memory_space<hbm>> -> memref<256x128xf32, #tpu.memory_space<hbm>>
    %dma_start3A_1418 = tpu.memref_slice %arg9[%dma_start3A_1411] : memref<3x!tpu.dma_semaphore, #tpu.memory_space<semaphore_mem>> -> memref<1x!tpu.dma_semaphore, #tpu.memory_space<semaphore_mem>>
    %dma_start3A_1419 = tpu.memref_squeeze %dma_start3A_1418 : memref<1x!tpu.dma_semaphore, #tpu.memory_space<semaphore_mem>> -> memref<!tpu.dma_semaphore, #tpu.memory_space<semaphore_mem>>
    %dma_start3A_1420 = arith.constant 0 : i32
    %dma_start3A_1421 = tpu.memref_slice %arg4[%add3A_1409, %dma_start3A_1420] : memref<204800x128xf32, #tpu.memory_space<hbm>> -> memref<256x128xf32, #tpu.memory_space<hbm>>
    %dma_start3A_1422 = arith.constant 0 : i32
    %dma_start3A_1423 = arith.constant 0 : i32
    %dma_start3A_1424 = tpu.memref_slice %arg6[%dma_start3A_1410, %dma_start3A_1422, %dma_start3A_1423] : memref<3x256x128xf32, #tpu.memory_space<vmem>> -> memref<1x256x128xf32, #tpu.memory_space<vmem>>
    %dma_start3A_1425 = tpu.memref_squeeze %dma_start3A_1424 : memref<1x256x128xf32, #tpu.memory_space<vmem>> -> memref<256x128xf32, #tpu.memory_space<vmem>>
    tpu.enqueue_dma source(%dma_start3A_1425 : memref<256x128xf32, #tpu.memory_space<vmem>>) target(%dma_start3A_1421 : memref<256x128xf32, #tpu.memory_space<hbm>>) target_semaphore(%dma_start3A_1419 : memref<!tpu.dma_semaphore, #tpu.memory_space<semaphore_mem>>)
    %dma_wait3A_1426 = arith.constant 0 : i32
    %dma_wait3A_1427 = arith.constant 0 : i32
    %dma_wait3A_1428 = arith.constant 0 : i32
    %dma_wait3A_1429 = arith.constant 0 : i32
    %dma_wait3A_1430 = tpu.memref_slice %arg6[%dma_wait3A_1426, %dma_wait3A_1428, %dma_wait3A_1429] : memref<3x256x128xf32, #tpu.memory_space<vmem>> -> memref<1x256x128xf32, #tpu.memory_space<vmem>>
    %dma_wait3A_1431 = tpu.memref_squeeze %dma_wait3A_1430 : memref<1x256x128xf32, #tpu.memory_space<vmem>> -> memref<256x128xf32, #tpu.memory_space<vmem>>
    %dma_wait3A_1432 = arith.constant 6144 : i32
    %dma_wait3A_1433 = tpu.memref_slice %arg5[%dma_wait3A_1432] : memref<6400xi32, #tpu.memory_space<vmem>> -> memref<256xi32, #tpu.memory_space<vmem>>
    %dma_wait3A_1434 = arith.constant 0 : i32
    %dma_wait3A_1435 = arith.constant 0 : i32
    %dma_wait3A_1436 = tpu.memref_slice %arg2[%dma_wait3A_1434, %dma_wait3A_1435] : memref<100000x128xf32, #tpu.memory_space<hbm>> -> memref<100000x128xf32, #tpu.memory_space<hbm>>
    %dma_wait3A_1437 = tpu.memref_slice %arg8[%dma_wait3A_1427] : memref<3x!tpu.dma_semaphore, #tpu.memory_space<semaphore_mem>> -> memref<1x!tpu.dma_semaphore, #tpu.memory_space<semaphore_mem>>
    %dma_wait3A_1438 = tpu.memref_squeeze %dma_wait3A_1437 : memref<1x!tpu.dma_semaphore, #tpu.memory_space<semaphore_mem>> -> memref<!tpu.dma_semaphore, #tpu.memory_space<semaphore_mem>>
    tpu.wait_indirect_dma semaphore(%dma_wait3A_1438 : memref<!tpu.dma_semaphore, #tpu.memory_space<semaphore_mem>>) src(%dma_wait3A_1436 : memref<100000x128xf32, #tpu.memory_space<hbm>>) dst(%dma_wait3A_1431 : memref<256x128xf32, #tpu.memory_space<vmem>>)
    %add3A_1439 = arith.constant 6144 : i32
    %add3A_1440 = arith.addi %mul3A_2, %add3A_1439 : i32
    %dma_start3A_1441 = arith.constant 0 : i32
    %dma_start3A_1442 = arith.constant 0 : i32
    %dma_start3A_1443 = arith.constant 0 : i32
    %dma_start3A_1444 = arith.constant 0 : i32
    %dma_start3A_1445 = tpu.memref_slice %arg6[%dma_start3A_1441, %dma_start3A_1443, %dma_start3A_1444] : memref<3x256x128xf32, #tpu.memory_space<vmem>> -> memref<1x256x128xf32, #tpu.memory_space<vmem>>
    %dma_start3A_1446 = tpu.memref_squeeze %dma_start3A_1445 : memref<1x256x128xf32, #tpu.memory_space<vmem>> -> memref<256x128xf32, #tpu.memory_space<vmem>>
    %dma_start3A_1447 = arith.constant 0 : i32
    %dma_start3A_1448 = tpu.memref_slice %arg4[%add3A_1440, %dma_start3A_1447] : memref<204800x128xf32, #tpu.memory_space<hbm>> -> memref<256x128xf32, #tpu.memory_space<hbm>>
    %dma_start3A_1449 = tpu.memref_slice %arg9[%dma_start3A_1442] : memref<3x!tpu.dma_semaphore, #tpu.memory_space<semaphore_mem>> -> memref<1x!tpu.dma_semaphore, #tpu.memory_space<semaphore_mem>>
    %dma_start3A_1450 = tpu.memref_squeeze %dma_start3A_1449 : memref<1x!tpu.dma_semaphore, #tpu.memory_space<semaphore_mem>> -> memref<!tpu.dma_semaphore, #tpu.memory_space<semaphore_mem>>
    %dma_start3A_1451 = arith.constant 0 : i32
    %dma_start3A_1452 = tpu.memref_slice %arg4[%add3A_1440, %dma_start3A_1451] : memref<204800x128xf32, #tpu.memory_space<hbm>> -> memref<256x128xf32, #tpu.memory_space<hbm>>
    %dma_start3A_1453 = arith.constant 0 : i32
    %dma_start3A_1454 = arith.constant 0 : i32
    %dma_start3A_1455 = tpu.memref_slice %arg6[%dma_start3A_1441, %dma_start3A_1453, %dma_start3A_1454] : memref<3x256x128xf32, #tpu.memory_space<vmem>> -> memref<1x256x128xf32, #tpu.memory_space<vmem>>
    %dma_start3A_1456 = tpu.memref_squeeze %dma_start3A_1455 : memref<1x256x128xf32, #tpu.memory_space<vmem>> -> memref<256x128xf32, #tpu.memory_space<vmem>>
    tpu.enqueue_dma source(%dma_start3A_1456 : memref<256x128xf32, #tpu.memory_space<vmem>>) target(%dma_start3A_1452 : memref<256x128xf32, #tpu.memory_space<hbm>>) target_semaphore(%dma_start3A_1450 : memref<!tpu.dma_semaphore, #tpu.memory_space<semaphore_mem>>)
    %dma_wait3A_1457 = arith.constant 1 : i32
    %dma_wait3A_1458 = arith.constant 1 : i32
    %dma_wait3A_1459 = arith.constant 0 : i32
    %dma_wait3A_1460 = arith.constant 0 : i32
    %dma_wait3A_1461 = tpu.memref_slice %arg6[%dma_wait3A_1457, %dma_wait3A_1459, %dma_wait3A_1460] : memref<3x256x128xf32, #tpu.memory_space<vmem>> -> memref<1x256x128xf32, #tpu.memory_space<vmem>>
    %dma_wait3A_1462 = tpu.memref_squeeze %dma_wait3A_1461 : memref<1x256x128xf32, #tpu.memory_space<vmem>> -> memref<256x128xf32, #tpu.memory_space<vmem>>
    %dma_wait3A_1463 = arith.constant 0 : i32
    %dma_wait3A_1464 = tpu.memref_slice %arg4[%add3A_1349, %dma_wait3A_1463] : memref<204800x128xf32, #tpu.memory_space<hbm>> -> memref<256x128xf32, #tpu.memory_space<hbm>>
    %dma_wait3A_1465 = tpu.memref_slice %arg9[%dma_wait3A_1458] : memref<3x!tpu.dma_semaphore, #tpu.memory_space<semaphore_mem>> -> memref<1x!tpu.dma_semaphore, #tpu.memory_space<semaphore_mem>>
    %dma_wait3A_1466 = tpu.memref_squeeze %dma_wait3A_1465 : memref<1x!tpu.dma_semaphore, #tpu.memory_space<semaphore_mem>> -> memref<!tpu.dma_semaphore, #tpu.memory_space<semaphore_mem>>
    %dma_wait3A_1467 = arith.constant 0 : i32
    %dma_wait3A_1468 = tpu.memref_slice %arg4[%add3A_1349, %dma_wait3A_1467] : memref<204800x128xf32, #tpu.memory_space<hbm>> -> memref<256x128xf32, #tpu.memory_space<hbm>>
    %dma_wait3A_1469 = arith.constant 0 : i32
    %dma_wait3A_1470 = arith.constant 0 : i32
    %dma_wait3A_1471 = tpu.memref_slice %arg6[%dma_wait3A_1457, %dma_wait3A_1469, %dma_wait3A_1470] : memref<3x256x128xf32, #tpu.memory_space<vmem>> -> memref<1x256x128xf32, #tpu.memory_space<vmem>>
    %dma_wait3A_1472 = tpu.memref_squeeze %dma_wait3A_1471 : memref<1x256x128xf32, #tpu.memory_space<vmem>> -> memref<256x128xf32, #tpu.memory_space<vmem>>
    tpu.wait_dma2 semaphore(%dma_wait3A_1466 : memref<!tpu.dma_semaphore, #tpu.memory_space<semaphore_mem>>) src(%dma_wait3A_1472 : memref<256x128xf32, #tpu.memory_space<vmem>>) dst(%dma_wait3A_1468 : memref<256x128xf32, #tpu.memory_space<hbm>>)
    %dma_wait3A_1473 = arith.constant 2 : i32
    %dma_wait3A_1474 = arith.constant 2 : i32
    %dma_wait3A_1475 = arith.constant 0 : i32
    %dma_wait3A_1476 = arith.constant 0 : i32
    %dma_wait3A_1477 = tpu.memref_slice %arg6[%dma_wait3A_1473, %dma_wait3A_1475, %dma_wait3A_1476] : memref<3x256x128xf32, #tpu.memory_space<vmem>> -> memref<1x256x128xf32, #tpu.memory_space<vmem>>
    %dma_wait3A_1478 = tpu.memref_squeeze %dma_wait3A_1477 : memref<1x256x128xf32, #tpu.memory_space<vmem>> -> memref<256x128xf32, #tpu.memory_space<vmem>>
    %dma_wait3A_1479 = arith.constant 0 : i32
    %dma_wait3A_1480 = tpu.memref_slice %arg4[%add3A_1409, %dma_wait3A_1479] : memref<204800x128xf32, #tpu.memory_space<hbm>> -> memref<256x128xf32, #tpu.memory_space<hbm>>
    %dma_wait3A_1481 = tpu.memref_slice %arg9[%dma_wait3A_1474] : memref<3x!tpu.dma_semaphore, #tpu.memory_space<semaphore_mem>> -> memref<1x!tpu.dma_semaphore, #tpu.memory_space<semaphore_mem>>
    %dma_wait3A_1482 = tpu.memref_squeeze %dma_wait3A_1481 : memref<1x!tpu.dma_semaphore, #tpu.memory_space<semaphore_mem>> -> memref<!tpu.dma_semaphore, #tpu.memory_space<semaphore_mem>>
    %dma_wait3A_1483 = arith.constant 0 : i32
    %dma_wait3A_1484 = tpu.memref_slice %arg4[%add3A_1409, %dma_wait3A_1483] : memref<204800x128xf32, #tpu.memory_space<hbm>> -> memref<256x128xf32, #tpu.memory_space<hbm>>
    %dma_wait3A_1485 = arith.constant 0 : i32
    %dma_wait3A_1486 = arith.constant 0 : i32
    %dma_wait3A_1487 = tpu.memref_slice %arg6[%dma_wait3A_1473, %dma_wait3A_1485, %dma_wait3A_1486] : memref<3x256x128xf32, #tpu.memory_space<vmem>> -> memref<1x256x128xf32, #tpu.memory_space<vmem>>
    %dma_wait3A_1488 = tpu.memref_squeeze %dma_wait3A_1487 : memref<1x256x128xf32, #tpu.memory_space<vmem>> -> memref<256x128xf32, #tpu.memory_space<vmem>>
    tpu.wait_dma2 semaphore(%dma_wait3A_1482 : memref<!tpu.dma_semaphore, #tpu.memory_space<semaphore_mem>>) src(%dma_wait3A_1488 : memref<256x128xf32, #tpu.memory_space<vmem>>) dst(%dma_wait3A_1484 : memref<256x128xf32, #tpu.memory_space<hbm>>)
    %dma_wait3A_1489 = arith.constant 0 : i32
    %dma_wait3A_1490 = arith.constant 0 : i32
    %dma_wait3A_1491 = arith.constant 0 : i32
    %dma_wait3A_1492 = arith.constant 0 : i32
    %dma_wait3A_1493 = tpu.memref_slice %arg6[%dma_wait3A_1489, %dma_wait3A_1491, %dma_wait3A_1492] : memref<3x256x128xf32, #tpu.memory_space<vmem>> -> memref<1x256x128xf32, #tpu.memory_space<vmem>>
    %dma_wait3A_1494 = tpu.memref_squeeze %dma_wait3A_1493 : memref<1x256x128xf32, #tpu.memory_space<vmem>> -> memref<256x128xf32, #tpu.memory_space<vmem>>
    %dma_wait3A_1495 = arith.constant 0 : i32
    %dma_wait3A_1496 = tpu.memref_slice %arg4[%add3A_1440, %dma_wait3A_1495] : memref<204800x128xf32, #tpu.memory_space<hbm>> -> memref<256x128xf32, #tpu.memory_space<hbm>>
    %dma_wait3A_1497 = tpu.memref_slice %arg9[%dma_wait3A_1490] : memref<3x!tpu.dma_semaphore, #tpu.memory_space<semaphore_mem>> -> memref<1x!tpu.dma_semaphore, #tpu.memory_space<semaphore_mem>>
    %dma_wait3A_1498 = tpu.memref_squeeze %dma_wait3A_1497 : memref<1x!tpu.dma_semaphore, #tpu.memory_space<semaphore_mem>> -> memref<!tpu.dma_semaphore, #tpu.memory_space<semaphore_mem>>
    %dma_wait3A_1499 = arith.constant 0 : i32
    %dma_wait3A_1500 = tpu.memref_slice %arg4[%add3A_1440, %dma_wait3A_1499] : memref<204800x128xf32, #tpu.memory_space<hbm>> -> memref<256x128xf32, #tpu.memory_space<hbm>>
    %dma_wait3A_1501 = arith.constant 0 : i32
    %dma_wait3A_1502 = arith.constant 0 : i32
    %dma_wait3A_1503 = tpu.memref_slice %arg6[%dma_wait3A_1489, %dma_wait3A_1501, %dma_wait3A_1502] : memref<3x256x128xf32, #tpu.memory_space<vmem>> -> memref<1x256x128xf32, #tpu.memory_space<vmem>>
    %dma_wait3A_1504 = tpu.memref_squeeze %dma_wait3A_1503 : memref<1x256x128xf32, #tpu.memory_space<vmem>> -> memref<256x128xf32, #tpu.memory_space<vmem>>
    tpu.wait_dma2 semaphore(%dma_wait3A_1498 : memref<!tpu.dma_semaphore, #tpu.memory_space<semaphore_mem>>) src(%dma_wait3A_1504 : memref<256x128xf32, #tpu.memory_space<vmem>>) dst(%dma_wait3A_1500 : memref<256x128xf32, #tpu.memory_space<hbm>>)
    return
  }
}

module attributes {stable_mosaic.version = 14 : i64} {
  func.func @_tc_ln_body(%arg0: i32, %arg1: memref<8x200x128xf32, #tpu.memory_space<vmem>>, %arg2: memref<8x200xi32, #tpu.memory_space<vmem>>, %arg3: memref<200x128xf32, #tpu.memory_space<vmem>>, %arg4: memref<2x128xf32, #tpu.memory_space<vmem>>, %arg5: memref<128xf32, #tpu.memory_space<vmem>>, %arg6: memref<128xf32, #tpu.memory_space<vmem>>, %arg7: memref<8x200x128xf32, #tpu.memory_space<vmem>>) attributes {dimension_semantics = [#tpu.dimension_semantics<arbitrary>], iteration_bounds = array<i64: 128>, scalar_prefetch = 0 : i64, scratch_operands = 0 : i64, tpu.core_type = #tpu.core_type<tc>, window_params = [{transform_indices = @transform_0, window_bounds = array<i64: 8, 200, 128>}, {transform_indices = @transform_1, window_bounds = array<i64: 8, 200>}, {transform_indices = @transform_2, window_bounds = array<i64: 200, 128>}, {pipeline_mode = #tpu.pipeline_mode<synchronous>, transform_indices = @transform_3, window_bounds = array<i64: 2, 128>}, {pipeline_mode = #tpu.pipeline_mode<synchronous>, transform_indices = @transform_4, window_bounds = array<i64: 128>}, {pipeline_mode = #tpu.pipeline_mode<synchronous>, transform_indices = @transform_5, window_bounds = array<i64: 128>}, {transform_indices = @transform_6, window_bounds = array<i64: 8, 200, 128>}]} {
    %get3A = arith.constant 0 : index
    %get3A_0 = arith.constant 0 : index
    %get3A_1 = arith.constant 0 : index
    %get3A_2 = vector.load %arg1[%get3A, %get3A_0, %get3A_1] : memref<8x200x128xf32, #tpu.memory_space<vmem>>, vector<8x200x128xf32>
    %get3A_3 = arith.constant 0 : index
    %get3A_4 = arith.constant 0 : index
    %get3A_5 = vector.load %arg3[%get3A_3, %get3A_4] : memref<200x128xf32, #tpu.memory_space<vmem>>, vector<200x128xf32>
    %get3A_6 = arith.constant 0 : index
    %get3A_7 = arith.constant 0 : index
    %get3A_8 = vector.load %arg2[%get3A_6, %get3A_7] : memref<8x200xi32, #tpu.memory_space<vmem>>, vector<8x200xi32>
    %convert_element_type3A = arith.sitofp %get3A_8 : vector<8x200xi32> to vector<8x200xf32>
    %broadcast_in_dim3A = vector.shape_cast %convert_element_type3A : vector<8x200xf32> to vector<8x200x1xf32>
    %get3A_9 = arith.constant 0 : index
    %get3A_10 = arith.constant 0 : index
    %get3A_11 = vector.load %arg4[%get3A_9, %get3A_10] : memref<2x128xf32, #tpu.memory_space<vmem>>, vector<1x128xf32>
    %get3A_12 = vector.shape_cast %get3A_11 : vector<1x128xf32> to vector<128xf32>
    %broadcast_in_dim3A_13 = vector.shape_cast %get3A_12 : vector<128xf32> to vector<1x1x128xf32>
    %get3A_14 = arith.constant 1 : index
    %get3A_15 = arith.constant 0 : index
    %get3A_16 = vector.load %arg4[%get3A_14, %get3A_15] : memref<2x128xf32, #tpu.memory_space<vmem>>, vector<1x128xf32>
    %get3A_17 = vector.shape_cast %get3A_16 : vector<1x128xf32> to vector<128xf32>
    %broadcast_in_dim3A_18 = vector.shape_cast %get3A_17 : vector<128xf32> to vector<1x1x128xf32>
    %broadcast_in_dim3A_19 = vector.shape_cast %get3A_5 : vector<200x128xf32> to vector<1x200x128xf32>
    %add3A = vector.broadcast %broadcast_in_dim3A_19 : vector<1x200x128xf32> to vector<8x200x128xf32>
    %add3A_20 = arith.addf %get3A_2, %add3A : vector<8x200x128xf32>
    %add3A_21 = vector.broadcast %broadcast_in_dim3A_13 : vector<1x1x128xf32> to vector<8x200x128xf32>
    %add3A_22 = arith.addf %add3A_20, %add3A_21 : vector<8x200x128xf32>
    %sub3A = arith.subf %broadcast_in_dim3A_18, %broadcast_in_dim3A_13 : vector<1x1x128xf32>
    %mul3A = vector.broadcast %broadcast_in_dim3A : vector<8x200x1xf32> to vector<8x200x128xf32>
    %mul3A_23 = vector.broadcast %sub3A : vector<1x1x128xf32> to vector<8x200x128xf32>
    %mul3A_24 = arith.mulf %mul3A, %mul3A_23 : vector<8x200x128xf32>
    %add3A_25 = arith.addf %add3A_22, %mul3A_24 : vector<8x200x128xf32>
    %reduce_sum3A = arith.constant dense<0.000000e+00> : vector<8x200xf32>
    %reduce_sum3A_26 = vector.multi_reduction <add>, %add3A_25, %reduce_sum3A [2] : vector<8x200x128xf32> to vector<8x200xf32>
    %broadcast_in_dim3A_27 = vector.shape_cast %reduce_sum3A_26 : vector<8x200xf32> to vector<8x200x1xf32>
    %div3A = arith.constant 1.280000e+02 : f32
    %div3A_28 = vector.broadcast %div3A : f32 to vector<8x200x1xf32>
    %div3A_29 = arith.divf %broadcast_in_dim3A_27, %div3A_28 : vector<8x200x1xf32>
    %sub3A_30 = vector.broadcast %div3A_29 : vector<8x200x1xf32> to vector<8x200x128xf32>
    %sub3A_31 = arith.subf %add3A_25, %sub3A_30 : vector<8x200x128xf32>
    %mul3A_32 = arith.mulf %sub3A_31, %sub3A_31 : vector<8x200x128xf32>
    %reduce_sum3A_33 = arith.constant dense<0.000000e+00> : vector<8x200xf32>
    %reduce_sum3A_34 = vector.multi_reduction <add>, %mul3A_32, %reduce_sum3A_33 [2] : vector<8x200x128xf32> to vector<8x200xf32>
    %broadcast_in_dim3A_35 = vector.shape_cast %reduce_sum3A_34 : vector<8x200xf32> to vector<8x200x1xf32>
    %div3A_36 = arith.constant 1.280000e+02 : f32
    %div3A_37 = vector.broadcast %div3A_36 : f32 to vector<8x200x1xf32>
    %div3A_38 = arith.divf %broadcast_in_dim3A_35, %div3A_37 : vector<8x200x1xf32>
    %add3A_39 = arith.constant 9.99999974E-6 : f32
    %add3A_40 = vector.broadcast %add3A_39 : f32 to vector<8x200x1xf32>
    %add3A_41 = arith.addf %div3A_38, %add3A_40 : vector<8x200x1xf32>
    %rsqrt3A = math.rsqrt %add3A_41 : vector<8x200x1xf32>
    %mul3A_42 = vector.broadcast %rsqrt3A : vector<8x200x1xf32> to vector<8x200x128xf32>
    %mul3A_43 = arith.mulf %sub3A_31, %mul3A_42 : vector<8x200x128xf32>
    %get3A_44 = arith.constant 0 : index
    %get3A_45 = vector.load %arg5[%get3A_44] : memref<128xf32, #tpu.memory_space<vmem>>, vector<128xf32>
    %broadcast_in_dim3A_46 = vector.shape_cast %get3A_45 : vector<128xf32> to vector<1x1x128xf32>
    %mul3A_47 = vector.broadcast %broadcast_in_dim3A_46 : vector<1x1x128xf32> to vector<8x200x128xf32>
    %mul3A_48 = arith.mulf %mul3A_43, %mul3A_47 : vector<8x200x128xf32>
    %get3A_49 = arith.constant 0 : index
    %get3A_50 = vector.load %arg6[%get3A_49] : memref<128xf32, #tpu.memory_space<vmem>>, vector<128xf32>
    %broadcast_in_dim3A_51 = vector.shape_cast %get3A_50 : vector<128xf32> to vector<1x1x128xf32>
    %add3A_52 = vector.broadcast %broadcast_in_dim3A_51 : vector<1x1x128xf32> to vector<8x200x128xf32>
    %add3A_53 = arith.addf %mul3A_48, %add3A_52 : vector<8x200x128xf32>
    %swap3A = arith.constant 0 : index
    %swap3A_54 = arith.constant 0 : index
    %swap3A_55 = arith.constant 0 : index
    %swap3A_56 = vector.load %arg7[%swap3A, %swap3A_54, %swap3A_55] : memref<8x200x128xf32, #tpu.memory_space<vmem>>, vector<8x200x128xf32>
    tpu.vector_store %arg7[%swap3A, %swap3A_54, %swap3A_55], %add3A_53 {strides = array<i32>} : memref<8x200x128xf32, #tpu.memory_space<vmem>>, vector<8x200x128xf32>,
    return
  }
  func.func @transform_0(%arg0: i32) -> (i32, i32, i32) {
    %c0_i32 = arith.constant 0 : i32
    %c0_i32_0 = arith.constant 0 : i32
    %c0_i32_1 = arith.constant 0 : i32
    return %arg0, %c0_i32, %c0_i32_0 : i32, i32, i32
  }
  func.func @transform_1(%arg0: i32) -> (i32, i32) {
    %c0_i32 = arith.constant 0 : i32
    %c0_i32_0 = arith.constant 0 : i32
    return %arg0, %c0_i32 : i32, i32
  }
  func.func @transform_2(%arg0: i32) -> (i32, i32) {
    %c0_i32 = arith.constant 0 : i32
    %c0_i32_0 = arith.constant 0 : i32
    %c0_i32_1 = arith.constant 0 : i32
    return %c0_i32, %c0_i32_0 : i32, i32
  }
  func.func @transform_3(%arg0: i32) -> (i32, i32) {
    %c0_i32 = arith.constant 0 : i32
    %c0_i32_0 = arith.constant 0 : i32
    %c0_i32_1 = arith.constant 0 : i32
    return %c0_i32, %c0_i32_0 : i32, i32
  }
  func.func @transform_4(%arg0: i32) -> i32 {
    %c0_i32 = arith.constant 0 : i32
    %c0_i32_0 = arith.constant 0 : i32
    return %c0_i32 : i32
  }
  func.func @transform_5(%arg0: i32) -> i32 {
    %c0_i32 = arith.constant 0 : i32
    %c0_i32_0 = arith.constant 0 : i32
    return %c0_i32 : i32
  }
  func.func @transform_6(%arg0: i32) -> (i32, i32, i32) {
    %c0_i32 = arith.constant 0 : i32
    %c0_i32_0 = arith.constant 0 : i32
    %c0_i32_1 = arith.constant 0 : i32
    return %arg0, %c0_i32, %c0_i32_0 : i32, i32, i32
  }
}

</mosaic_0001>

<sc_bundles>
// kernel: kernel.4.cloned.1.call-start
scs
__scs_entry_jumppad:
0x0: {  	(pc) =	sbr.rel $0x88, $3  }
0x1: {  	(tag) =	ssettag $0x0;
	lr =	simm.s32 $0x1  }
0x2: {  	[smem:$0x3F9A] =	sst lr;
	_ =	strace $0xD0000000  }
0x3: {  	_ = 	snop  }
0x4: {  	_ = 	snop  }
0x5: {  	_ = 	snop  }
0x6: {  	_ = 	snop  }
0x7: {  	_ = 	snop  }
__scs_overlays_trampoline_lowered:
0x8: {  	[smem:$0x3FA9] =	sst s0  }
0x9: {  	[smem:$0x3FAA] =	sst s1  }
0xa: {  	[smem:$0x3FAB] =	sst s2  }
0xb: {  	[smem:$0x3FAC] =	sst s3  }
0xc: {  	[smem:$0x3FAD] =	sst s4  }
0xd: {  	[smem:$0x3FAE] =	sst s5  }
0xe: {  	[smem:$0x3FAF] =	sst s6  }
0xf: {  	[smem:$0x3FB0] =	sst s7  }
0x10: {  	[smem:$0x3FB1] =	sst s8  }
0x11: {  	[smem:$0x3FB2] =	sst s9;
	s0 =	simm.s32 @!p0 $0x0  }
0x12: {  	s1 =	sld [smem:$0x3F98];
	s0 =	simm.s32 @p0 $0x1  }
0x13: {  	[smem:$0x3FB3] =	sst s0;
	s0 =	simm.s32 @!p1 $0x0  }
0x14: {  	s2 =	sld [smem:$0x3F97];
	s0 =	simm.s32 @p1 $0x1  }
0x15: {  	[smem:$0x3FB4] =	sst s0;
	s0 =	simm.s32 @!p2 $0x0  }
0x16: {  	s3 =	sld [smem:$0x3FDB];
	s0 =	simm.s32 @p2 $0x1  }
0x17: {  	s4 =	simm.s32 $0x1BF5;
	[smem:$0x3FB6] =	sst s0  }
0x18: {  	s0 =	sld [smem:$0x3F99];
	_ =	swait.ge [sflag:s4], $0x0  }
0x19: {  	s7 =	sld [smem:$0x3F9A]  }
0x1a: {  	s8 =	sadd.s32 $0xFFFFE003, lr  }
0x1b: {  	s9 =	sadd.s32 $0xFFFFFEF7, lr;
	s5 =	simm.s32 $0xFFFFFFFF;
	p2 =	slt.u32 s8, $0xFFFFF086  }
0x1c: {  	p1 =	slt.u32 s9, $0xF7A;
	s5 =	simm.s32 @!p2 $0x0  }
0x1d: {  	s5 =	simm.s32 @p1 $0x1;
	p0 =	seq.s32 s7, s2  }
0x1e: {  	s7 =	smul.u32 @!p0 $0xF7A, s2;
	p2 =	seq.s32 @!p0 s5, $0x0  }
0x1f: {  	s9 =	smul.u32 $0xF7A, s1;
	s8 =	simm.s32 @!p0 $0x1BF5;
	p2 =	por !p2, p0  }
0x20: {  	[sflag:s8] =	ssyncset.s32 @!p0 $0xFFFFF086;
	s6 =	sadd.s32 @!p0 s3, s7;
	s7 =	simm.s32 @!p0 $0x108  }
0x21: {  	s3 =	sadd.s32 s3, s9;
	s6 =	sadd.s32 @!p0 $0x88, s6;
	s7 =	simm.s32 @p2 $0x1082  }
0x22: {  	[simem:s7], [sflag:s8] =	dma.local @!p0 [hbm:s6], $0xF7A  }
0x23: {  	s9 =	sor.u32 $0xD0000000, s2;
	s6 =	simm.s32 $0x108;
	_ =	swait.ge @!p0 [sflag:s8], $0x0  }
0x24: {  	s3 =	sadd.s32 $0x88, s3;
	s6 =	simm.s32 @!p1 $0x1082;
	[sflag:s4] =	ssyncset.s32 $0xFFFFF086  }
0x25: {  	[simem:s6], [sflag:s4] =	dma.local [hbm:s3], $0xF7A  }
0x26: {  	[smem:$0x3F9A] =	sst s1;
	(tag) =	ssettag s2;
	_ =	strace s9  }
0x27: {  	s1 =	sld [smem:$0x3FAA]  }
0x28: {  	s2 =	sld [smem:$0x3FAB]  }
0x29: {  	s4 =	sld [smem:$0x3FAD]  }
0x2a: {  	p0 =	seq.s32 s5, $0x0;
	s5 =	sld [smem:$0x3FAE]  }
0x2b: {  	s6 =	sld [smem:$0x3FAF]  }
0x2c: {  	s7 =	sld [smem:$0x3FB0]  }
0x2d: {  	s3 =	simm.s32 $0x108;
	s8 =	sld [smem:$0x3FB1]  }
0x2e: {  	s3 =	simm.s32 @!p0 $0x1082;
	s9 =	sld [smem:$0x3FB2]  }
0x2f: {  	lr =	sadd.s32 s0, s3;
	s0 =	sld [smem:$0x3FA9]  }
0x30: {  	s3 =	sld [smem:$0x3FAC]  }
0x31: {  	[smem:$0x3FB5] =	sst s10  }
0x32: {  	s10 =	sld [smem:$0x3FB3];
	_ =	sdelay $0x3  }
0x33: {  	p0 =	seq.s32 s10, $0x1;
	s10 =	sld [smem:$0x3FB5];
	_ =	sdelay $0x3  }
0x34: {  	[smem:$0x3FB5] =	sst s10  }
0x35: {  	s10 =	sld [smem:$0x3FB4];
	_ =	sdelay $0x3  }
0x36: {  	p1 =	seq.s32 s10, $0x1;
	s10 =	sld [smem:$0x3FB5];
	_ =	sdelay $0x3  }
0x37: {  	[smem:$0x3FB5] =	sst s10  }
0x38: {  	s10 =	sld [smem:$0x3FB6]  }
0x39: {  	_ = 	snop;
	(pc) =	sbr.ind lr, $3  }
0x3a: {  	_ = 	snop  }
0x3b: {  	_ = 	snop  }
0x3c: {  	p2 =	seq.s32 s10, $0x1;
	s10 =	sld [smem:$0x3FB5]  }
0x3d: {  	_ =	shalt  }
0x3e: {  	_ =	shalt  }
0x3f: {  	_ =	shalt  }
0x40: {  	_ =	shalt  }
0x41: {  	_ =	shalt  }
0x42: {  	_ =	shalt  }
0x43: {  	_ =	shalt  }
0x44: {  	_ =	shalt  }
0x45: {  	_ =	shalt  }
0x46: {  	_ =	shalt  }
0x47: {  	_ =	shalt  }
0x48: {  	_ =	shalt  }
0x49: {  	_ =	shalt  }
0x4a: {  	_ =	shalt  }
0x4b: {  	_ =	shalt  }
0x4c: {  	_ =	shalt  }
0x4d: {  	_ =	shalt  }
0x4e: {  	_ =	shalt  }
0x4f: {  	_ =	shalt  }
0x50: {  	_ =	shalt  }
0x51: {  	_ =	shalt  }
0x52: {  	_ =	shalt  }
0x53: {  	_ =	shalt  }
0x54: {  	_ =	shalt  }
0x55: {  	_ =	shalt  }
0x56: {  	_ =	shalt  }
0x57: {  	_ =	shalt  }
0x58: {  	_ =	shalt  }
0x59: {  	_ =	shalt  }
0x5a: {  	_ =	shalt  }
0x5b: {  	_ =	shalt  }
0x5c: {  	_ =	shalt  }
0x5d: {  	_ =	shalt  }
0x5e: {  	_ =	shalt  }
0x5f: {  	_ =	shalt  }
0x60: {  	_ =	shalt  }
0x61: {  	_ =	shalt  }
0x62: {  	_ =	shalt  }
0x63: {  	_ =	shalt  }
0x64: {  	_ =	shalt  }
0x65: {  	_ =	shalt  }
0x66: {  	_ =	shalt  }
0x67: {  	_ =	shalt  }
0x68: {  	_ =	shalt  }
0x69: {  	_ =	shalt  }
0x6a: {  	_ =	shalt  }
0x6b: {  	_ =	shalt  }
0x6c: {  	_ =	shalt  }
0x6d: {  	_ =	shalt  }
0x6e: {  	_ =	shalt  }
0x6f: {  	_ =	shalt  }
0x70: {  	_ =	shalt  }
0x71: {  	_ =	shalt  }
0x72: {  	_ =	shalt  }
0x73: {  	_ =	shalt  }
0x74: {  	_ =	shalt  }
0x75: {  	_ =	shalt  }
0x76: {  	_ =	shalt  }
0x77: {  	_ =	shalt  }
0x78: {  	_ =	shalt  }
0x79: {  	_ =	shalt  }
0x7a: {  	_ =	shalt  }
0x7b: {  	_ =	shalt  }
0x7c: {  	_ =	shalt  }
0x7d: {  	_ =	shalt  }
0x7e: {  	_ =	shalt  }
0x7f: {  	_ =	shalt  }
0x80: {  	_ =	shalt  }
0x81: {  	_ =	shalt  }
0x82: {  	_ =	shalt  }
0x83: {  	_ =	shalt  }
0x84: {  	_ =	shalt  }
0x85: {  	_ =	shalt  }
0x86: {  	_ =	shalt  }
0x87: {  	_ =	shalt  }
.Lfunc_end0:
.L_simem_size_0:
called_computation_lowered:
.L_overlay_start_0:
0x88: {  	s2 =	sld [smem:$0x3FD9]  }
0x89: {  	s3 =	sld [smem:$0x3FFE];
	_ =	sdelay $0x1  }
0x8a: {  	s1 =	srdreg.scid  }
0x8b: {  	s0 =	sand.u32 $0x1, s1  }
0x8c: {  	s17 =	sshll.u32 s0, $0xA;
	s2 =	sadd.s32 s3, s2  }
0x8d: {  	s2 =	sadd.s32 s2, s17  }
0x8e: {  	[smem:$0x3FC1] =	sst s2  }
0x8f: {  	_ = 	snop  }
0x90: {  	s2 =	sld [smem:$0x3FC7]  }
0x91: {  	s18 =	sld [smem:$0x3FD0];
	(tm) =	ssettm $0x1  }
0x92: {  	s4 =	sld [smem:$0x3FFB];
	_ =	sdelay $0x3  }
0x93: {  	_ =	strace s4  }
0x94: {  	s4 =	sld [smem:$0x3FFC];
	_ =	sdelay $0x3  }
0x95: {  	_ =	strace s4  }
0x96: {  	s4 =	sld [smem:$0x3FFD];
	_ =	sdelay $0x3  }
0x97: {  	_ =	strace s4  }
0x98: {  	_ =	strace $0x8FFFFFFF  }
0x99: {  	s19 =	sld [smem:$0x3FDB];
	_ =	sdelay $0x1  }
0x9a: {  	s5 =	simm.s32 $_scs_section_size  }
0x9b: {  	s6 =	simm.s32 $_size__tile_overlayer_lowered;
	s7 =	simm.s32 $_tile_overlayer_lowered  }
0x9c: {  	s22 =	simm.s32 $0x1BFF;
	s21 =	sshll.u32 s7, $0x1;
	s4 =	sadd.s32 s5, s19  }
0x9d: {  	s8 =	simm.s32 $0x0;
	s20 =	sshll.u32 s6, $0x1;
	s6 =	sadd.s32 s21, s4  }
0x9e: {  	[timem:s8], [sflag:s22] =	dma.local [hbm:s6], s20  }
0x9f: {  	_ =	swait.ge [sflag:s22], s20  }
0xa0: {  	s5 =	ssub.s32 $0x0, s20;
	[sflag:s22] =	ssyncset.done $0x0  }
0xa1: {  	[sflag:s22] =	ssyncadd.s32 s5;
	_ =	sdelay $0x1  }
0xa2: {  	s23 =	simm.s32 $0x1B8B  }
0xa3: {  	_ =	swait.ge [sflag:s23], $0x1  }
0xa4: {  	[sflag:s23] =	ssyncset.done $0x0  }
0xa5: {  	s25 =	simm.s32 $0x1B8E;
	s24 =	sld [smem:$0x3FFE];
	[sflag:s23] =	ssyncadd.s32 $0xFFFFFFFF  }
0xa6: {  	s26 =	simm.s32 $execute0_lowered;
	[smem:$0x3FD2] =	sst s25  }
0xa7: {  	s6 =	sshll.u32 s26, $0x1;
	_ =	strace $0x80000046;
	[dreg:$0x1] =	wrdreg $0xFFFFFFFF  }
0xa8: {  	s28 =	simm.s32 $_size_execute0_lowered;
	s4 =	sadd.s32 s4, s6;
	[dreg:$0x0] =	wrdreg $0x0  }
0xa9: {  	s6 =	sshll.u32 s28, $0x1;
	[dreg:$0x2] =	wrdreg s4  }
0xaa: {  	[dreg:$0x3] =	wrdreg s6  }
0xab: {  	[dreg:$0x4] =	wrdreg $0xC0  }
0xac: {  	_ =	task [dreg:s8], $0x5FFFF  }
0xad: {  	[dreg:$0x1] =	wrdreg $0xFFFFFFFF  }
0xae: {  	[dreg:$0x0] =	wrdreg $0x60  }
0xaf: {  	[dreg:$0x2] =	wrdreg s2  }
0xb0: {  	[dreg:$0x3] =	wrdreg s18  }
0xb1: {  	[dreg:$0x4] =	wrdreg s24  }
0xb2: {  	[dreg:$0x5] =	wrdreg $0x9  }
0xb3: {  	_ =	task.clear_ibuf [dreg:s8], $0x6FFFF;
	_ =	strace $0x90000046  }
0xb4: {  	s29 =	simm.s32 $0x9;
	_ =	strace $0x80000048  }
0xb5: {  	_ =	swait.ge [sflag:s29], $0x1  }
0xb6: {  	[sflag:s29] =	ssyncadd.s32 $0xFFFFFFFF  }
0xb7: {  	_ =	strace $0x90000048  }
0xb8: {  	_ =	sfence  }
0xb9: {  	s30 =	sld [smem:$0x0];
	_ =	sdelay $0x2  }
0xba: {  	s31 =	sshll.u32 s1, $0xD;
	s1 =	sshrl.u32 s1, $0x2  }
0xbb: {  	s3 =	sand.u32 $0x4000, s31;
	s1 =	sadd.s32 s1, s30  }
0xbc: {  	s0 =	sor.u32 s3, s0;
	s1 =	sshll.u32 s1, $0x11  }
0xbd: {  	s0 =	sor.u32 s1, s0  }
0xbe: {  	s0 =	sadd.s32 $0x8F2B, s0  }
0xbf: {  	[sflag:s0] =	ssyncadd.remote.s32 $0x1  }
0xc0: {  	_ =	sfence.sel $0xFFFF  }
0xc1: {  	[dreg:$0x0] =	wrdreg $0xFFFFFFFF;
	(pc) =	sbr.abs _section_cstart, $3  }
0xc2: {  	[dreg:$0x1] =	wrdreg $0xFFFFFFFF  }
0xc3: {  	_ =	task.clear_ibuf [dreg:s8], $0x2FFFF;
	_ =	strace $0x9FFFFFFF  }
0xc4: {  	(tm) =	ssettm $0x7FFFFFFF  }
0xc5: {  	_ =	shalt  }
tec
execute0_lowered:
.L_overlay_start_1:
0x0: {  	(tag) =	ssettag $0x1  }
0x1: {  	s0 =	srdreg.scid;
	s14 =	stileid.u32  }
0x2: {  	s0 =	sand.u32 $0x1, s0;
	s2 =	sshll.u32 s14, $0x1  }
0x3: {  	s3 =	rddreg [dreg:$0x0];
	s5 =	sor.u32 s0, s2  }
0x4: {  	s1 =	rddreg [dreg:$0x1];
	s6 =	smul.u32 $0x320, s5  }
0x5: {  	s4 =	rddreg [dreg:$0x2];
	s2 =	simm.s32 $0x0;
	s7 =	smul.u32 $0xC8000, s5  }
0x6: {  	s4 =	sadd.s32 $0xE00, s4;
	[smem:$0x7FF] =	sst s2;
	s5 =	smul.u32 $0x19000, s5  }
0x7: {  	_ =	strace $0x80000047;
	s1 =	sadd.s32 s1, s6;
	s13 =	sshrl.u32 s7, $0x3  }
0x8: {  	s15 =	sadd.s32 s4, s5;
	[dreg:$0x4] =	wrdreg s1;
	s4 =	sadd.s32 s4, s13  }
0x9: {  	[dreg:$0x5] =	wrdreg s15;
	s16 =	sadd.s32 $0x1000, s4  }
0xa: {  	s17 =	sadd.s32 $0x2000, s4;
	[dreg:$0x6] =	wrdreg s16  }
0xb: {  	s18 =	sadd.s32 $0x3000, s4;
	[dreg:$0x7] =	wrdreg s17  }
0xc: {  	s19 =	sadd.s32 $0x4000, s4;
	[dreg:$0x8] =	wrdreg s18  }
0xd: {  	s20 =	sadd.s32 $0x5000, s4;
	[dreg:$0x9] =	wrdreg s19  }
0xe: {  	s21 =	sadd.s32 $0x6000, s4;
	[dreg:$0xa] =	wrdreg s20  }
0xf: {  	s22 =	sadd.s32 $0x7000, s4;
	[dreg:$0xb] =	wrdreg s21  }
0x10: {  	s23 =	sadd.s32 $0x8000, s4;
	[dreg:$0xc] =	wrdreg s22  }
0x11: {  	s24 =	sadd.s32 $0x9000, s4;
	[dreg:$0xd] =	wrdreg s23  }
0x12: {  	s25 =	sadd.s32 $0xA000, s4;
	[dreg:$0xe] =	wrdreg s24  }
0x13: {  	s26 =	sadd.s32 $0xB000, s4;
	[dreg:$0xf] =	wrdreg s25  }
0x14: {  	s5 =	sadd.s32 $0xC000, s4;
	[dreg:$0x10] =	wrdreg s26  }
0x15: {  	s6 =	sadd.s32 $0xD000, s4;
	[dreg:$0x11] =	wrdreg s5  }
0x16: {  	s7 =	sadd.s32 $0xE000, s4;
	[dreg:$0x12] =	wrdreg s6  }
0x17: {  	s8 =	sadd.s32 $0xF000, s4;
	[dreg:$0x13] =	wrdreg s7  }
0x18: {  	s9 =	sadd.s32 $0x10000, s4;
	[dreg:$0x14] =	wrdreg s8  }
0x19: {  	s31 =	simm.s32 $0x1;
	s10 =	sadd.s32 $0x11000, s4;
	[dreg:$0x15] =	wrdreg s9  }
0x1a: {  	s30 =	simm.s32 $0xA00;
	s11 =	sadd.s32 $0x12000, s4;
	[dreg:$0x16] =	wrdreg s10  }
0x1b: {  	s29 =	simm.s32 $0xB00;
	s12 =	sadd.s32 $0x13000, s4;
	[dreg:$0x17] =	wrdreg s11  }
0x1c: {  	s28 =	simm.s32 $0xC00;
	s13 =	sadd.s32 $0x14000, s4;
	[dreg:$0x18] =	wrdreg s12  }
0x1d: {  	p0 =	por $0x0, $0x0;
	s15 =	sadd.s32 $0x15000, s4;
	[dreg:$0x19] =	wrdreg s13  }
0x1e: {  	s0 =	ssub.s32 $0x2, s0;
	[dreg:$0x1a] =	wrdreg s15;
	s16 =	sadd.s32 $0x16000, s4  }
0x1f: {  	s17 =	sshrl.u32 s0, $0x1;
	s18 =	sadd.s32 $0x17000, s4;
	s19 =	sadd.s32 $0x18000, s4  }
0x20: {  	s7 =	simm.s32 $0x100;
	s4 =	simm.s32 $0x1900;
	s11 =	simm.s32 $0x9900  }
0x21: {  	s6 =	simm.s32 $0x2;
	s20 =	simm.s32 $0x200;
	[dreg:$0x1b] =	wrdreg s16  }
0x22: {  	s8 =	simm.s32 $0x11900;
	s21 =	simm.s32 $0x300;
	[dreg:$0x1c] =	wrdreg s18  }
0x23: {  	s13 =	simm.s32 $0x3;
	s22 =	simm.s32 $0x400;
	[dreg:$0x1d] =	wrdreg s19  }
0x24: {  	s5 =	simm.s32 $0x5;
	s23 =	simm.s32 $0x500;
	[dreg:$0x1e] =	wrdreg s20  }
0x25: {  	s12 =	simm.s32 $0x4;
	s24 =	simm.s32 $0x600;
	[dreg:$0x1f] =	wrdreg s21  }
0x26: {  	s9 =	simm.s32 $0x6;
	s25 =	simm.s32 $0x700;
	[smem:$0x7F9] =	sst s22  }
0x27: {  	s10 =	simm.s32 $0x7;
	s0 =	ssub.s32 s0, s17;
	[smem:$0x7FA] =	sst s23  }
0x28: {  	s26 =	simm.s32 $0x800;
	[smem:$0x7FB] =	sst s24;
	s0 =	smax.u32 s0, $0x1  }
0x29: {  	s15 =	simm.s32 $0x1800;
	[smem:$0x7FC] =	sst s25;
	p1 =	sne.s32 s0, $0x1  }
.Ltmp0:
0x2a: {  	[smem:$0x7FD] =	sst s26;
	s26 =	simm.s32 $0xD00;
	(pc) =	sbr.rel @!p1 .LBB2_1-.Ltmp0, $4  }
0x2b: {  	s25 =	simm.s32 $0xE00;
	s24 =	simm.s32 $0xF00;
	s23 =	simm.s32 $0x1000  }
0x2c: {  	s22 =	simm.s32 $0x1100;
	s21 =	simm.s32 $0x1200;
	s20 =	simm.s32 $0x1300  }
0x2d: {  	s19 =	simm.s32 $0x1400;
	s18 =	simm.s32 $0x1500;
	s17 =	simm.s32 $0x1600  }
0x2e: {  	s16 =	simm.s32 $0x1700;
	s1 =	sadd.s32 $0xFFFFFFFF, s0;
	s0 =	rddreg [dreg:$0x4]  }
0x2f: {  	[tilespmem:s2], [sflag:$0x1] =	stream.linear.gather [hbm4b:s0+s2], $0x1900, $0x38;
	[tilespmem:$0x19900] =	vst v63  }
0x30: {  	_ =	swait.ge [sflag:s31], $0x1900  }
0x31: {  	[sflag:s31] =	ssyncset.done $0x0  }
0x32: {  	[sflag:s31] =	ssyncadd.s32 $0xFFFFE700  }
0x33: {  	[tilespmem:s4], [sflag:$0x2] =	stream.indirect.gather [hbm4b:s3+s7], $0x80, s2, s7, $0xb8;
	[tilespmem:$0x19900] =	vst v63  }
0x34: {  	_ = 	snop  }
0x35: {  	[tilespmem:s11], [sflag:$0x3] =	stream.indirect.gather [hbm4b:s3+s7], $0x80, s7, s7, $0xb8;
	[tilespmem:$0x19900] =	vst v63  }
0x36: {  	_ =	swait.ge [sflag:s6], $0x8000  }
0x37: {  	[sflag:s6] =	ssyncset.done $0x0  }
0x38: {  	s0 =	rddreg [dreg:$0x5];
	[sflag:s6] =	ssyncadd.s32 $0xFFFF8000  }
0x39: {  	[hbm4b:s0+s2] =	stream.linear.scatter [tilespmem:s4], [sflag:$0x5], $0x8000, $0x38;
	[tilespmem:$0x19900] =	vst v63  }
0x3a: {  	s14 =	smov.u32 s1;
	s1 =	rddreg [dreg:$0x1e]  }
0x3b: {  	[tilespmem:s8], [sflag:$0x4] =	stream.indirect.gather [hbm4b:s3+s7], $0x80, s1, s7, $0xb8;
	[tilespmem:$0x19900] =	vst v63  }
0x3c: {  	_ =	swait.ge [sflag:s13], $0x8000  }
0x3d: {  	[sflag:s13] =	ssyncset.done $0x0  }
0x3e: {  	s1 =	rddreg [dreg:$0x6];
	[sflag:s13] =	ssyncadd.s32 $0xFFFF8000  }
0x3f: {  	[hbm4b:s1+s2] =	stream.linear.scatter [tilespmem:s11], [sflag:$0x6], $0x8000, $0x38;
	[tilespmem:$0x19900] =	vst v63  }
0x40: {  	_ =	swait.ge [sflag:s5], $0x8000  }
0x41: {  	[sflag:s5] =	ssyncset.done $0x0  }
0x42: {  	s1 =	rddreg [dreg:$0x1f];
	[sflag:s5] =	ssyncadd.s32 $0xFFFF8000  }
0x43: {  	[tilespmem:s4], [sflag:$0x2] =	stream.indirect.gather [hbm4b:s3+s7], $0x80, s1, s7, $0xb8;
	[tilespmem:$0x19900] =	vst v63  }
0x44: {  	_ =	swait.ge [sflag:s12], $0x8000  }
0x45: {  	[sflag:s12] =	ssyncset.done $0x0  }
0x46: {  	s1 =	rddreg [dreg:$0x7];
	[sflag:s12] =	ssyncadd.s32 $0xFFFF8000  }
0x47: {  	[hbm4b:s1+s2] =	stream.linear.scatter [tilespmem:s8], [sflag:$0x7], $0x8000, $0x38;
	[tilespmem:$0x19900] =	vst v63  }
0x48: {  	_ =	swait.ge [sflag:s9], $0x8000  }
0x49: {  	s1 =	sld [smem:$0x7F9]  }
0x4a: {  	[sflag:s9] =	ssyncset.done $0x0  }
0x4b: {  	[sflag:s9] =	ssyncadd.s32 $0xFFFF8000  }
0x4c: {  	[tilespmem:s11], [sflag:$0x3] =	stream.indirect.gather [hbm4b:s3+s7], $0x80, s1, s7, $0xb8;
	[tilespmem:$0x19900] =	vst v63  }
0x4d: {  	_ =	swait.ge [sflag:s6], $0x8000  }
0x4e: {  	[sflag:s6] =	ssyncset.done $0x0  }
0x4f: {  	s1 =	rddreg [dreg:$0x8];
	[sflag:s6] =	ssyncadd.s32 $0xFFFF8000  }
0x50: {  	[hbm4b:s1+s2] =	stream.linear.scatter [tilespmem:s4], [sflag:$0x5], $0x8000, $0x38;
	[tilespmem:$0x19900] =	vst v63  }
0x51: {  	_ =	swait.ge [sflag:s10], $0x8000  }
0x52: {  	s1 =	sld [smem:$0x7FA]  }
0x53: {  	[sflag:s10] =	ssyncset.done $0x0  }
0x54: {  	[sflag:s10] =	ssyncadd.s32 $0xFFFF8000  }
0x55: {  	[tilespmem:s8], [sflag:$0x4] =	stream.indirect.gather [hbm4b:s3+s7], $0x80, s1, s7, $0xb8;
	[tilespmem:$0x19900] =	vst v63  }
0x56: {  	_ =	swait.ge [sflag:s13], $0x8000  }
0x57: {  	[sflag:s13] =	ssyncset.done $0x0  }
0x58: {  	s1 =	rddreg [dreg:$0x9];
	[sflag:s13] =	ssyncadd.s32 $0xFFFF8000  }
0x59: {  	[hbm4b:s1+s2] =	stream.linear.scatter [tilespmem:s11], [sflag:$0x6], $0x8000, $0x38;
	[tilespmem:$0x19900] =	vst v63  }
0x5a: {  	_ =	swait.ge [sflag:s5], $0x8000  }
0x5b: {  	s1 =	sld [smem:$0x7FB]  }
0x5c: {  	[sflag:s5] =	ssyncset.done $0x0  }
0x5d: {  	[sflag:s5] =	ssyncadd.s32 $0xFFFF8000  }
0x5e: {  	[tilespmem:s4], [sflag:$0x2] =	stream.indirect.gather [hbm4b:s3+s7], $0x80, s1, s7, $0xb8;
	[tilespmem:$0x19900] =	vst v63  }
0x5f: {  	_ =	swait.ge [sflag:s12], $0x8000  }
0x60: {  	[sflag:s12] =	ssyncset.done $0x0  }
0x61: {  	s1 =	rddreg [dreg:$0xa];
	[sflag:s12] =	ssyncadd.s32 $0xFFFF8000  }
0x62: {  	[hbm4b:s1+s2] =	stream.linear.scatter [tilespmem:s8], [sflag:$0x7], $0x8000, $0x38;
	[tilespmem:$0x19900] =	vst v63  }
0x63: {  	_ =	swait.ge [sflag:s9], $0x8000  }
0x64: {  	s1 =	sld [smem:$0x7FC]  }
0x65: {  	[sflag:s9] =	ssyncset.done $0x0  }
0x66: {  	[sflag:s9] =	ssyncadd.s32 $0xFFFF8000  }
0x67: {  	[tilespmem:s11], [sflag:$0x3] =	stream.indirect.gather [hbm4b:s3+s7], $0x80, s1, s7, $0xb8;
	[tilespmem:$0x19900] =	vst v63  }
0x68: {  	_ =	swait.ge [sflag:s6], $0x8000  }
0x69: {  	[sflag:s6] =	ssyncset.done $0x0  }
0x6a: {  	s1 =	rddreg [dreg:$0xb];
	[sflag:s6] =	ssyncadd.s32 $0xFFFF8000  }
0x6b: {  	[hbm4b:s1+s2] =	stream.linear.scatter [tilespmem:s4], [sflag:$0x5], $0x8000, $0x38;
	[tilespmem:$0x19900] =	vst v63  }
0x6c: {  	_ =	swait.ge [sflag:s10], $0x8000  }
0x6d: {  	s1 =	sld [smem:$0x7FD]  }
0x6e: {  	[sflag:s10] =	ssyncset.done $0x0  }
0x6f: {  	[sflag:s10] =	ssyncadd.s32 $0xFFFF8000  }
0x70: {  	[tilespmem:s8], [sflag:$0x4] =	stream.indirect.gather [hbm4b:s3+s7], $0x80, s1, s7, $0xb8;
	[tilespmem:$0x19900] =	vst v63  }
0x71: {  	_ =	swait.ge [sflag:s13], $0x8000  }
0x72: {  	[sflag:s13] =	ssyncset.done $0x0  }
0x73: {  	s1 =	rddreg [dreg:$0xc];
	[sflag:s13] =	ssyncadd.s32 $0xFFFF8000  }
0x74: {  	[hbm4b:s1+s2] =	stream.linear.scatter [tilespmem:s11], [sflag:$0x6], $0x8000, $0x38;
	[tilespmem:$0x19900] =	vst v63  }
0x75: {  	_ =	swait.ge [sflag:s5], $0x8000  }
0x76: {  	[sflag:s5] =	ssyncset.done $0x0  }
0x77: {  	s1 =	simm.s32 $0x900;
	[sflag:s5] =	ssyncadd.s32 $0xFFFF8000  }
0x78: {  	[tilespmem:s4], [sflag:$0x2] =	stream.indirect.gather [hbm4b:s3+s7], $0x80, s1, s7, $0xb8;
	[tilespmem:$0x19900] =	vst v63  }
0x79: {  	_ =	swait.ge [sflag:s12], $0x8000  }
0x7a: {  	[sflag:s12] =	ssyncset.done $0x0  }
0x7b: {  	s1 =	rddreg [dreg:$0xd];
	[sflag:s12] =	ssyncadd.s32 $0xFFFF8000  }
0x7c: {  	[hbm4b:s1+s2] =	stream.linear.scatter [tilespmem:s8], [sflag:$0x7], $0x8000, $0x38;
	[tilespmem:$0x19900] =	vst v63  }
0x7d: {  	_ =	swait.ge [sflag:s9], $0x8000  }
0x7e: {  	[sflag:s9] =	ssyncset.done $0x0  }
0x7f: {  	[sflag:s9] =	ssyncadd.s32 $0xFFFF8000  }
0x80: {  	[tilespmem:s11], [sflag:$0x3] =	stream.indirect.gather [hbm4b:s3+s7], $0x80, s30, s7, $0xb8;
	[tilespmem:$0x19900] =	vst v63  }
0x81: {  	_ =	swait.ge [sflag:s6], $0x8000  }
0x82: {  	[sflag:s6] =	ssyncset.done $0x0  }
0x83: {  	s1 =	rddreg [dreg:$0xe];
	[sflag:s6] =	ssyncadd.s32 $0xFFFF8000  }
0x84: {  	[hbm4b:s1+s2] =	stream.linear.scatter [tilespmem:s4], [sflag:$0x5], $0x8000, $0x38;
	[tilespmem:$0x19900] =	vst v63  }
0x85: {  	_ =	swait.ge [sflag:s10], $0x8000  }
0x86: {  	[sflag:s10] =	ssyncset.done $0x0  }
0x87: {  	[sflag:s10] =	ssyncadd.s32 $0xFFFF8000  }
0x88: {  	[tilespmem:s8], [sflag:$0x4] =	stream.indirect.gather [hbm4b:s3+s7], $0x80, s29, s7, $0xb8;
	[tilespmem:$0x19900] =	vst v63  }
0x89: {  	_ =	swait.ge [sflag:s13], $0x8000  }
0x8a: {  	[sflag:s13] =	ssyncset.done $0x0  }
0x8b: {  	s1 =	rddreg [dreg:$0xf];
	[sflag:s13] =	ssyncadd.s32 $0xFFFF8000  }
0x8c: {  	[hbm4b:s1+s2] =	stream.linear.scatter [tilespmem:s11], [sflag:$0x6], $0x8000, $0x38;
	[tilespmem:$0x19900] =	vst v63  }
0x8d: {  	_ =	swait.ge [sflag:s5], $0x8000  }
0x8e: {  	[sflag:s5] =	ssyncset.done $0x0  }
0x8f: {  	[sflag:s5] =	ssyncadd.s32 $0xFFFF8000  }
0x90: {  	[tilespmem:s4], [sflag:$0x2] =	stream.indirect.gather [hbm4b:s3+s7], $0x80, s28, s7, $0xb8;
	[tilespmem:$0x19900] =	vst v63  }
0x91: {  	_ =	swait.ge [sflag:s12], $0x8000  }
0x92: {  	[sflag:s12] =	ssyncset.done $0x0  }
0x93: {  	s1 =	rddreg [dreg:$0x10];
	[sflag:s12] =	ssyncadd.s32 $0xFFFF8000  }
0x94: {  	[hbm4b:s1+s2] =	stream.linear.scatter [tilespmem:s8], [sflag:$0x7], $0x8000, $0x38;
	[tilespmem:$0x19900] =	vst v63  }
0x95: {  	_ =	swait.ge [sflag:s9], $0x8000  }
0x96: {  	[sflag:s9] =	ssyncset.done $0x0  }
0x97: {  	[sflag:s9] =	ssyncadd.s32 $0xFFFF8000  }
0x98: {  	[tilespmem:s11], [sflag:$0x3] =	stream.indirect.gather [hbm4b:s3+s7], $0x80, s26, s7, $0xb8;
	[tilespmem:$0x19900] =	vst v63  }
0x99: {  	_ =	swait.ge [sflag:s6], $0x8000  }
0x9a: {  	[sflag:s6] =	ssyncset.done $0x0  }
0x9b: {  	s1 =	rddreg [dreg:$0x11];
	[sflag:s6] =	ssyncadd.s32 $0xFFFF8000  }
0x9c: {  	[hbm4b:s1+s2] =	stream.linear.scatter [tilespmem:s4], [sflag:$0x5], $0x8000, $0x38;
	[tilespmem:$0x19900] =	vst v63  }
0x9d: {  	_ =	swait.ge [sflag:s10], $0x8000  }
0x9e: {  	[sflag:s10] =	ssyncset.done $0x0  }
0x9f: {  	[sflag:s10] =	ssyncadd.s32 $0xFFFF8000  }
0xa0: {  	[tilespmem:s8], [sflag:$0x4] =	stream.indirect.gather [hbm4b:s3+s7], $0x80, s25, s7, $0xb8;
	[tilespmem:$0x19900] =	vst v63  }
0xa1: {  	_ =	swait.ge [sflag:s13], $0x8000  }
0xa2: {  	[sflag:s13] =	ssyncset.done $0x0  }
0xa3: {  	s1 =	rddreg [dreg:$0x12];
	[sflag:s13] =	ssyncadd.s32 $0xFFFF8000  }
0xa4: {  	[hbm4b:s1+s2] =	stream.linear.scatter [tilespmem:s11], [sflag:$0x6], $0x8000, $0x38;
	[tilespmem:$0x19900] =	vst v63  }
0xa5: {  	_ =	swait.ge [sflag:s5], $0x8000  }
0xa6: {  	[sflag:s5] =	ssyncset.done $0x0  }
0xa7: {  	[sflag:s5] =	ssyncadd.s32 $0xFFFF8000  }
0xa8: {  	[tilespmem:s4], [sflag:$0x2] =	stream.indirect.gather [hbm4b:s3+s7], $0x80, s24, s7, $0xb8;
	[tilespmem:$0x19900] =	vst v63  }
0xa9: {  	_ =	swait.ge [sflag:s12], $0x8000  }
0xaa: {  	[sflag:s12] =	ssyncset.done $0x0  }
0xab: {  	s1 =	rddreg [dreg:$0x13];
	[sflag:s12] =	ssyncadd.s32 $0xFFFF8000  }
0xac: {  	[hbm4b:s1+s2] =	stream.linear.scatter [tilespmem:s8], [sflag:$0x7], $0x8000, $0x38;
	[tilespmem:$0x19900] =	vst v63  }
0xad: {  	_ =	swait.ge [sflag:s9], $0x8000  }
0xae: {  	[sflag:s9] =	ssyncset.done $0x0  }
0xaf: {  	[sflag:s9] =	ssyncadd.s32 $0xFFFF8000  }
0xb0: {  	[tilespmem:s11], [sflag:$0x3] =	stream.indirect.gather [hbm4b:s3+s7], $0x80, s23, s7, $0xb8;
	[tilespmem:$0x19900] =	vst v63  }
0xb1: {  	_ =	swait.ge [sflag:s6], $0x8000  }
0xb2: {  	[sflag:s6] =	ssyncset.done $0x0  }
0xb3: {  	s1 =	rddreg [dreg:$0x14];
	[sflag:s6] =	ssyncadd.s32 $0xFFFF8000  }
0xb4: {  	[hbm4b:s1+s2] =	stream.linear.scatter [tilespmem:s4], [sflag:$0x5], $0x8000, $0x38;
	[tilespmem:$0x19900] =	vst v63  }
0xb5: {  	_ =	swait.ge [sflag:s10], $0x8000  }
0xb6: {  	[sflag:s10] =	ssyncset.done $0x0  }
0xb7: {  	[sflag:s10] =	ssyncadd.s32 $0xFFFF8000  }
0xb8: {  	[tilespmem:s8], [sflag:$0x4] =	stream.indirect.gather [hbm4b:s3+s7], $0x80, s22, s7, $0xb8;
	[tilespmem:$0x19900] =	vst v63  }
0xb9: {  	_ =	swait.ge [sflag:s13], $0x8000  }
0xba: {  	[sflag:s13] =	ssyncset.done $0x0  }
0xbb: {  	s1 =	rddreg [dreg:$0x15];
	[sflag:s13] =	ssyncadd.s32 $0xFFFF8000  }
0xbc: {  	[hbm4b:s1+s2] =	stream.linear.scatter [tilespmem:s11], [sflag:$0x6], $0x8000, $0x38;
	[tilespmem:$0x19900] =	vst v63  }
0xbd: {  	_ =	swait.ge [sflag:s5], $0x8000  }
0xbe: {  	[sflag:s5] =	ssyncset.done $0x0  }
0xbf: {  	[sflag:s5] =	ssyncadd.s32 $0xFFFF8000  }
0xc0: {  	[tilespmem:s4], [sflag:$0x2] =	stream.indirect.gather [hbm4b:s3+s7], $0x80, s21, s7, $0xb8;
	[tilespmem:$0x19900] =	vst v63  }
0xc1: {  	_ =	swait.ge [sflag:s12], $0x8000  }
0xc2: {  	[sflag:s12] =	ssyncset.done $0x0  }
0xc3: {  	s1 =	rddreg [dreg:$0x16];
	[sflag:s12] =	ssyncadd.s32 $0xFFFF8000  }
0xc4: {  	[hbm4b:s1+s2] =	stream.linear.scatter [tilespmem:s8], [sflag:$0x7], $0x8000, $0x38;
	[tilespmem:$0x19900] =	vst v63  }
0xc5: {  	_ =	swait.ge [sflag:s9], $0x8000  }
0xc6: {  	[sflag:s9] =	ssyncset.done $0x0  }
0xc7: {  	[sflag:s9] =	ssyncadd.s32 $0xFFFF8000  }
0xc8: {  	[tilespmem:s11], [sflag:$0x3] =	stream.indirect.gather [hbm4b:s3+s7], $0x80, s20, s7, $0xb8;
	[tilespmem:$0x19900] =	vst v63  }
0xc9: {  	_ =	swait.ge [sflag:s6], $0x8000  }
0xca: {  	[sflag:s6] =	ssyncset.done $0x0  }
0xcb: {  	s1 =	rddreg [dreg:$0x17];
	[sflag:s6] =	ssyncadd.s32 $0xFFFF8000  }
0xcc: {  	[hbm4b:s1+s2] =	stream.linear.scatter [tilespmem:s4], [sflag:$0x5], $0x8000, $0x38;
	[tilespmem:$0x19900] =	vst v63  }
0xcd: {  	_ =	swait.ge [sflag:s10], $0x8000  }
0xce: {  	[sflag:s10] =	ssyncset.done $0x0  }
0xcf: {  	[sflag:s10] =	ssyncadd.s32 $0xFFFF8000  }
0xd0: {  	[tilespmem:s8], [sflag:$0x4] =	stream.indirect.gather [hbm4b:s3+s7], $0x80, s19, s7, $0xb8;
	[tilespmem:$0x19900] =	vst v63  }
0xd1: {  	_ =	swait.ge [sflag:s13], $0x8000  }
0xd2: {  	[sflag:s13] =	ssyncset.done $0x0  }
0xd3: {  	s1 =	rddreg [dreg:$0x18];
	[sflag:s13] =	ssyncadd.s32 $0xFFFF8000  }
0xd4: {  	[hbm4b:s1+s2] =	stream.linear.scatter [tilespmem:s11], [sflag:$0x6], $0x8000, $0x38;
	[tilespmem:$0x19900] =	vst v63  }
0xd5: {  	_ =	swait.ge [sflag:s5], $0x8000  }
0xd6: {  	[sflag:s5] =	ssyncset.done $0x0  }
0xd7: {  	[sflag:s5] =	ssyncadd.s32 $0xFFFF8000  }
0xd8: {  	[tilespmem:s4], [sflag:$0x2] =	stream.indirect.gather [hbm4b:s3+s7], $0x80, s18, s7, $0xb8;
	[tilespmem:$0x19900] =	vst v63  }
0xd9: {  	_ =	swait.ge [sflag:s12], $0x8000  }
0xda: {  	[sflag:s12] =	ssyncset.done $0x0  }
0xdb: {  	s1 =	rddreg [dreg:$0x19];
	[sflag:s12] =	ssyncadd.s32 $0xFFFF8000  }
0xdc: {  	[hbm4b:s1+s2] =	stream.linear.scatter [tilespmem:s8], [sflag:$0x7], $0x8000, $0x38;
	[tilespmem:$0x19900] =	vst v63  }
0xdd: {  	_ =	swait.ge [sflag:s9], $0x8000  }
0xde: {  	[sflag:s9] =	ssyncset.done $0x0  }
0xdf: {  	[sflag:s9] =	ssyncadd.s32 $0xFFFF8000  }
0xe0: {  	[tilespmem:s11], [sflag:$0x3] =	stream.indirect.gather [hbm4b:s3+s7], $0x80, s17, s7, $0xb8;
	[tilespmem:$0x19900] =	vst v63  }
0xe1: {  	_ =	swait.ge [sflag:s6], $0x8000  }
0xe2: {  	[sflag:s6] =	ssyncset.done $0x0  }
0xe3: {  	s1 =	rddreg [dreg:$0x1a];
	[sflag:s6] =	ssyncadd.s32 $0xFFFF8000  }
0xe4: {  	[hbm4b:s1+s2] =	stream.linear.scatter [tilespmem:s4], [sflag:$0x5], $0x8000, $0x38;
	[tilespmem:$0x19900] =	vst v63  }
0xe5: {  	_ =	swait.ge [sflag:s10], $0x8000  }
0xe6: {  	[sflag:s10] =	ssyncset.done $0x0  }
0xe7: {  	[sflag:s10] =	ssyncadd.s32 $0xFFFF8000  }
0xe8: {  	[tilespmem:s8], [sflag:$0x4] =	stream.indirect.gather [hbm4b:s3+s7], $0x80, s16, s7, $0xb8;
	[tilespmem:$0x19900] =	vst v63  }
0xe9: {  	_ =	swait.ge [sflag:s13], $0x8000  }
0xea: {  	[sflag:s13] =	ssyncset.done $0x0  }
0xeb: {  	s1 =	rddreg [dreg:$0x1b];
	[sflag:s13] =	ssyncadd.s32 $0xFFFF8000  }
0xec: {  	[hbm4b:s1+s2] =	stream.linear.scatter [tilespmem:s11], [sflag:$0x6], $0x8000, $0x38;
	[tilespmem:$0x19900] =	vst v63  }
0xed: {  	_ =	swait.ge [sflag:s5], $0x8000  }
0xee: {  	[sflag:s5] =	ssyncset.done $0x0  }
0xef: {  	[sflag:s5] =	ssyncadd.s32 $0xFFFF8000  }
0xf0: {  	[tilespmem:s4], [sflag:$0x2] =	stream.indirect.gather [hbm4b:s3+s7], $0x80, s15, s7, $0xb8;
	[tilespmem:$0x19900] =	vst v63  }
0xf1: {  	_ =	swait.ge [sflag:s12], $0x8000  }
0xf2: {  	[sflag:s12] =	ssyncset.done $0x0  }
0xf3: {  	s1 =	rddreg [dreg:$0x1c];
	[sflag:s12] =	ssyncadd.s32 $0xFFFF8000  }
0xf4: {  	[hbm4b:s1+s2] =	stream.linear.scatter [tilespmem:s8], [sflag:$0x7], $0x8000, $0x38;
	[tilespmem:$0x19900] =	vst v63  }
0xf5: {  	_ =	swait.ge [sflag:s6], $0x8000  }
0xf6: {  	[sflag:s6] =	ssyncset.done $0x0  }
0xf7: {  	s1 =	rddreg [dreg:$0x1d];
	[sflag:s6] =	ssyncadd.s32 $0xFFFF8000  }
0xf8: {  	[hbm4b:s1+s2] =	stream.linear.scatter [tilespmem:s4], [sflag:$0x5], $0x8000, $0x38;
	[tilespmem:$0x19900] =	vst v63  }
0xf9: {  	_ =	swait.ge [sflag:s9], $0x8000  }
0xfa: {  	[sflag:s9] =	ssyncset.done $0x0  }
0xfb: {  	p1 =	sne.s32 s14, $0x1;
	[sflag:s9] =	ssyncadd.s32 $0xFFFF8000  }
.Ltmp1:
0xfc: {  	_ =	swait.ge [sflag:s10], $0x8000;
	(pc) =	sbr.rel @!p1 .LBB2_3-.Ltmp1, $4  }
0xfd: {  	[sflag:s10] =	ssyncset.done $0x0  }
0xfe: {  	[sflag:s10] =	ssyncadd.s32 $0xFFFF8000  }
0xff: {  	p0 =	por $0x1, $0x1;
	_ =	swait.ge [sflag:s5], $0x8000  }
0x100: {  	s1 =	sadd.s32 $0xFFFFFFFF, s14;
	s0 =	rddreg [dreg:$0x4];
	[sflag:s5] =	ssyncset.done $0x0  }
.LBB2_4:
0x101: {  	[sflag:s5] =	ssyncadd.s32 $0xFFFF8000  }
0x102: {  	[tilespmem:s2], [sflag:$0x1] =	stream.linear.gather [hbm4b:s0+s2], $0x1900, $0x38;
	[tilespmem:$0x19900] =	vst v63  }
0x103: {  	_ =	swait.ge [sflag:s31], $0x1900  }
0x104: {  	[sflag:s31] =	ssyncset.done $0x0  }
0x105: {  	[sflag:s31] =	ssyncadd.s32 $0xFFFFE700  }
0x106: {  	[tilespmem:s4], [sflag:$0x2] =	stream.indirect.gather [hbm4b:s3+s7], $0x80, s2, s7, $0xb8;
	[tilespmem:$0x19900] =	vst v63  }
0x107: {  	_ = 	snop  }
0x108: {  	[tilespmem:s11], [sflag:$0x3] =	stream.indirect.gather [hbm4b:s3+s7], $0x80, s7, s7, $0xb8;
	[tilespmem:$0x19900] =	vst v63  }
0x109: {  	_ =	swait.ge [sflag:s6], $0x8000  }
0x10a: {  	[sflag:s6] =	ssyncset.done $0x0  }
0x10b: {  	s0 =	rddreg [dreg:$0x5];
	[sflag:s6] =	ssyncadd.s32 $0xFFFF8000  }
0x10c: {  	[hbm4b:s0+s2] =	stream.linear.scatter [tilespmem:s4], [sflag:$0x5], $0x8000, $0x38;
	[tilespmem:$0x19900] =	vst v63  }
0x10d: {  	s14 =	rddreg [dreg:$0x1e]  }
0x10e: {  	[tilespmem:s8], [sflag:$0x4] =	stream.indirect.gather [hbm4b:s3+s7], $0x80, s14, s7, $0xb8;
	[tilespmem:$0x19900] =	vst v63  }
0x10f: {  	_ =	swait.ge [sflag:s13], $0x8000  }
0x110: {  	[sflag:s13] =	ssyncset.done $0x0  }
0x111: {  	s14 =	rddreg [dreg:$0x6];
	[sflag:s13] =	ssyncadd.s32 $0xFFFF8000  }
0x112: {  	[hbm4b:s14+s2] =	stream.linear.scatter [tilespmem:s11], [sflag:$0x6], $0x8000, $0x38;
	[tilespmem:$0x19900] =	vst v63  }
0x113: {  	_ =	swait.ge [sflag:s5], $0x8000  }
0x114: {  	[sflag:s5] =	ssyncset.done $0x0  }
0x115: {  	s14 =	rddreg [dreg:$0x1f];
	[sflag:s5] =	ssyncadd.s32 $0xFFFF8000  }
0x116: {  	[tilespmem:s4], [sflag:$0x2] =	stream.indirect.gather [hbm4b:s3+s7], $0x80, s14, s7, $0xb8;
	[tilespmem:$0x19900] =	vst v63  }
0x117: {  	_ =	swait.ge [sflag:s12], $0x8000  }
0x118: {  	[sflag:s12] =	ssyncset.done $0x0  }
0x119: {  	s14 =	rddreg [dreg:$0x7];
	[sflag:s12] =	ssyncadd.s32 $0xFFFF8000  }
0x11a: {  	[hbm4b:s14+s2] =	stream.linear.scatter [tilespmem:s8], [sflag:$0x7], $0x8000, $0x38;
	[tilespmem:$0x19900] =	vst v63  }
0x11b: {  	_ =	swait.ge [sflag:s9], $0x8000  }
0x11c: {  	s14 =	sld [smem:$0x7F9]  }
0x11d: {  	[sflag:s9] =	ssyncset.done $0x0  }
0x11e: {  	[sflag:s9] =	ssyncadd.s32 $0xFFFF8000  }
0x11f: {  	[tilespmem:s11], [sflag:$0x3] =	stream.indirect.gather [hbm4b:s3+s7], $0x80, s14, s7, $0xb8;
	[tilespmem:$0x19900] =	vst v63  }
0x120: {  	_ =	swait.ge [sflag:s6], $0x8000  }
0x121: {  	[sflag:s6] =	ssyncset.done $0x0  }
0x122: {  	s14 =	rddreg [dreg:$0x8];
	[sflag:s6] =	ssyncadd.s32 $0xFFFF8000  }
0x123: {  	[hbm4b:s14+s2] =	stream.linear.scatter [tilespmem:s4], [sflag:$0x5], $0x8000, $0x38;
	[tilespmem:$0x19900] =	vst v63  }
0x124: {  	_ =	swait.ge [sflag:s10], $0x8000  }
0x125: {  	s14 =	sld [smem:$0x7FA]  }
0x126: {  	[sflag:s10] =	ssyncset.done $0x0  }
0x127: {  	[sflag:s10] =	ssyncadd.s32 $0xFFFF8000  }
0x128: {  	[tilespmem:s8], [sflag:$0x4] =	stream.indirect.gather [hbm4b:s3+s7], $0x80, s14, s7, $0xb8;
	[tilespmem:$0x19900] =	vst v63  }
0x129: {  	_ =	swait.ge [sflag:s13], $0x8000  }
0x12a: {  	[sflag:s13] =	ssyncset.done $0x0  }
0x12b: {  	s14 =	rddreg [dreg:$0x9];
	[sflag:s13] =	ssyncadd.s32 $0xFFFF8000  }
0x12c: {  	[hbm4b:s14+s2] =	stream.linear.scatter [tilespmem:s11], [sflag:$0x6], $0x8000, $0x38;
	[tilespmem:$0x19900] =	vst v63  }
0x12d: {  	_ =	swait.ge [sflag:s5], $0x8000  }
0x12e: {  	s14 =	sld [smem:$0x7FB]  }
0x12f: {  	[sflag:s5] =	ssyncset.done $0x0  }
0x130: {  	[sflag:s5] =	ssyncadd.s32 $0xFFFF8000  }
0x131: {  	[tilespmem:s4], [sflag:$0x2] =	stream.indirect.gather [hbm4b:s3+s7], $0x80, s14, s7, $0xb8;
	[tilespmem:$0x19900] =	vst v63  }
0x132: {  	_ =	swait.ge [sflag:s12], $0x8000  }
0x133: {  	[sflag:s12] =	ssyncset.done $0x0  }
0x134: {  	s14 =	rddreg [dreg:$0xa];
	[sflag:s12] =	ssyncadd.s32 $0xFFFF8000  }
0x135: {  	[hbm4b:s14+s2] =	stream.linear.scatter [tilespmem:s8], [sflag:$0x7], $0x8000, $0x38;
	[tilespmem:$0x19900] =	vst v63  }
0x136: {  	_ =	swait.ge [sflag:s9], $0x8000  }
0x137: {  	s14 =	sld [smem:$0x7FC]  }
0x138: {  	[sflag:s9] =	ssyncset.done $0x0  }
0x139: {  	[sflag:s9] =	ssyncadd.s32 $0xFFFF8000  }
0x13a: {  	[tilespmem:s11], [sflag:$0x3] =	stream.indirect.gather [hbm4b:s3+s7], $0x80, s14, s7, $0xb8;
	[tilespmem:$0x19900] =	vst v63  }
0x13b: {  	_ =	swait.ge [sflag:s6], $0x8000  }
0x13c: {  	[sflag:s6] =	ssyncset.done $0x0  }
0x13d: {  	s14 =	rddreg [dreg:$0xb];
	[sflag:s6] =	ssyncadd.s32 $0xFFFF8000  }
0x13e: {  	[hbm4b:s14+s2] =	stream.linear.scatter [tilespmem:s4], [sflag:$0x5], $0x8000, $0x38;
	[tilespmem:$0x19900] =	vst v63  }
0x13f: {  	_ =	swait.ge [sflag:s10], $0x8000  }
0x140: {  	s14 =	sld [smem:$0x7FD]  }
0x141: {  	[sflag:s10] =	ssyncset.done $0x0  }
0x142: {  	[sflag:s10] =	ssyncadd.s32 $0xFFFF8000  }
0x143: {  	[tilespmem:s8], [sflag:$0x4] =	stream.indirect.gather [hbm4b:s3+s7], $0x80, s14, s7, $0xb8;
	[tilespmem:$0x19900] =	vst v63  }
0x144: {  	_ =	swait.ge [sflag:s13], $0x8000  }
0x145: {  	[sflag:s13] =	ssyncset.done $0x0  }
0x146: {  	s14 =	rddreg [dreg:$0xc];
	[sflag:s13] =	ssyncadd.s32 $0xFFFF8000  }
0x147: {  	[hbm4b:s14+s2] =	stream.linear.scatter [tilespmem:s11], [sflag:$0x6], $0x8000, $0x38;
	[tilespmem:$0x19900] =	vst v63  }
0x148: {  	_ =	swait.ge [sflag:s5], $0x8000  }
0x149: {  	[sflag:s5] =	ssyncset.done $0x0  }
0x14a: {  	s14 =	simm.s32 $0x900;
	[sflag:s5] =	ssyncadd.s32 $0xFFFF8000  }
0x14b: {  	[tilespmem:s4], [sflag:$0x2] =	stream.indirect.gather [hbm4b:s3+s7], $0x80, s14, s7, $0xb8;
	[tilespmem:$0x19900] =	vst v63  }
0x14c: {  	_ =	swait.ge [sflag:s12], $0x8000  }
0x14d: {  	[sflag:s12] =	ssyncset.done $0x0  }
0x14e: {  	s14 =	rddreg [dreg:$0xd];
	[sflag:s12] =	ssyncadd.s32 $0xFFFF8000  }
0x14f: {  	[hbm4b:s14+s2] =	stream.linear.scatter [tilespmem:s8], [sflag:$0x7], $0x8000, $0x38;
	[tilespmem:$0x19900] =	vst v63  }
0x150: {  	_ =	swait.ge [sflag:s9], $0x8000  }
0x151: {  	[sflag:s9] =	ssyncset.done $0x0  }
0x152: {  	[sflag:s9] =	ssyncadd.s32 $0xFFFF8000  }
0x153: {  	[tilespmem:s11], [sflag:$0x3] =	stream.indirect.gather [hbm4b:s3+s7], $0x80, s30, s7, $0xb8;
	[tilespmem:$0x19900] =	vst v63  }
0x154: {  	_ =	swait.ge [sflag:s6], $0x8000  }
0x155: {  	[sflag:s6] =	ssyncset.done $0x0  }
0x156: {  	s14 =	rddreg [dreg:$0xe];
	[sflag:s6] =	ssyncadd.s32 $0xFFFF8000  }
0x157: {  	[hbm4b:s14+s2] =	stream.linear.scatter [tilespmem:s4], [sflag:$0x5], $0x8000, $0x38;
	[tilespmem:$0x19900] =	vst v63  }
0x158: {  	_ =	swait.ge [sflag:s10], $0x8000  }
0x159: {  	[sflag:s10] =	ssyncset.done $0x0  }
0x15a: {  	[sflag:s10] =	ssyncadd.s32 $0xFFFF8000  }
0x15b: {  	[tilespmem:s8], [sflag:$0x4] =	stream.indirect.gather [hbm4b:s3+s7], $0x80, s29, s7, $0xb8;
	[tilespmem:$0x19900] =	vst v63  }
0x15c: {  	_ =	swait.ge [sflag:s13], $0x8000  }
0x15d: {  	[sflag:s13] =	ssyncset.done $0x0  }
0x15e: {  	s14 =	rddreg [dreg:$0xf];
	[sflag:s13] =	ssyncadd.s32 $0xFFFF8000  }
0x15f: {  	[hbm4b:s14+s2] =	stream.linear.scatter [tilespmem:s11], [sflag:$0x6], $0x8000, $0x38;
	[tilespmem:$0x19900] =	vst v63  }
0x160: {  	_ =	swait.ge [sflag:s5], $0x8000  }
0x161: {  	[sflag:s5] =	ssyncset.done $0x0  }
0x162: {  	[sflag:s5] =	ssyncadd.s32 $0xFFFF8000  }
0x163: {  	[tilespmem:s4], [sflag:$0x2] =	stream.indirect.gather [hbm4b:s3+s7], $0x80, s28, s7, $0xb8;
	[tilespmem:$0x19900] =	vst v63  }
0x164: {  	_ =	swait.ge [sflag:s12], $0x8000  }
0x165: {  	[sflag:s12] =	ssyncset.done $0x0  }
0x166: {  	s14 =	rddreg [dreg:$0x10];
	[sflag:s12] =	ssyncadd.s32 $0xFFFF8000  }
0x167: {  	[hbm4b:s14+s2] =	stream.linear.scatter [tilespmem:s8], [sflag:$0x7], $0x8000, $0x38;
	[tilespmem:$0x19900] =	vst v63  }
0x168: {  	_ =	swait.ge [sflag:s9], $0x8000  }
0x169: {  	[sflag:s9] =	ssyncset.done $0x0  }
0x16a: {  	[sflag:s9] =	ssyncadd.s32 $0xFFFF8000  }
0x16b: {  	[tilespmem:s11], [sflag:$0x3] =	stream.indirect.gather [hbm4b:s3+s7], $0x80, s26, s7, $0xb8;
	[tilespmem:$0x19900] =	vst v63  }
0x16c: {  	_ =	swait.ge [sflag:s6], $0x8000  }
0x16d: {  	[sflag:s6] =	ssyncset.done $0x0  }
0x16e: {  	s14 =	rddreg [dreg:$0x11];
	[sflag:s6] =	ssyncadd.s32 $0xFFFF8000  }
0x16f: {  	[hbm4b:s14+s2] =	stream.linear.scatter [tilespmem:s4], [sflag:$0x5], $0x8000, $0x38;
	[tilespmem:$0x19900] =	vst v63  }
0x170: {  	_ =	swait.ge [sflag:s10], $0x8000  }
0x171: {  	[sflag:s10] =	ssyncset.done $0x0  }
0x172: {  	[sflag:s10] =	ssyncadd.s32 $0xFFFF8000  }
0x173: {  	[tilespmem:s8], [sflag:$0x4] =	stream.indirect.gather [hbm4b:s3+s7], $0x80, s25, s7, $0xb8;
	[tilespmem:$0x19900] =	vst v63  }
0x174: {  	_ =	swait.ge [sflag:s13], $0x8000  }
0x175: {  	[sflag:s13] =	ssyncset.done $0x0  }
0x176: {  	s14 =	rddreg [dreg:$0x12];
	[sflag:s13] =	ssyncadd.s32 $0xFFFF8000  }
0x177: {  	[hbm4b:s14+s2] =	stream.linear.scatter [tilespmem:s11], [sflag:$0x6], $0x8000, $0x38;
	[tilespmem:$0x19900] =	vst v63  }
0x178: {  	_ =	swait.ge [sflag:s5], $0x8000  }
0x179: {  	[sflag:s5] =	ssyncset.done $0x0  }
0x17a: {  	[sflag:s5] =	ssyncadd.s32 $0xFFFF8000  }
0x17b: {  	[tilespmem:s4], [sflag:$0x2] =	stream.indirect.gather [hbm4b:s3+s7], $0x80, s24, s7, $0xb8;
	[tilespmem:$0x19900] =	vst v63  }
0x17c: {  	_ =	swait.ge [sflag:s12], $0x8000  }
0x17d: {  	[sflag:s12] =	ssyncset.done $0x0  }
0x17e: {  	s14 =	rddreg [dreg:$0x13];
	[sflag:s12] =	ssyncadd.s32 $0xFFFF8000  }
0x17f: {  	[hbm4b:s14+s2] =	stream.linear.scatter [tilespmem:s8], [sflag:$0x7], $0x8000, $0x38;
	[tilespmem:$0x19900] =	vst v63  }
0x180: {  	_ =	swait.ge [sflag:s9], $0x8000  }
0x181: {  	[sflag:s9] =	ssyncset.done $0x0  }
0x182: {  	[sflag:s9] =	ssyncadd.s32 $0xFFFF8000  }
0x183: {  	[tilespmem:s11], [sflag:$0x3] =	stream.indirect.gather [hbm4b:s3+s7], $0x80, s23, s7, $0xb8;
	[tilespmem:$0x19900] =	vst v63  }
0x184: {  	_ =	swait.ge [sflag:s6], $0x8000  }
0x185: {  	[sflag:s6] =	ssyncset.done $0x0  }
0x186: {  	s14 =	rddreg [dreg:$0x14];
	[sflag:s6] =	ssyncadd.s32 $0xFFFF8000  }
0x187: {  	[hbm4b:s14+s2] =	stream.linear.scatter [tilespmem:s4], [sflag:$0x5], $0x8000, $0x38;
	[tilespmem:$0x19900] =	vst v63  }
0x188: {  	_ =	swait.ge [sflag:s10], $0x8000  }
0x189: {  	[sflag:s10] =	ssyncset.done $0x0  }
0x18a: {  	[sflag:s10] =	ssyncadd.s32 $0xFFFF8000  }
0x18b: {  	[tilespmem:s8], [sflag:$0x4] =	stream.indirect.gather [hbm4b:s3+s7], $0x80, s22, s7, $0xb8;
	[tilespmem:$0x19900] =	vst v63  }
0x18c: {  	_ =	swait.ge [sflag:s13], $0x8000  }
0x18d: {  	[sflag:s13] =	ssyncset.done $0x0  }
0x18e: {  	s14 =	rddreg [dreg:$0x15];
	[sflag:s13] =	ssyncadd.s32 $0xFFFF8000  }
0x18f: {  	[hbm4b:s14+s2] =	stream.linear.scatter [tilespmem:s11], [sflag:$0x6], $0x8000, $0x38;
	[tilespmem:$0x19900] =	vst v63  }
0x190: {  	_ =	swait.ge [sflag:s5], $0x8000  }
0x191: {  	[sflag:s5] =	ssyncset.done $0x0  }
0x192: {  	[sflag:s5] =	ssyncadd.s32 $0xFFFF8000  }
0x193: {  	[tilespmem:s4], [sflag:$0x2] =	stream.indirect.gather [hbm4b:s3+s7], $0x80, s21, s7, $0xb8;
	[tilespmem:$0x19900] =	vst v63  }
0x194: {  	_ =	swait.ge [sflag:s12], $0x8000  }
0x195: {  	[sflag:s12] =	ssyncset.done $0x0  }
0x196: {  	s14 =	rddreg [dreg:$0x16];
	[sflag:s12] =	ssyncadd.s32 $0xFFFF8000  }
0x197: {  	[hbm4b:s14+s2] =	stream.linear.scatter [tilespmem:s8], [sflag:$0x7], $0x8000, $0x38;
	[tilespmem:$0x19900] =	vst v63  }
0x198: {  	_ =	swait.ge [sflag:s9], $0x8000  }
0x199: {  	[sflag:s9] =	ssyncset.done $0x0  }
0x19a: {  	[sflag:s9] =	ssyncadd.s32 $0xFFFF8000  }
0x19b: {  	[tilespmem:s11], [sflag:$0x3] =	stream.indirect.gather [hbm4b:s3+s7], $0x80, s20, s7, $0xb8;
	[tilespmem:$0x19900] =	vst v63  }
0x19c: {  	_ =	swait.ge [sflag:s6], $0x8000  }
0x19d: {  	[sflag:s6] =	ssyncset.done $0x0  }
0x19e: {  	s14 =	rddreg [dreg:$0x17];
	[sflag:s6] =	ssyncadd.s32 $0xFFFF8000  }
0x19f: {  	[hbm4b:s14+s2] =	stream.linear.scatter [tilespmem:s4], [sflag:$0x5], $0x8000, $0x38;
	[tilespmem:$0x19900] =	vst v63  }
0x1a0: {  	_ =	swait.ge [sflag:s10], $0x8000  }
0x1a1: {  	[sflag:s10] =	ssyncset.done $0x0  }
0x1a2: {  	[sflag:s10] =	ssyncadd.s32 $0xFFFF8000  }
0x1a3: {  	[tilespmem:s8], [sflag:$0x4] =	stream.indirect.gather [hbm4b:s3+s7], $0x80, s19, s7, $0xb8;
	[tilespmem:$0x19900] =	vst v63  }
0x1a4: {  	_ =	swait.ge [sflag:s13], $0x8000  }
0x1a5: {  	[sflag:s13] =	ssyncset.done $0x0  }
0x1a6: {  	s14 =	rddreg [dreg:$0x18];
	[sflag:s13] =	ssyncadd.s32 $0xFFFF8000  }
0x1a7: {  	[hbm4b:s14+s2] =	stream.linear.scatter [tilespmem:s11], [sflag:$0x6], $0x8000, $0x38;
	[tilespmem:$0x19900] =	vst v63  }
0x1a8: {  	_ =	swait.ge [sflag:s5], $0x8000  }
0x1a9: {  	[sflag:s5] =	ssyncset.done $0x0  }
0x1aa: {  	[sflag:s5] =	ssyncadd.s32 $0xFFFF8000  }
0x1ab: {  	[tilespmem:s4], [sflag:$0x2] =	stream.indirect.gather [hbm4b:s3+s7], $0x80, s18, s7, $0xb8;
	[tilespmem:$0x19900] =	vst v63  }
0x1ac: {  	_ =	swait.ge [sflag:s12], $0x8000  }
0x1ad: {  	[sflag:s12] =	ssyncset.done $0x0  }
0x1ae: {  	s14 =	rddreg [dreg:$0x19];
	[sflag:s12] =	ssyncadd.s32 $0xFFFF8000  }
0x1af: {  	[hbm4b:s14+s2] =	stream.linear.scatter [tilespmem:s8], [sflag:$0x7], $0x8000, $0x38;
	[tilespmem:$0x19900] =	vst v63  }
0x1b0: {  	_ =	swait.ge [sflag:s9], $0x8000  }
0x1b1: {  	[sflag:s9] =	ssyncset.done $0x0  }
0x1b2: {  	[sflag:s9] =	ssyncadd.s32 $0xFFFF8000  }
0x1b3: {  	[tilespmem:s11], [sflag:$0x3] =	stream.indirect.gather [hbm4b:s3+s7], $0x80, s17, s7, $0xb8;
	[tilespmem:$0x19900] =	vst v63  }
0x1b4: {  	_ =	swait.ge [sflag:s6], $0x8000  }
0x1b5: {  	[sflag:s6] =	ssyncset.done $0x0  }
0x1b6: {  	s14 =	rddreg [dreg:$0x1a];
	[sflag:s6] =	ssyncadd.s32 $0xFFFF8000  }
0x1b7: {  	[hbm4b:s14+s2] =	stream.linear.scatter [tilespmem:s4], [sflag:$0x5], $0x8000, $0x38;
	[tilespmem:$0x19900] =	vst v63  }
0x1b8: {  	_ =	swait.ge [sflag:s10], $0x8000  }
0x1b9: {  	[sflag:s10] =	ssyncset.done $0x0  }
0x1ba: {  	[sflag:s10] =	ssyncadd.s32 $0xFFFF8000  }
0x1bb: {  	[tilespmem:s8], [sflag:$0x4] =	stream.indirect.gather [hbm4b:s3+s7], $0x80, s16, s7, $0xb8;
	[tilespmem:$0x19900] =	vst v63  }
0x1bc: {  	_ =	swait.ge [sflag:s13], $0x8000  }
0x1bd: {  	[sflag:s13] =	ssyncset.done $0x0  }
0x1be: {  	s14 =	rddreg [dreg:$0x1b];
	[sflag:s13] =	ssyncadd.s32 $0xFFFF8000  }
0x1bf: {  	[hbm4b:s14+s2] =	stream.linear.scatter [tilespmem:s11], [sflag:$0x6], $0x8000, $0x38;
	[tilespmem:$0x19900] =	vst v63  }
0x1c0: {  	_ =	swait.ge [sflag:s5], $0x8000  }
0x1c1: {  	[sflag:s5] =	ssyncset.done $0x0  }
0x1c2: {  	[sflag:s5] =	ssyncadd.s32 $0xFFFF8000  }
0x1c3: {  	[tilespmem:s4], [sflag:$0x2] =	stream.indirect.gather [hbm4b:s3+s7], $0x80, s15, s7, $0xb8;
	[tilespmem:$0x19900] =	vst v63  }
0x1c4: {  	_ =	swait.ge [sflag:s12], $0x8000  }
0x1c5: {  	[sflag:s12] =	ssyncset.done $0x0  }
0x1c6: {  	s14 =	rddreg [dreg:$0x1c];
	[sflag:s12] =	ssyncadd.s32 $0xFFFF8000  }
0x1c7: {  	[hbm4b:s14+s2] =	stream.linear.scatter [tilespmem:s8], [sflag:$0x7], $0x8000, $0x38;
	[tilespmem:$0x19900] =	vst v63  }
0x1c8: {  	_ =	swait.ge [sflag:s6], $0x8000  }
0x1c9: {  	[sflag:s6] =	ssyncset.done $0x0  }
0x1ca: {  	s14 =	rddreg [dreg:$0x1d];
	[sflag:s6] =	ssyncadd.s32 $0xFFFF8000  }
0x1cb: {  	[hbm4b:s14+s2] =	stream.linear.scatter [tilespmem:s4], [sflag:$0x5], $0x8000, $0x38;
	[tilespmem:$0x19900] =	vst v63  }
0x1cc: {  	_ =	swait.ge [sflag:s9], $0x8000  }
0x1cd: {  	[sflag:s9] =	ssyncset.done $0x0  }
0x1ce: {  	p1 =	sne.s32 s1, $0x1;
	[sflag:s9] =	ssyncadd.s32 $0xFFFF8000  }
.Ltmp2:
0x1cf: {  	_ =	swait.ge [sflag:s10], $0x8000;
	(pc) =	sbr.rel @p1 .LBB2_4-.Ltmp2, $4  }
0x1d0: {  	[sflag:s10] =	ssyncset.done $0x0  }
0x1d1: {  	[sflag:s10] =	ssyncadd.s32 $0xFFFF8000  }
0x1d2: {  	_ =	swait.ge [sflag:s5], $0x8000  }
0x1d3: {  	s1 =	sadd.s32 $0xFFFFFFFF, s1;
	s0 =	rddreg [dreg:$0x4];
	[sflag:s5] =	ssyncset.done $0x0  }
0x1d4: {  	s15 =	simm.s32 $0x900  }
0x1d5: {  	s30 =	simm.s32 $0xA00;
	s29 =	simm.s32 $0xB00;
	s28 =	simm.s32 $0xC00  }
0x1d6: {  	s26 =	simm.s32 $0xD00;
	s25 =	simm.s32 $0xE00;
	s24 =	simm.s32 $0xF00  }
0x1d7: {  	s23 =	simm.s32 $0x1000;
	s22 =	simm.s32 $0x1100;
	s21 =	simm.s32 $0x1200  }
0x1d8: {  	s20 =	simm.s32 $0x1300;
	s19 =	simm.s32 $0x1400;
	s18 =	simm.s32 $0x1500  }
0x1d9: {  	s17 =	simm.s32 $0x1600;
	s16 =	simm.s32 $0x1700;
	s14 =	stileid.u32  }
.LBB2_6:
0x1da: {  	[sflag:s5] =	ssyncadd.s32 @p0 $0xFFFF8000  }
0x1db: {  	[tilespmem:s2], [sflag:$0x1] =	stream.linear.gather [hbm4b:s0+s2], $0x1900, $0x38;
	[tilespmem:$0x19900] =	vst v63  }
0x1dc: {  	_ =	swait.ge [sflag:s31], $0x1900  }
0x1dd: {  	[sflag:s31] =	ssyncset.done $0x0  }
0x1de: {  	[sflag:s31] =	ssyncadd.s32 $0xFFFFE700  }
0x1df: {  	[tilespmem:s4], [sflag:$0x2] =	stream.indirect.gather [hbm4b:s3+s7], $0x80, s2, s7, $0xb8;
	[tilespmem:$0x19900] =	vst v63  }
0x1e0: {  	_ = 	snop  }
0x1e1: {  	[tilespmem:s11], [sflag:$0x3] =	stream.indirect.gather [hbm4b:s3+s7], $0x80, s7, s7, $0xb8;
	[tilespmem:$0x19900] =	vst v63  }
0x1e2: {  	_ =	swait.ge [sflag:s6], $0x8000  }
0x1e3: {  	[sflag:s6] =	ssyncset.done $0x0  }
0x1e4: {  	s31 =	rddreg [dreg:$0x5];
	[sflag:s6] =	ssyncadd.s32 $0xFFFF8000  }
0x1e5: {  	[hbm4b:s31+s2] =	stream.linear.scatter [tilespmem:s4], [sflag:$0x5], $0x8000, $0x38;
	[tilespmem:$0x19900] =	vst v63  }
0x1e6: {  	s1 =	rddreg [dreg:$0x1e]  }
0x1e7: {  	[tilespmem:s8], [sflag:$0x4] =	stream.indirect.gather [hbm4b:s3+s7], $0x80, s1, s7, $0xb8;
	[tilespmem:$0x19900] =	vst v63  }
0x1e8: {  	_ =	swait.ge [sflag:s13], $0x8000  }
0x1e9: {  	[sflag:s13] =	ssyncset.done $0x0  }
0x1ea: {  	s1 =	rddreg [dreg:$0x6];
	[sflag:s13] =	ssyncadd.s32 $0xFFFF8000  }
0x1eb: {  	[hbm4b:s1+s2] =	stream.linear.scatter [tilespmem:s11], [sflag:$0x6], $0x8000, $0x38;
	[tilespmem:$0x19900] =	vst v63  }
0x1ec: {  	_ =	swait.ge [sflag:s5], $0x8000  }
0x1ed: {  	[sflag:s5] =	ssyncset.done $0x0  }
0x1ee: {  	s31 =	rddreg [dreg:$0x1f];
	[sflag:s5] =	ssyncadd.s32 $0xFFFF8000  }
0x1ef: {  	[tilespmem:s4], [sflag:$0x2] =	stream.indirect.gather [hbm4b:s3+s7], $0x80, s31, s7, $0xb8;
	[tilespmem:$0x19900] =	vst v63  }
0x1f0: {  	_ =	swait.ge [sflag:s12], $0x8000  }
0x1f1: {  	[sflag:s12] =	ssyncset.done $0x0  }
0x1f2: {  	s1 =	rddreg [dreg:$0x7];
	[sflag:s12] =	ssyncadd.s32 $0xFFFF8000  }
0x1f3: {  	[hbm4b:s1+s2] =	stream.linear.scatter [tilespmem:s8], [sflag:$0x7], $0x8000, $0x38;
	[tilespmem:$0x19900] =	vst v63  }
0x1f4: {  	_ =	swait.ge [sflag:s9], $0x8000  }
0x1f5: {  	s31 =	sld [smem:$0x7F9]  }
0x1f6: {  	[sflag:s9] =	ssyncset.done $0x0  }
0x1f7: {  	[sflag:s9] =	ssyncadd.s32 $0xFFFF8000  }
0x1f8: {  	[tilespmem:s11], [sflag:$0x3] =	stream.indirect.gather [hbm4b:s3+s7], $0x80, s31, s7, $0xb8;
	[tilespmem:$0x19900] =	vst v63  }
0x1f9: {  	_ =	swait.ge [sflag:s6], $0x8000  }
0x1fa: {  	[sflag:s6] =	ssyncset.done $0x0  }
0x1fb: {  	s1 =	rddreg [dreg:$0x8];
	[sflag:s6] =	ssyncadd.s32 $0xFFFF8000  }
0x1fc: {  	[hbm4b:s1+s2] =	stream.linear.scatter [tilespmem:s4], [sflag:$0x5], $0x8000, $0x38;
	[tilespmem:$0x19900] =	vst v63  }
0x1fd: {  	_ =	swait.ge [sflag:s10], $0x8000  }
0x1fe: {  	s31 =	sld [smem:$0x7FA]  }
0x1ff: {  	[sflag:s10] =	ssyncset.done $0x0  }
0x200: {  	[sflag:s10] =	ssyncadd.s32 $0xFFFF8000  }
0x201: {  	[tilespmem:s8], [sflag:$0x4] =	stream.indirect.gather [hbm4b:s3+s7], $0x80, s31, s7, $0xb8;
	[tilespmem:$0x19900] =	vst v63  }
0x202: {  	_ =	swait.ge [sflag:s13], $0x8000  }
0x203: {  	[sflag:s13] =	ssyncset.done $0x0  }
0x204: {  	s1 =	rddreg [dreg:$0x9];
	[sflag:s13] =	ssyncadd.s32 $0xFFFF8000  }
0x205: {  	[hbm4b:s1+s2] =	stream.linear.scatter [tilespmem:s11], [sflag:$0x6], $0x8000, $0x38;
	[tilespmem:$0x19900] =	vst v63  }
0x206: {  	_ =	swait.ge [sflag:s5], $0x8000  }
0x207: {  	s31 =	sld [smem:$0x7FB]  }
0x208: {  	[sflag:s5] =	ssyncset.done $0x0  }
0x209: {  	[sflag:s5] =	ssyncadd.s32 $0xFFFF8000  }
0x20a: {  	[tilespmem:s4], [sflag:$0x2] =	stream.indirect.gather [hbm4b:s3+s7], $0x80, s31, s7, $0xb8;
	[tilespmem:$0x19900] =	vst v63  }
0x20b: {  	_ =	swait.ge [sflag:s12], $0x8000  }
0x20c: {  	[sflag:s12] =	ssyncset.done $0x0  }
0x20d: {  	s1 =	rddreg [dreg:$0xa];
	[sflag:s12] =	ssyncadd.s32 $0xFFFF8000  }
0x20e: {  	[hbm4b:s1+s2] =	stream.linear.scatter [tilespmem:s8], [sflag:$0x7], $0x8000, $0x38;
	[tilespmem:$0x19900] =	vst v63  }
0x20f: {  	_ =	swait.ge [sflag:s9], $0x8000  }
0x210: {  	s31 =	sld [smem:$0x7FC]  }
0x211: {  	[sflag:s9] =	ssyncset.done $0x0  }
0x212: {  	[sflag:s9] =	ssyncadd.s32 $0xFFFF8000  }
0x213: {  	[tilespmem:s11], [sflag:$0x3] =	stream.indirect.gather [hbm4b:s3+s7], $0x80, s31, s7, $0xb8;
	[tilespmem:$0x19900] =	vst v63  }
0x214: {  	_ =	swait.ge [sflag:s6], $0x8000  }
0x215: {  	[sflag:s6] =	ssyncset.done $0x0  }
0x216: {  	s1 =	rddreg [dreg:$0xb];
	[sflag:s6] =	ssyncadd.s32 $0xFFFF8000  }
0x217: {  	[hbm4b:s1+s2] =	stream.linear.scatter [tilespmem:s4], [sflag:$0x5], $0x8000, $0x38;
	[tilespmem:$0x19900] =	vst v63  }
0x218: {  	_ =	swait.ge [sflag:s10], $0x8000  }
0x219: {  	s31 =	sld [smem:$0x7FD]  }
0x21a: {  	[sflag:s10] =	ssyncset.done $0x0  }
0x21b: {  	[sflag:s10] =	ssyncadd.s32 $0xFFFF8000  }
0x21c: {  	[tilespmem:s8], [sflag:$0x4] =	stream.indirect.gather [hbm4b:s3+s7], $0x80, s31, s7, $0xb8;
	[tilespmem:$0x19900] =	vst v63  }
0x21d: {  	_ =	swait.ge [sflag:s13], $0x8000  }
0x21e: {  	[sflag:s13] =	ssyncset.done $0x0  }
0x21f: {  	s1 =	rddreg [dreg:$0xc];
	[sflag:s13] =	ssyncadd.s32 $0xFFFF8000  }
0x220: {  	[hbm4b:s1+s2] =	stream.linear.scatter [tilespmem:s11], [sflag:$0x6], $0x8000, $0x38;
	[tilespmem:$0x19900] =	vst v63  }
0x221: {  	_ =	swait.ge [sflag:s5], $0x8000  }
0x222: {  	[sflag:s5] =	ssyncset.done $0x0  }
0x223: {  	[sflag:s5] =	ssyncadd.s32 $0xFFFF8000  }
0x224: {  	[tilespmem:s4], [sflag:$0x2] =	stream.indirect.gather [hbm4b:s3+s7], $0x80, s15, s7, $0xb8;
	[tilespmem:$0x19900] =	vst v63  }
0x225: {  	_ =	swait.ge [sflag:s12], $0x8000  }
0x226: {  	[sflag:s12] =	ssyncset.done $0x0  }
0x227: {  	s31 =	rddreg [dreg:$0xd];
	[sflag:s12] =	ssyncadd.s32 $0xFFFF8000  }
0x228: {  	[hbm4b:s31+s2] =	stream.linear.scatter [tilespmem:s8], [sflag:$0x7], $0x8000, $0x38;
	[tilespmem:$0x19900] =	vst v63  }
0x229: {  	_ =	swait.ge [sflag:s9], $0x8000  }
0x22a: {  	[sflag:s9] =	ssyncset.done $0x0  }
0x22b: {  	[sflag:s9] =	ssyncadd.s32 $0xFFFF8000  }
0x22c: {  	[tilespmem:s11], [sflag:$0x3] =	stream.indirect.gather [hbm4b:s3+s7], $0x80, s30, s7, $0xb8;
	[tilespmem:$0x19900] =	vst v63  }
0x22d: {  	_ =	swait.ge [sflag:s6], $0x8000  }
0x22e: {  	[sflag:s6] =	ssyncset.done $0x0  }
0x22f: {  	s1 =	rddreg [dreg:$0xe];
	[sflag:s6] =	ssyncadd.s32 $0xFFFF8000  }
0x230: {  	[hbm4b:s1+s2] =	stream.linear.scatter [tilespmem:s4], [sflag:$0x5], $0x8000, $0x38;
	[tilespmem:$0x19900] =	vst v63  }
0x231: {  	_ =	swait.ge [sflag:s10], $0x8000  }
0x232: {  	[sflag:s10] =	ssyncset.done $0x0  }
0x233: {  	[sflag:s10] =	ssyncadd.s32 $0xFFFF8000  }
0x234: {  	[tilespmem:s8], [sflag:$0x4] =	stream.indirect.gather [hbm4b:s3+s7], $0x80, s29, s7, $0xb8;
	[tilespmem:$0x19900] =	vst v63  }
0x235: {  	_ =	swait.ge [sflag:s13], $0x8000  }
0x236: {  	[sflag:s13] =	ssyncset.done $0x0  }
0x237: {  	s15 =	rddreg [dreg:$0xf];
	[sflag:s13] =	ssyncadd.s32 $0xFFFF8000  }
0x238: {  	[hbm4b:s15+s2] =	stream.linear.scatter [tilespmem:s11], [sflag:$0x6], $0x8000, $0x38;
	[tilespmem:$0x19900] =	vst v63  }
0x239: {  	_ =	swait.ge [sflag:s5], $0x8000  }
0x23a: {  	[sflag:s5] =	ssyncset.done $0x0  }
0x23b: {  	[sflag:s5] =	ssyncadd.s32 $0xFFFF8000  }
0x23c: {  	[tilespmem:s4], [sflag:$0x2] =	stream.indirect.gather [hbm4b:s3+s7], $0x80, s28, s7, $0xb8;
	[tilespmem:$0x19900] =	vst v63  }
0x23d: {  	_ =	swait.ge [sflag:s12], $0x8000  }
0x23e: {  	[sflag:s12] =	ssyncset.done $0x0  }
0x23f: {  	s28 =	rddreg [dreg:$0x10];
	[sflag:s12] =	ssyncadd.s32 $0xFFFF8000  }
0x240: {  	[hbm4b:s28+s2] =	stream.linear.scatter [tilespmem:s8], [sflag:$0x7], $0x8000, $0x38;
	[tilespmem:$0x19900] =	vst v63  }
0x241: {  	_ =	swait.ge [sflag:s9], $0x8000  }
0x242: {  	[sflag:s9] =	ssyncset.done $0x0  }
0x243: {  	[sflag:s9] =	ssyncadd.s32 $0xFFFF8000  }
0x244: {  	[tilespmem:s11], [sflag:$0x3] =	stream.indirect.gather [hbm4b:s3+s7], $0x80, s26, s7, $0xb8;
	[tilespmem:$0x19900] =	vst v63  }
0x245: {  	_ =	swait.ge [sflag:s6], $0x8000  }
0x246: {  	[sflag:s6] =	ssyncset.done $0x0  }
0x247: {  	s29 =	rddreg [dreg:$0x11];
	[sflag:s6] =	ssyncadd.s32 $0xFFFF8000  }
0x248: {  	[hbm4b:s29+s2] =	stream.linear.scatter [tilespmem:s4], [sflag:$0x5], $0x8000, $0x38;
	[tilespmem:$0x19900] =	vst v63  }
0x249: {  	_ =	swait.ge [sflag:s10], $0x8000  }
0x24a: {  	[sflag:s10] =	ssyncset.done $0x0  }
0x24b: {  	[sflag:s10] =	ssyncadd.s32 $0xFFFF8000  }
0x24c: {  	[tilespmem:s8], [sflag:$0x4] =	stream.indirect.gather [hbm4b:s3+s7], $0x80, s25, s7, $0xb8;
	[tilespmem:$0x19900] =	vst v63  }
0x24d: {  	_ =	swait.ge [sflag:s13], $0x8000  }
0x24e: {  	[sflag:s13] =	ssyncset.done $0x0  }
0x24f: {  	s30 =	rddreg [dreg:$0x12];
	[sflag:s13] =	ssyncadd.s32 $0xFFFF8000  }
0x250: {  	[hbm4b:s30+s2] =	stream.linear.scatter [tilespmem:s11], [sflag:$0x6], $0x8000, $0x38;
	[tilespmem:$0x19900] =	vst v63  }
0x251: {  	_ =	swait.ge [sflag:s5], $0x8000  }
0x252: {  	[sflag:s5] =	ssyncset.done $0x0  }
0x253: {  	[sflag:s5] =	ssyncadd.s32 $0xFFFF8000  }
0x254: {  	[tilespmem:s4], [sflag:$0x2] =	stream.indirect.gather [hbm4b:s3+s7], $0x80, s24, s7, $0xb8;
	[tilespmem:$0x19900] =	vst v63  }
0x255: {  	_ =	swait.ge [sflag:s12], $0x8000  }
0x256: {  	[sflag:s12] =	ssyncset.done $0x0  }
0x257: {  	s31 =	rddreg [dreg:$0x13];
	[sflag:s12] =	ssyncadd.s32 $0xFFFF8000  }
0x258: {  	[hbm4b:s31+s2] =	stream.linear.scatter [tilespmem:s8], [sflag:$0x7], $0x8000, $0x38;
	[tilespmem:$0x19900] =	vst v63  }
0x259: {  	_ =	swait.ge [sflag:s9], $0x8000  }
0x25a: {  	[sflag:s9] =	ssyncset.done $0x0  }
0x25b: {  	[sflag:s9] =	ssyncadd.s32 $0xFFFF8000  }
0x25c: {  	[tilespmem:s11], [sflag:$0x3] =	stream.indirect.gather [hbm4b:s3+s7], $0x80, s23, s7, $0xb8;
	[tilespmem:$0x19900] =	vst v63  }
0x25d: {  	_ =	swait.ge [sflag:s6], $0x8000  }
0x25e: {  	[sflag:s6] =	ssyncset.done $0x0  }
0x25f: {  	s1 =	rddreg [dreg:$0x14];
	[sflag:s6] =	ssyncadd.s32 $0xFFFF8000  }
0x260: {  	[hbm4b:s1+s2] =	stream.linear.scatter [tilespmem:s4], [sflag:$0x5], $0x8000, $0x38;
	[tilespmem:$0x19900] =	vst v63  }
0x261: {  	_ =	swait.ge [sflag:s10], $0x8000  }
0x262: {  	[sflag:s10] =	ssyncset.done $0x0  }
0x263: {  	[sflag:s10] =	ssyncadd.s32 $0xFFFF8000  }
0x264: {  	[tilespmem:s8], [sflag:$0x4] =	stream.indirect.gather [hbm4b:s3+s7], $0x80, s22, s7, $0xb8;
	[tilespmem:$0x19900] =	vst v63  }
0x265: {  	_ =	swait.ge [sflag:s13], $0x8000  }
0x266: {  	[sflag:s13] =	ssyncset.done $0x0  }
0x267: {  	s15 =	rddreg [dreg:$0x15];
	[sflag:s13] =	ssyncadd.s32 $0xFFFF8000  }
0x268: {  	[hbm4b:s15+s2] =	stream.linear.scatter [tilespmem:s11], [sflag:$0x6], $0x8000, $0x38;
	[tilespmem:$0x19900] =	vst v63  }
0x269: {  	_ =	swait.ge [sflag:s5], $0x8000  }
0x26a: {  	[sflag:s5] =	ssyncset.done $0x0  }
0x26b: {  	[sflag:s5] =	ssyncadd.s32 $0xFFFF8000  }
0x26c: {  	[tilespmem:s4], [sflag:$0x2] =	stream.indirect.gather [hbm4b:s3+s7], $0x80, s21, s7, $0xb8;
	[tilespmem:$0x19900] =	vst v63  }
0x26d: {  	_ =	swait.ge [sflag:s12], $0x8000  }
0x26e: {  	[sflag:s12] =	ssyncset.done $0x0  }
0x26f: {  	s22 =	rddreg [dreg:$0x16];
	[sflag:s12] =	ssyncadd.s32 $0xFFFF8000  }
0x270: {  	[hbm4b:s22+s2] =	stream.linear.scatter [tilespmem:s8], [sflag:$0x7], $0x8000, $0x38;
	[tilespmem:$0x19900] =	vst v63  }
0x271: {  	_ =	swait.ge [sflag:s9], $0x8000  }
0x272: {  	[sflag:s9] =	ssyncset.done $0x0  }
0x273: {  	[sflag:s9] =	ssyncadd.s32 $0xFFFF8000  }
0x274: {  	[tilespmem:s11], [sflag:$0x3] =	stream.indirect.gather [hbm4b:s3+s7], $0x80, s20, s7, $0xb8;
	[tilespmem:$0x19900] =	vst v63  }
0x275: {  	_ =	swait.ge [sflag:s6], $0x8000  }
0x276: {  	[sflag:s6] =	ssyncset.done $0x0  }
0x277: {  	s23 =	rddreg [dreg:$0x17];
	[sflag:s6] =	ssyncadd.s32 $0xFFFF8000  }
0x278: {  	[hbm4b:s23+s2] =	stream.linear.scatter [tilespmem:s4], [sflag:$0x5], $0x8000, $0x38;
	[tilespmem:$0x19900] =	vst v63  }
0x279: {  	_ =	swait.ge [sflag:s10], $0x8000  }
0x27a: {  	[sflag:s10] =	ssyncset.done $0x0  }
0x27b: {  	[sflag:s10] =	ssyncadd.s32 $0xFFFF8000  }
0x27c: {  	[tilespmem:s8], [sflag:$0x4] =	stream.indirect.gather [hbm4b:s3+s7], $0x80, s19, s7, $0xb8;
	[tilespmem:$0x19900] =	vst v63  }
0x27d: {  	_ =	swait.ge [sflag:s13], $0x8000  }
0x27e: {  	[sflag:s13] =	ssyncset.done $0x0  }
0x27f: {  	s24 =	rddreg [dreg:$0x18];
	[sflag:s13] =	ssyncadd.s32 $0xFFFF8000  }
0x280: {  	[hbm4b:s24+s2] =	stream.linear.scatter [tilespmem:s11], [sflag:$0x6], $0x8000, $0x38;
	[tilespmem:$0x19900] =	vst v63  }
0x281: {  	_ =	swait.ge [sflag:s5], $0x8000  }
0x282: {  	[sflag:s5] =	ssyncset.done $0x0  }
0x283: {  	[sflag:s5] =	ssyncadd.s32 $0xFFFF8000  }
0x284: {  	[tilespmem:s4], [sflag:$0x2] =	stream.indirect.gather [hbm4b:s3+s7], $0x80, s18, s7, $0xb8;
	[tilespmem:$0x19900] =	vst v63  }
0x285: {  	_ =	swait.ge [sflag:s12], $0x8000  }
0x286: {  	[sflag:s12] =	ssyncset.done $0x0  }
0x287: {  	s25 =	rddreg [dreg:$0x19];
	[sflag:s12] =	ssyncadd.s32 $0xFFFF8000  }
0x288: {  	[hbm4b:s25+s2] =	stream.linear.scatter [tilespmem:s8], [sflag:$0x7], $0x8000, $0x38;
	[tilespmem:$0x19900] =	vst v63  }
0x289: {  	_ =	swait.ge [sflag:s9], $0x8000  }
0x28a: {  	[sflag:s9] =	ssyncset.done $0x0  }
0x28b: {  	[sflag:s9] =	ssyncadd.s32 $0xFFFF8000  }
0x28c: {  	[tilespmem:s11], [sflag:$0x3] =	stream.indirect.gather [hbm4b:s3+s7], $0x80, s17, s7, $0xb8;
	[tilespmem:$0x19900] =	vst v63  }
0x28d: {  	_ =	swait.ge [sflag:s6], $0x8000  }
0x28e: {  	[sflag:s6] =	ssyncset.done $0x0  }
0x28f: {  	s26 =	rddreg [dreg:$0x1a];
	[sflag:s6] =	ssyncadd.s32 $0xFFFF8000  }
0x290: {  	[hbm4b:s26+s2] =	stream.linear.scatter [tilespmem:s4], [sflag:$0x5], $0x8000, $0x38;
	[tilespmem:$0x19900] =	vst v63  }
0x291: {  	_ =	swait.ge [sflag:s10], $0x8000  }
0x292: {  	[sflag:s10] =	ssyncset.done $0x0  }
0x293: {  	[sflag:s10] =	ssyncadd.s32 $0xFFFF8000  }
0x294: {  	[tilespmem:s8], [sflag:$0x4] =	stream.indirect.gather [hbm4b:s3+s7], $0x80, s16, s7, $0xb8;
	[tilespmem:$0x19900] =	vst v63  }
0x295: {  	_ =	swait.ge [sflag:s13], $0x8000  }
0x296: {  	[sflag:s13] =	ssyncset.done $0x0  }
0x297: {  	s28 =	rddreg [dreg:$0x1b];
	[sflag:s13] =	ssyncadd.s32 $0xFFFF8000  }
0x298: {  	[hbm4b:s28+s2] =	stream.linear.scatter [tilespmem:s11], [sflag:$0x6], $0x8000, $0x38;
	[tilespmem:$0x19900] =	vst v63  }
0x299: {  	_ =	swait.ge [sflag:s5], $0x8000  }
0x29a: {  	[sflag:s5] =	ssyncset.done $0x0  }
0x29b: {  	s29 =	simm.s32 $0x1800;
	[sflag:s5] =	ssyncadd.s32 $0xFFFF8000  }
0x29c: {  	[tilespmem:s4], [sflag:$0x2] =	stream.indirect.gather [hbm4b:s3+s7], $0x80, s29, s7, $0xb8;
	[tilespmem:$0x19900] =	vst v63  }
0x29d: {  	_ =	swait.ge [sflag:s12], $0x8000  }
0x29e: {  	[sflag:s12] =	ssyncset.done $0x0  }
0x29f: {  	s30 =	rddreg [dreg:$0x1c];
	[sflag:s12] =	ssyncadd.s32 $0xFFFF8000  }
0x2a0: {  	[hbm4b:s30+s2] =	stream.linear.scatter [tilespmem:s8], [sflag:$0x7], $0x8000, $0x38;
	[tilespmem:$0x19900] =	vst v63  }
0x2a1: {  	_ =	swait.ge [sflag:s6], $0x8000  }
0x2a2: {  	[sflag:s6] =	ssyncset.done $0x0  }
0x2a3: {  	s31 =	rddreg [dreg:$0x1d];
	[sflag:s6] =	ssyncadd.s32 $0xFFFF8000  }
0x2a4: {  	[hbm4b:s31+s2] =	stream.linear.scatter [tilespmem:s4], [sflag:$0x5], $0x8000, $0x38;
	[tilespmem:$0x19900] =	vst v63  }
0x2a5: {  	_ =	swait.ge [sflag:s9], $0x8000  }
0x2a6: {  	[sflag:s9] =	ssyncset.done $0x0  }
0x2a7: {  	[sflag:s9] =	ssyncadd.s32 $0xFFFF8000  }
0x2a8: {  	_ =	swait.ge [sflag:s10], $0x8000  }
0x2a9: {  	[sflag:s10] =	ssyncset.done $0x0  }
0x2aa: {  	[sflag:s10] =	ssyncadd.s32 $0xFFFF8000  }
0x2ab: {  	_ =	swait.ge [sflag:s5], $0x8000  }
0x2ac: {  	[sflag:s5] =	ssyncset.done $0x0  }
0x2ad: {  	[sflag:s5] =	ssyncadd.s32 $0xFFFF8000  }
0x2ae: {  	_ =	sfence.sel $0x180000  }
0x2af: {  	[bflag:$0x0] =	sbarrier.arrive $0xFFFF  }
0x2b0: {  	_ =	strace $0x90000047  }
0x2b1: {  	[bflag:$0x2] =	sbarrier.arrive $0xFFFF  }
0x2b2: {  	p0 =	sne.s32 s14, $0x0;
	s0 =	rddreg [dreg:$0x3]  }
0x2b3: {  	s0 =	sadd.s32 @!p0 $0x100000, s0  }
0x2b4: {  	[sflag:s0] =	ssyncadd.tile.s32 @!p0 $0x1;
	_ =	shalt  }
.LBB2_1:
0x2b5: {  	s15 =	simm.s32 $0x900  }
.Ltmp3:
0x2b6: {  	s30 =	simm.s32 $0xA00;
	s29 =	simm.s32 $0xB00;
	(pc) =	sbr.rel .LBB2_6-.Ltmp3, $4  }
0x2b7: {  	s28 =	simm.s32 $0xC00;
	s26 =	simm.s32 $0xD00;
	s25 =	simm.s32 $0xE00  }
0x2b8: {  	s24 =	simm.s32 $0xF00;
	s23 =	simm.s32 $0x1000;
	s22 =	simm.s32 $0x1100  }
0x2b9: {  	s21 =	simm.s32 $0x1200;
	s20 =	simm.s32 $0x1300;
	s19 =	simm.s32 $0x1400  }
0x2ba: {  	s18 =	simm.s32 $0x1500;
	s17 =	simm.s32 $0x1600;
	s16 =	simm.s32 $0x1700  }
.LBB2_3:
0x2bb: {  	s15 =	simm.s32 $0x900;
	s30 =	simm.s32 $0xA00  }
.Ltmp4:
0x2bc: {  	s29 =	simm.s32 $0xB00;
	s28 =	simm.s32 $0xC00;
	(pc) =	sbr.rel .LBB2_6-.Ltmp4, $4  }
0x2bd: {  	s26 =	simm.s32 $0xD00;
	s25 =	simm.s32 $0xE00;
	s24 =	simm.s32 $0xF00  }
0x2be: {  	s23 =	simm.s32 $0x1000;
	s22 =	simm.s32 $0x1100;
	s21 =	simm.s32 $0x1200  }
0x2bf: {  	s20 =	simm.s32 $0x1300;
	s19 =	simm.s32 $0x1400;
	s18 =	simm.s32 $0x1500  }
0x2c0: {  	s17 =	simm.s32 $0x1600;
	s16 =	simm.s32 $0x1700;
	s14 =	stileid.u32  }
.Lfunc_end2:
_tile_overlayer_lowered:
.L_overlay_start_2:
0x2c1: {  	(tag) =	ssettag $0x2  }
0x2c2: {  	s0 =	rddreg [dreg:$0x0];
	s2 =	stileid.u32  }
0x2c3: {  	s1 =	rddreg [dreg:$0x1];
	p0 =	sne.s32 s2, $0x0  }
0x2c4: {  	s3 =	rddreg [dreg:$0x2];
	[bflag:$0x3] =	sbarrier.arrive $0xFFFF;
	s2 =	simm.s32 @!p0 $0x1C08  }
0x2c5: {  	[timem:s3], [sflag:s2] =	dma.local @!p0 [hbm:s0], s1  }
0x2c6: {  	s0 =	simm.s32 @!p0 $0x8  }
0x2c7: {  	_ =	swait.ge @!p0 [sflag:s0], s1  }
0x2c8: {  	s1 =	ssub.s32 @!p0 $0x0, s1;
	[sflag:s0] =	ssyncset.done @!p0 $0x0  }
0x2c9: {  	[sflag:s0] =	ssyncadd.s32 @!p0 s1  }
0x2ca: {  	[bflag:$0x3] =	sbarrier.arrive $0xFFFF  }
0x2cb: {  	_ =	shalt  }

</sc_bundles>
